<compile_context>
chip_gen: v7x
topology: tpu7x:2x2x1
jax: 0.10.2.dev20260603
libtpu: 0.0.44.dev20260713+nightly
codegen_flags: <defaults>
</compile_context>

<pallas_src>
import jax
import jax.numpy as jnp
from jax import lax
from jax.experimental import pallas as pl
from jax.experimental.pallas import tpu as pltpu
from jax.experimental.pallas import tpu_sc as plsc

T = 2048
D = 1024
H = 1024
E = 8
EL = 16
NEG_SLOPE = 0.01

B = 512
NBLK = (T * 2) // B + E - 1
NSH = T // B
SH_OFF = NBLK * B

NC = 2
NS = 16
NW = NC * NS
TPT = T // NW
L = 16


def _rne16(v):
    return v + 0x7FFF + ((v >> 16) & 1)


def _pack(y):
    h = y.shape[1] // 2
    b = jax.lax.bitcast_convert_type(y, jnp.int32)
    lo = (_rne16(b[:, :h]) >> 16) & 0xFFFF
    hi = _rne16(b[:, h:]) & jnp.int32(-65536)
    return lo | hi


def _unpack(p):
    a = jax.lax.bitcast_convert_type(p << 16, jnp.float32)
    c = jax.lax.bitcast_convert_type(p & jnp.int32(-65536), jnp.float32)
    return jnp.concatenate([a, c], axis=1)


def _router_body(x_ref, Wr_ref, br_ref, noise_ref, w_ref,
                 rtr_ref, starts_ref, be_ref, nblk_ref, xbp_ref):
    xf = x_ref[...]
    xbp_ref[...] = _pack(xf)
    l8 = (jnp.dot(xf, Wr_ref[...], preferred_element_type=jnp.float32)
          + br_ref[...] + noise_ref[...])
    logits = jnp.concatenate(
        [l8, jnp.full((T, EL - E), -jnp.inf, jnp.float32)], axis=1)
    lane = lax.broadcasted_iota(jnp.int32, (T, EL), 1)
    v1 = jnp.max(logits, axis=-1, keepdims=True)
    i1 = jnp.min(jnp.where(logits == v1, lane, EL), axis=-1, keepdims=True)
    m1 = lane == i1
    l2 = jnp.where(m1, -jnp.inf, logits)
    v2 = jnp.max(l2, axis=-1, keepdims=True)
    i2 = jnp.min(jnp.where(l2 == v2, lane, EL), axis=-1, keepdims=True)
    m2 = lane == i2
    e2v = jnp.exp(v2 - v1)
    denom = 1.0 + e2v
    g1 = w_ref[1] / denom
    g2 = w_ref[1] * e2v / denom
    rtr_ref[...] = (jnp.where(lane == 0, i1.astype(jnp.float32), 0.0)
                    + jnp.where(lane == 1, i2.astype(jnp.float32), 0.0)
                    + jnp.where(lane == 2, g1, 0.0)
                    + jnp.where(lane == 3, g2, 0.0))
    oh = m1.astype(jnp.float32) + m2.astype(jnp.float32)
    ci = lax.broadcasted_iota(jnp.int32, (NW, T), 0)
    ti = lax.broadcasted_iota(jnp.int32, (NW, T), 1)
    csel = (ti // TPT == ci).astype(jnp.float32)
    histf = jnp.dot(csel, oh, preferred_element_type=jnp.float32)
    totf = jnp.sum(histf, axis=0, keepdims=True)
    nbf = jnp.floor((totf + (B - 1)) * (1.0 / B))
    ei = lax.broadcasted_iota(jnp.int32, (EL, EL), 0)
    ej = lax.broadcasted_iota(jnp.int32, (EL, EL), 1)
    ut = (ei <= ej).astype(jnp.float32)
    cum = jnp.dot(nbf, ut, preferred_element_type=jnp.float32)
    pstart = B * (cum - nbf)
    nblk_ref[...] = cum[:, E - 1:E].astype(jnp.int32)
    wi = lax.broadcasted_iota(jnp.int32, (NW, NW), 0)
    wj = lax.broadcasted_iota(jnp.int32, (NW, NW), 1)
    lt = (wj < wi).astype(jnp.float32)
    prefix = jnp.dot(lt, histf, preferred_element_type=jnp.float32)
    starts_ref[...] = (prefix + pstart).astype(jnp.int32)
    bi = lax.broadcasted_iota(jnp.int32, (16, EL), 0).astype(jnp.float32)
    bemask = jnp.where(lane[:16, :] < E, (cum <= bi).astype(jnp.float32), 0.0)
    be = jnp.sum(bemask, axis=-1, keepdims=True)
    be_ref[...] = jnp.minimum(be, float(E - 1)).astype(jnp.int32)


def _router(x, Wr, br, noise, w):
    full = lambda shape: pl.BlockSpec(shape, lambda: (0,) * len(shape))
    return pl.pallas_call(
        _router_body,
        in_specs=[full((T, D)), full((D, E)), full((1, E)), full((T, E)),
                  pl.BlockSpec(memory_space=pltpu.SMEM)],
        out_specs=[full((T, EL)), full((NW, EL)), full((16, 1)),
                   full((1, 1)), full((T, D // 2))],
        out_shape=[
            jax.ShapeDtypeStruct((T, EL), jnp.float32),
            jax.ShapeDtypeStruct((NW, EL), jnp.int32),
            jax.ShapeDtypeStruct((16, 1), jnp.int32),
            jax.ShapeDtypeStruct((1, 1), jnp.int32),
            jax.ShapeDtypeStruct((T, D // 2), jnp.int32),
        ],
    )(x, Wr, br, noise, w)


def _dispatch_body(x_hbm, e1_hbm, e2_hbm, starts_hbm,
                   xs_hbm, inv1_hbm, inv2_hbm,
                   x_v, e1_v, e2_v, srow_v, pos1_v, pos2_v, sem1, sem2):
    wid = lax.axis_index("s") * NC + lax.axis_index("c")
    base = wid * TPT
    pltpu.sync_copy(x_hbm.at[pl.ds(base, TPT)], x_v)
    pltpu.sync_copy(e1_hbm.at[pl.ds(base, TPT)], e1_v)
    pltpu.sync_copy(e2_hbm.at[pl.ds(base, TPT)], e2_v)
    pltpu.sync_copy(starts_hbm.at[pl.ds(wid, 1)], srow_v)
    srow = srow_v[0, :]
    elane = lax.iota(jnp.int32, L)

    zero = jnp.zeros((L,), jnp.int32)
    for k in range(TPT // L):
        pos1_v[pl.ds(k * L, L)] = zero
        pos2_v[pl.ds(k * L, L)] = zero

    for e in range(E):
        carry = jnp.sum(jnp.where(elane == e, srow, 0))
        for ev, pv in ((e1_v, pos1_v), (e2_v, pos2_v)):
            for k in range(TPT // L):
                ch = ev[pl.ds(k * L, L)]
                m = (ch == e).astype(jnp.int32)
                pc = plsc.cumsum(m)
                pos = (pc - m) + carry
                pv[pl.ds(k * L, L)] = pv[pl.ds(k * L, L)] + m * pos
                carry = carry + jnp.sum(m)

    pltpu.sync_copy(pos1_v, inv1_hbm.at[pl.ds(base, TPT)])
    pltpu.sync_copy(pos2_v, inv2_hbm.at[pl.ds(base, TPT)])
    c1 = pltpu.async_copy(x_v, xs_hbm.at[pos1_v], sem1)
    c2 = pltpu.async_copy(x_v, xs_hbm.at[pos2_v], sem2)
    c1.wait()
    c2.wait()


def _dispatch(x, e1, e2, starts):
    mesh = plsc.VectorSubcoreMesh(core_axis_name="c", subcore_axis_name="s")
    return pl.kernel(
        _dispatch_body,
        out_type=[
            jax.ShapeDtypeStruct((NBLK * B, D // 2), jnp.int32),
            jax.ShapeDtypeStruct((T,), jnp.int32),
            jax.ShapeDtypeStruct((T,), jnp.int32),
        ],
        mesh=mesh,
        scratch_types=[
            pltpu.VMEM((TPT, D // 2), jnp.int32),
            pltpu.VMEM((TPT,), jnp.int32),
            pltpu.VMEM((TPT,), jnp.int32),
            pltpu.VMEM((1, EL), jnp.int32),
            pltpu.VMEM((TPT,), jnp.int32),
            pltpu.VMEM((TPT,), jnp.int32),
            pltpu.SemaphoreType.DMA,
            pltpu.SemaphoreType.DMA,
        ],
        compiler_params=pltpu.CompilerParams(needs_layout_passes=False),
    )(x, e1, e2, starts)


def _experts_body(be_s, nblk_s, xs_ref, W1_ref, b1_ref, W2_ref,
                  b2_ref, ys_ref):
    b = pl.program_id(0)

    @pl.when(b < nblk_s[0])
    def _expert():
        h = (jnp.dot(_unpack(xs_ref[...]), W1_ref[0],
                     precision=lax.Precision.DEFAULT,
                     preferred_element_type=jnp.float32) + b1_ref[0])
        h = jnp.where(h > 0, h, NEG_SLOPE * h)
        y = (jnp.dot(h, W2_ref[0],
                     precision=lax.Precision.DEFAULT,
                     preferred_element_type=jnp.float32) + b2_ref[0])
        ys_ref[...] = _pack(y)


def _experts(be, nblk, xs, W1, b1, W2, b2):
    wmap = lambda b, be, nb: (be[jnp.minimum(b, NBLK)], 0, 0)
    grid_spec = pltpu.PrefetchScalarGridSpec(
        num_scalar_prefetch=2,
        grid=(NBLK,),
        in_specs=[
            pl.BlockSpec((B, D // 2), lambda b, be, nb: (b, 0)),
            pl.BlockSpec((1, D, H), wmap),
            pl.BlockSpec((1, 1, H), wmap),
            pl.BlockSpec((1, H, D), wmap),
            pl.BlockSpec((1, 1, D), wmap),
        ],
        out_specs=pl.BlockSpec((B, D // 2), lambda b, be, nb: (b, 0)),
    )
    return pl.pallas_call(
        _experts_body,
        grid_spec=grid_spec,
        out_shape=jax.ShapeDtypeStruct((NBLK * B, D // 2), jnp.int32),
        compiler_params=pltpu.CompilerParams(
            dimension_semantics=("arbitrary",)),
    )(be, nblk, xs, W1, b1.reshape(E, 1, H), W2, b2.reshape(E, 1, D))


def _shared_body(wv_s, x_ref, sW1_ref, sb1_ref, sW2_ref, sb2_ref, sh_ref):
    h = (jnp.dot(_unpack(x_ref[...]), sW1_ref[...],
                 precision=lax.Precision.DEFAULT,
                 preferred_element_type=jnp.float32) + sb1_ref[...])
    h = jnp.where(h > 0, h, NEG_SLOPE * h)
    y = (jnp.dot(h, sW2_ref[...],
                 precision=lax.Precision.DEFAULT,
                 preferred_element_type=jnp.float32) + sb2_ref[...])
    sh_ref[...] = _pack(wv_s[0] * y)


def _shared(wv, xbp, sW1, sb1, sW2, sb2):
    full = lambda shape: pl.BlockSpec(shape, lambda b, wv: (0,) * len(shape))
    grid_spec = pltpu.PrefetchScalarGridSpec(
        num_scalar_prefetch=1,
        grid=(NSH,),
        in_specs=[
            pl.BlockSpec((B, D // 2), lambda b, wv: (b, 0)),
            full((D, H)),
            full((1, H)),
            full((H, D)),
            full((1, D)),
        ],
        out_specs=pl.BlockSpec((B, D // 2), lambda b, wv: (b, 0)),
    )
    return pl.pallas_call(
        _shared_body,
        grid_spec=grid_spec,
        out_shape=jax.ShapeDtypeStruct((T, D // 2), jnp.int32),
        compiler_params=pltpu.CompilerParams(
            dimension_semantics=("arbitrary",)),
    )(wv, xbp, sW1, sb1.reshape(1, H), sW2, sb2.reshape(1, D))


HALF = TPT // 2


def _gather2_body(ys_hbm, inv1_hbm, inv2_hbm, r1_hbm, r2_hbm,
                  idx1_v, idx2_v, r1_v, r2_v, sem1, sem2):
    wid = lax.axis_index("s") * NC + lax.axis_index("c")
    base = wid * TPT
    pltpu.sync_copy(inv1_hbm.at[pl.ds(base, TPT)], idx1_v)
    pltpu.sync_copy(inv2_hbm.at[pl.ds(base, TPT)], idx2_v)
    c1 = pltpu.async_copy(ys_hbm.at[idx1_v], r1_v, sem1)
    c2 = pltpu.async_copy(ys_hbm.at[idx2_v], r2_v, sem2)
    c1.wait()
    pltpu.sync_copy(r1_v, r1_hbm.at[pl.ds(base, TPT)])
    c2.wait()
    pltpu.sync_copy(r2_v, r2_hbm.at[pl.ds(base, TPT)])


def _gather2(ys, inv1, inv2):
    mesh = plsc.VectorSubcoreMesh(core_axis_name="c", subcore_axis_name="s")
    return pl.kernel(
        _gather2_body,
        out_type=[
            jax.ShapeDtypeStruct((T, D // 2), jnp.int32),
            jax.ShapeDtypeStruct((T, D // 2), jnp.int32),
        ],
        mesh=mesh,
        scratch_types=[
            pltpu.VMEM((TPT,), jnp.int32),
            pltpu.VMEM((TPT,), jnp.int32),
            pltpu.VMEM((TPT, D // 2), jnp.int32),
            pltpu.VMEM((TPT, D // 2), jnp.int32),
            pltpu.SemaphoreType.DMA,
            pltpu.SemaphoreType.DMA,
        ],
        compiler_params=pltpu.CompilerParams(needs_layout_passes=False),
    )(ys, inv1, inv2)


def _final_body(g1_ref, g2_ref, r1_ref, r2_ref, ys_ref, out_ref):
    out_ref[...] = (g1_ref[...] * _unpack(r1_ref[...])
                    + g2_ref[...] * _unpack(r2_ref[...])
                    + _unpack(ys_ref[...]))


def _final(g1c, g2c, r1, r2, shp):
    tb = lambda: pl.BlockSpec((B, D // 2), lambda i: (i, 0))
    return pl.pallas_call(
        _final_body,
        grid=(T // B,),
        in_specs=[
            pl.BlockSpec((B, 1), lambda i: (i, 0)),
            pl.BlockSpec((B, 1), lambda i: (i, 0)),
            tb(),
            tb(),
            tb(),
        ],
        out_specs=pl.BlockSpec((B, D), lambda i: (i, 0)),
        out_shape=jax.ShapeDtypeStruct((T, D), jnp.float32),
        compiler_params=pltpu.CompilerParams(
            dimension_semantics=("arbitrary",)),
    )(g1c, g2c, r1, r2, shp)


@jax.jit
def kernel(x, Wr, br, W1, b1, W2, b2, sW1, sb1, sW2, sb2, alpha, beta, noise):
    w = jax.nn.softmax(jnp.stack([alpha, beta]))
    rtr, starts, be, nblk, xbp = _router(x, Wr, br.reshape(1, E), noise, w)
    e1 = rtr[:, 0].astype(jnp.int32)
    e2 = rtr[:, 1].astype(jnp.int32)
    xs, inv1, inv2 = _dispatch(xbp, e1, e2, starts)
    shp = _shared(w, xbp, sW1, sb1, sW2, sb2)
    ys = _experts(be.reshape(16), nblk.reshape(1), xs, W1, b1, W2, b2)
    r1, r2 = _gather2(ys, inv1, inv2)
    return _final(rtr[:, 2:3], rtr[:, 3:4], r1, r2, shp)

# --- scband reference (transcript-rebuilt; emitter-appended) ---
"""Pipeline reference for scband-sparse-mo-e-56324201119927 (READ-ONLY COPY).

The authoritative reference and input builder live on the scoring server;
editing this copy changes nothing except your own understanding.
"""

import jax, jax.numpy as jnp
import numpy as np

T = 2048   # tokens (batch=1, seq=2048)
D = 1024   # input_dim (d_model)
H = 1024   # expert hidden dim (= output_dim in torch ctor)
E = 8      # num_experts
K = 2      # top_k
NOISE_STD = 0.1


def setup_inputs(seed: int = 0) -> dict:
    key = jax.random.key(seed)
    ks = jax.random.split(key, 12)
    x = jax.random.normal(ks[0], (T, D), dtype=jnp.float32)
    Wr = jax.random.normal(ks[1], (D, E), dtype=jnp.float32) * (1.0 / np.sqrt(D))
    br = jnp.zeros((E,), dtype=jnp.float32)
    W1 = jax.random.normal(ks[2], (E, D, H), dtype=jnp.float32) * (1.0 / np.sqrt(D))
    b1 = jnp.zeros((E, H), dtype=jnp.float32)
    W2 = jax.random.normal(ks[3], (E, H, D), dtype=jnp.float32) * (1.0 / np.sqrt(H))
    b2 = jnp.zeros((E, D), dtype=jnp.float32)
    sW1 = jax.random.normal(ks[4], (D, H), dtype=jnp.float32) * (1.0 / np.sqrt(D))
    sb1 = jnp.zeros((H,), dtype=jnp.float32)
    sW2 = jax.random.normal(ks[5], (H, D), dtype=jnp.float32) * (1.0 / np.sqrt(H))
    sb2 = jnp.zeros((D,), dtype=jnp.float32)
    alpha = jnp.float32(0.3)
    beta = jnp.float32(0.7)   # requires_grad=False in torch
    noise = jax.random.normal(ks[6], (T, E), dtype=jnp.float32) * NOISE_STD
    return {"x": x, "Wr": Wr, "br": br, "W1": W1, "b1": b1, "W2": W2, "b2": b2,
            "sW1": sW1, "sb1": sb1, "sW2": sW2, "sb2": sb2,
            "alpha": alpha, "beta": beta, "noise": noise}


def reference(x, Wr, br, W1, b1, W2, b2, sW1, sb1, sW2, sb2, alpha, beta, noise):
    # DynamicRouter: logits + fixed gaussian noise, top-k sparse softmax gating
    logits = x @ Wr + br + noise
    top_vals, top_idx = jax.lax.top_k(logits, K)
    rows = jnp.arange(logits.shape[0])[:, None]
    sparse_logits = jnp.full_like(logits, -jnp.inf).at[rows, top_idx].set(top_vals)
    gating = jax.nn.softmax(sparse_logits, axis=-1)  # exactly 0 for non-top-k slots

    # Experts (dropout = identity in eval mode). Dense-over-experts formulation is
    # mathematically identical to the torch masked loop because gating is exactly 0
    # for non-selected experts.
    h = jax.nn.leaky_relu(jnp.einsum('td,edh->teh', x, W1) + b1[None, :, :], negative_slope=0.01)
    expert_out = jnp.einsum('teh,ehd->ted', h, W2) + b2[None, :, :]
    moe_out = jnp.einsum('ted,te->td', expert_out, gating)

    # Shared expert
    sh = jax.nn.leaky_relu(x @ sW1 + sb1, negative_slope=0.01) @ sW2 + sb2

    w = jax.nn.softmax(jnp.stack([alpha, beta]), axis=0)
    final = sh * w[0] + moe_out * w[1]
    return final

if __name__ == "__main__":
    import jax
    _d = setup_inputs()
    print(jax.jit(kernel)(*tuple(_d.values())))

</pallas_src>

<mosaic_0001>
#map = affine_map<(d0, d1) -> (0, 0)>
#map1 = affine_map<(d0, d1) -> (0)>
module attributes {stable_mosaic.version = 14 : i64} {
  func.func @_gather2_body(%arg0: i32, %arg1: i32, %arg2: memref<7680x512xi32, #tpu.memory_space<hbm>>, %arg3: memref<2048xi32, #tpu.memory_space<hbm>>, %arg4: memref<2048xi32, #tpu.memory_space<hbm>>, %arg5: memref<2048x512xi32, #tpu.memory_space<hbm>>, %arg6: memref<2048x512xi32, #tpu.memory_space<hbm>>, %arg7: memref<64xi32, #tpu.memory_space<vmem>>, %arg8: memref<64xi32, #tpu.memory_space<vmem>>, %arg9: memref<64x512xi32, #tpu.memory_space<vmem>>, %arg10: memref<64x512xi32, #tpu.memory_space<vmem>>, %arg11: memref<!tpu.dma_semaphore, #tpu.memory_space<semaphore_mem>>, %arg12: memref<!tpu.dma_semaphore, #tpu.memory_space<semaphore_mem>>) attributes {dimension_semantics = [#tpu.dimension_semantics<core_parallel>, #tpu.dimension_semantics<subcore_parallel>], iteration_bounds = array<i64: 2, 16>, scalar_prefetch = 0 : i64, scratch_operands = 6 : i64, tpu.core_type = #tpu.core_type<sc_vector_subcore>, window_params = [{transform_indices = #map}, {transform_indices = #map1}, {transform_indices = #map1}, {transform_indices = #map}, {transform_indices = #map}]} {
    %mul3A = arith.constant 2 : i32
    %mul3A_0 = arith.muli %arg1, %mul3A : i32
    %add3A = arith.addi %mul3A_0, %arg0 : i32
    %mul3A_1 = arith.constant 64 : i32
    %mul3A_2 = arith.muli %add3A, %mul3A_1 : i32
    "tpu.region"() ({
      %run_scoped3A = tpu.sem_alloc : memref<!tpu.dma_semaphore, #tpu.memory_space<semaphore_mem>>
      %dma_start3A_13 = tpu.memref_slice %arg3[%mul3A_2] : memref<2048xi32, #tpu.memory_space<hbm>> -> memref<64xi32, #tpu.memory_space<hbm>>
      %dma_start3A_14 = tpu.memref_slice %arg3[%mul3A_2] : memref<2048xi32, #tpu.memory_space<hbm>> -> memref<64xi32, #tpu.memory_space<hbm>>
      tpu.enqueue_dma source(%dma_start3A_14 : memref<64xi32, #tpu.memory_space<hbm>>) target(%arg7 : memref<64xi32, #tpu.memory_space<vmem>>) target_semaphore(%run_scoped3A : memref<!tpu.dma_semaphore, #tpu.memory_space<semaphore_mem>>)
      %dma_wait3A_15 = tpu.memref_slice %arg3[%mul3A_2] : memref<2048xi32, #tpu.memory_space<hbm>> -> memref<64xi32, #tpu.memory_space<hbm>>
      %dma_wait3A_16 = tpu.memref_slice %arg3[%mul3A_2] : memref<2048xi32, #tpu.memory_space<hbm>> -> memref<64xi32, #tpu.memory_space<hbm>>
      tpu.wait_dma2 semaphore(%run_scoped3A : memref<!tpu.dma_semaphore, #tpu.memory_space<semaphore_mem>>) src(%dma_wait3A_16 : memref<64xi32, #tpu.memory_space<hbm>>) dst(%arg7 : memref<64xi32, #tpu.memory_space<vmem>>)
      tpu.yield
    }) : () -> ()
    "tpu.region"() ({
      %run_scoped3A = tpu.sem_alloc : memref<!tpu.dma_semaphore, #tpu.memory_space<semaphore_mem>>
      %dma_start3A_13 = tpu.memref_slice %arg4[%mul3A_2] : memref<2048xi32, #tpu.memory_space<hbm>> -> memref<64xi32, #tpu.memory_space<hbm>>
      %dma_start3A_14 = tpu.memref_slice %arg4[%mul3A_2] : memref<2048xi32, #tpu.memory_space<hbm>> -> memref<64xi32, #tpu.memory_space<hbm>>
      tpu.enqueue_dma source(%dma_start3A_14 : memref<64xi32, #tpu.memory_space<hbm>>) target(%arg8 : memref<64xi32, #tpu.memory_space<vmem>>) target_semaphore(%run_scoped3A : memref<!tpu.dma_semaphore, #tpu.memory_space<semaphore_mem>>)
      %dma_wait3A_15 = tpu.memref_slice %arg4[%mul3A_2] : memref<2048xi32, #tpu.memory_space<hbm>> -> memref<64xi32, #tpu.memory_space<hbm>>
      %dma_wait3A_16 = tpu.memref_slice %arg4[%mul3A_2] : memref<2048xi32, #tpu.memory_space<hbm>> -> memref<64xi32, #tpu.memory_space<hbm>>
      tpu.wait_dma2 semaphore(%run_scoped3A : memref<!tpu.dma_semaphore, #tpu.memory_space<semaphore_mem>>) src(%dma_wait3A_16 : memref<64xi32, #tpu.memory_space<hbm>>) dst(%arg8 : memref<64xi32, #tpu.memory_space<vmem>>)
      tpu.yield
    }) : () -> ()
    %dma_start3A = arith.constant 0 : i32
    %dma_start3A_3 = arith.constant 0 : i32
    %dma_start3A_4 = tpu.memref_slice %arg2[%dma_start3A, %dma_start3A_3] : memref<7680x512xi32, #tpu.memory_space<hbm>> -> memref<7680x512xi32, #tpu.memory_space<hbm>>
    tpu.enqueue_indirect_dma source(%dma_start3A_4 : memref<7680x512xi32, #tpu.memory_space<hbm>>) target(%arg9 : memref<64x512xi32, #tpu.memory_space<vmem>>) offsets(%arg7 : memref<64xi32, #tpu.memory_space<vmem>>) semaphore(%arg11 : memref<!tpu.dma_semaphore, #tpu.memory_space<semaphore_mem>>)
    %dma_start3A_5 = arith.constant 0 : i32
    %dma_start3A_6 = arith.constant 0 : i32
    %dma_start3A_7 = tpu.memref_slice %arg2[%dma_start3A_5, %dma_start3A_6] : memref<7680x512xi32, #tpu.memory_space<hbm>> -> memref<7680x512xi32, #tpu.memory_space<hbm>>
    tpu.enqueue_indirect_dma source(%dma_start3A_7 : memref<7680x512xi32, #tpu.memory_space<hbm>>) target(%arg10 : memref<64x512xi32, #tpu.memory_space<vmem>>) offsets(%arg8 : memref<64xi32, #tpu.memory_space<vmem>>) semaphore(%arg12 : memref<!tpu.dma_semaphore, #tpu.memory_space<semaphore_mem>>)
    %dma_wait3A = arith.constant 0 : i32
    %dma_wait3A_8 = arith.constant 0 : i32
    %dma_wait3A_9 = tpu.memref_slice %arg2[%dma_wait3A, %dma_wait3A_8] : memref<7680x512xi32, #tpu.memory_space<hbm>> -> memref<7680x512xi32, #tpu.memory_space<hbm>>
    tpu.wait_indirect_dma semaphore(%arg11 : memref<!tpu.dma_semaphore, #tpu.memory_space<semaphore_mem>>) src(%dma_wait3A_9 : memref<7680x512xi32, #tpu.memory_space<hbm>>) dst(%arg9 : memref<64x512xi32, #tpu.memory_space<vmem>>)
    "tpu.region"() ({
      %run_scoped3A = tpu.sem_alloc : memref<!tpu.dma_semaphore, #tpu.memory_space<semaphore_mem>>
      %dma_start3A_13 = arith.constant 0 : i32
      %dma_start3A_14 = tpu.memref_slice %arg5[%mul3A_2, %dma_start3A_13] : memref<2048x512xi32, #tpu.memory_space<hbm>> -> memref<64x512xi32, #tpu.memory_space<hbm>>
      %dma_start3A_15 = arith.constant 0 : i32
      %dma_start3A_16 = tpu.memref_slice %arg5[%mul3A_2, %dma_start3A_15] : memref<2048x512xi32, #tpu.memory_space<hbm>> -> memref<64x512xi32, #tpu.memory_space<hbm>>
      tpu.enqueue_dma source(%arg9 : memref<64x512xi32, #tpu.memory_space<vmem>>) target(%dma_start3A_16 : memref<64x512xi32, #tpu.memory_space<hbm>>) target_semaphore(%run_scoped3A : memref<!tpu.dma_semaphore, #tpu.memory_space<semaphore_mem>>)
      %dma_wait3A_17 = arith.constant 0 : i32
      %dma_wait3A_18 = tpu.memref_slice %arg5[%mul3A_2, %dma_wait3A_17] : memref<2048x512xi32, #tpu.memory_space<hbm>> -> memref<64x512xi32, #tpu.memory_space<hbm>>
      %dma_wait3A_19 = arith.constant 0 : i32
      %dma_wait3A_20 = tpu.memref_slice %arg5[%mul3A_2, %dma_wait3A_19] : memref<2048x512xi32, #tpu.memory_space<hbm>> -> memref<64x512xi32, #tpu.memory_space<hbm>>
      tpu.wait_dma2 semaphore(%run_scoped3A : memref<!tpu.dma_semaphore, #tpu.memory_space<semaphore_mem>>) src(%arg9 : memref<64x512xi32, #tpu.memory_space<vmem>>) dst(%dma_wait3A_20 : memref<64x512xi32, #tpu.memory_space<hbm>>)
      tpu.yield
    }) : () -> ()
    %dma_wait3A_10 = arith.constant 0 : i32
    %dma_wait3A_11 = arith.constant 0 : i32
    %dma_wait3A_12 = tpu.memref_slice %arg2[%dma_wait3A_10, %dma_wait3A_11] : memref<7680x512xi32, #tpu.memory_space<hbm>> -> memref<7680x512xi32, #tpu.memory_space<hbm>>
    tpu.wait_indirect_dma semaphore(%arg12 : memref<!tpu.dma_semaphore, #tpu.memory_space<semaphore_mem>>) src(%dma_wait3A_12 : memref<7680x512xi32, #tpu.memory_space<hbm>>) dst(%arg10 : memref<64x512xi32, #tpu.memory_space<vmem>>)
    "tpu.region"() ({
      %run_scoped3A = tpu.sem_alloc : memref<!tpu.dma_semaphore, #tpu.memory_space<semaphore_mem>>
      %dma_start3A_13 = arith.constant 0 : i32
      %dma_start3A_14 = tpu.memref_slice %arg6[%mul3A_2, %dma_start3A_13] : memref<2048x512xi32, #tpu.memory_space<hbm>> -> memref<64x512xi32, #tpu.memory_space<hbm>>
      %dma_start3A_15 = arith.constant 0 : i32
      %dma_start3A_16 = tpu.memref_slice %arg6[%mul3A_2, %dma_start3A_15] : memref<2048x512xi32, #tpu.memory_space<hbm>> -> memref<64x512xi32, #tpu.memory_space<hbm>>
      tpu.enqueue_dma source(%arg10 : memref<64x512xi32, #tpu.memory_space<vmem>>) target(%dma_start3A_16 : memref<64x512xi32, #tpu.memory_space<hbm>>) target_semaphore(%run_scoped3A : memref<!tpu.dma_semaphore, #tpu.memory_space<semaphore_mem>>)
      %dma_wait3A_17 = arith.constant 0 : i32
      %dma_wait3A_18 = tpu.memref_slice %arg6[%mul3A_2, %dma_wait3A_17] : memref<2048x512xi32, #tpu.memory_space<hbm>> -> memref<64x512xi32, #tpu.memory_space<hbm>>
      %dma_wait3A_19 = arith.constant 0 : i32
      %dma_wait3A_20 = tpu.memref_slice %arg6[%mul3A_2, %dma_wait3A_19] : memref<2048x512xi32, #tpu.memory_space<hbm>> -> memref<64x512xi32, #tpu.memory_space<hbm>>
      tpu.wait_dma2 semaphore(%run_scoped3A : memref<!tpu.dma_semaphore, #tpu.memory_space<semaphore_mem>>) src(%arg10 : memref<64x512xi32, #tpu.memory_space<vmem>>) dst(%dma_wait3A_20 : memref<64x512xi32, #tpu.memory_space<hbm>>)
      tpu.yield
    }) : () -> ()
    return
  }
}

#map = affine_map<(d0, d1) -> (0, 0)>
#map1 = affine_map<(d0, d1) -> (0)>
module attributes {stable_mosaic.version = 14 : i64} {
  func.func @_dispatch_body(%arg0: i32, %arg1: i32, %arg2: memref<2048x512xi32, #tpu.memory_space<hbm>>, %arg3: memref<2048xi32, #tpu.memory_space<hbm>>, %arg4: memref<2048xi32, #tpu.memory_space<hbm>>, %arg5: memref<32x16xi32, #tpu.memory_space<hbm>>, %arg6: memref<7680x512xi32, #tpu.memory_space<hbm>>, %arg7: memref<2048xi32, #tpu.memory_space<hbm>>, %arg8: memref<2048xi32, #tpu.memory_space<hbm>>, %arg9: memref<64x512xi32, #tpu.memory_space<vmem>>, %arg10: memref<64xi32, #tpu.memory_space<vmem>>, %arg11: memref<64xi32, #tpu.memory_space<vmem>>, %arg12: memref<1x16xi32, #tpu.memory_space<vmem>>, %arg13: memref<64xi32, #tpu.memory_space<vmem>>, %arg14: memref<64xi32, #tpu.memory_space<vmem>>, %arg15: memref<!tpu.dma_semaphore, #tpu.memory_space<semaphore_mem>>, %arg16: memref<!tpu.dma_semaphore, #tpu.memory_space<semaphore_mem>>) attributes {dimension_semantics = [#tpu.dimension_semantics<core_parallel>, #tpu.dimension_semantics<subcore_parallel>], iteration_bounds = array<i64: 2, 16>, scalar_prefetch = 0 : i64, scratch_operands = 8 : i64, tpu.core_type = #tpu.core_type<sc_vector_subcore>, window_params = [{transform_indices = #map}, {transform_indices = #map1}, {transform_indices = #map1}, {transform_indices = #map}, {transform_indices = #map}, {transform_indices = #map1}, {transform_indices = #map1}]} {
    %mul3A = arith.constant 2 : i32
    %mul3A_0 = arith.muli %arg1, %mul3A : i32
    %add3A = arith.addi %mul3A_0, %arg0 : i32
    %mul3A_1 = arith.constant 64 : i32
    %mul3A_2 = arith.muli %add3A, %mul3A_1 : i32
    "tpu.region"() ({
      %run_scoped3A = tpu.sem_alloc : memref<!tpu.dma_semaphore, #tpu.memory_space<semaphore_mem>>
      %dma_start3A_1577 = arith.constant 0 : i32
      %dma_start3A_1578 = tpu.memref_slice %arg2[%mul3A_2, %dma_start3A_1577] : memref<2048x512xi32, #tpu.memory_space<hbm>> -> memref<64x512xi32, #tpu.memory_space<hbm>>
      %dma_start3A_1579 = arith.constant 0 : i32
      %dma_start3A_1580 = tpu.memref_slice %arg2[%mul3A_2, %dma_start3A_1579] : memref<2048x512xi32, #tpu.memory_space<hbm>> -> memref<64x512xi32, #tpu.memory_space<hbm>>
      tpu.enqueue_dma source(%dma_start3A_1580 : memref<64x512xi32, #tpu.memory_space<hbm>>) target(%arg9 : memref<64x512xi32, #tpu.memory_space<vmem>>) target_semaphore(%run_scoped3A : memref<!tpu.dma_semaphore, #tpu.memory_space<semaphore_mem>>)
      %dma_wait3A_1581 = arith.constant 0 : i32
      %dma_wait3A_1582 = tpu.memref_slice %arg2[%mul3A_2, %dma_wait3A_1581] : memref<2048x512xi32, #tpu.memory_space<hbm>> -> memref<64x512xi32, #tpu.memory_space<hbm>>
      %dma_wait3A_1583 = arith.constant 0 : i32
      %dma_wait3A_1584 = tpu.memref_slice %arg2[%mul3A_2, %dma_wait3A_1583] : memref<2048x512xi32, #tpu.memory_space<hbm>> -> memref<64x512xi32, #tpu.memory_space<hbm>>
      tpu.wait_dma2 semaphore(%run_scoped3A : memref<!tpu.dma_semaphore, #tpu.memory_space<semaphore_mem>>) src(%dma_wait3A_1584 : memref<64x512xi32, #tpu.memory_space<hbm>>) dst(%arg9 : memref<64x512xi32, #tpu.memory_space<vmem>>)
      tpu.yield
    }) : () -> ()
    "tpu.region"() ({
      %run_scoped3A = tpu.sem_alloc : memref<!tpu.dma_semaphore, #tpu.memory_space<semaphore_mem>>
      %dma_start3A_1577 = tpu.memref_slice %arg3[%mul3A_2] : memref<2048xi32, #tpu.memory_space<hbm>> -> memref<64xi32, #tpu.memory_space<hbm>>
      %dma_start3A_1578 = tpu.memref_slice %arg3[%mul3A_2] : memref<2048xi32, #tpu.memory_space<hbm>> -> memref<64xi32, #tpu.memory_space<hbm>>
      tpu.enqueue_dma source(%dma_start3A_1578 : memref<64xi32, #tpu.memory_space<hbm>>) target(%arg10 : memref<64xi32, #tpu.memory_space<vmem>>) target_semaphore(%run_scoped3A : memref<!tpu.dma_semaphore, #tpu.memory_space<semaphore_mem>>)
      %dma_wait3A_1579 = tpu.memref_slice %arg3[%mul3A_2] : memref<2048xi32, #tpu.memory_space<hbm>> -> memref<64xi32, #tpu.memory_space<hbm>>
      %dma_wait3A_1580 = tpu.memref_slice %arg3[%mul3A_2] : memref<2048xi32, #tpu.memory_space<hbm>> -> memref<64xi32, #tpu.memory_space<hbm>>
      tpu.wait_dma2 semaphore(%run_scoped3A : memref<!tpu.dma_semaphore, #tpu.memory_space<semaphore_mem>>) src(%dma_wait3A_1580 : memref<64xi32, #tpu.memory_space<hbm>>) dst(%arg10 : memref<64xi32, #tpu.memory_space<vmem>>)
      tpu.yield
    }) : () -> ()
    "tpu.region"() ({
      %run_scoped3A = tpu.sem_alloc : memref<!tpu.dma_semaphore, #tpu.memory_space<semaphore_mem>>
      %dma_start3A_1577 = tpu.memref_slice %arg4[%mul3A_2] : memref<2048xi32, #tpu.memory_space<hbm>> -> memref<64xi32, #tpu.memory_space<hbm>>
      %dma_start3A_1578 = tpu.memref_slice %arg4[%mul3A_2] : memref<2048xi32, #tpu.memory_space<hbm>> -> memref<64xi32, #tpu.memory_space<hbm>>
      tpu.enqueue_dma source(%dma_start3A_1578 : memref<64xi32, #tpu.memory_space<hbm>>) target(%arg11 : memref<64xi32, #tpu.memory_space<vmem>>) target_semaphore(%run_scoped3A : memref<!tpu.dma_semaphore, #tpu.memory_space<semaphore_mem>>)
      %dma_wait3A_1579 = tpu.memref_slice %arg4[%mul3A_2] : memref<2048xi32, #tpu.memory_space<hbm>> -> memref<64xi32, #tpu.memory_space<hbm>>
      %dma_wait3A_1580 = tpu.memref_slice %arg4[%mul3A_2] : memref<2048xi32, #tpu.memory_space<hbm>> -> memref<64xi32, #tpu.memory_space<hbm>>
      tpu.wait_dma2 semaphore(%run_scoped3A : memref<!tpu.dma_semaphore, #tpu.memory_space<semaphore_mem>>) src(%dma_wait3A_1580 : memref<64xi32, #tpu.memory_space<hbm>>) dst(%arg11 : memref<64xi32, #tpu.memory_space<vmem>>)
      tpu.yield
    }) : () -> ()
    "tpu.region"() ({
      %run_scoped3A = tpu.sem_alloc : memref<!tpu.dma_semaphore, #tpu.memory_space<semaphore_mem>>
      %dma_start3A_1577 = arith.constant 0 : i32
      %dma_start3A_1578 = tpu.memref_slice %arg5[%add3A, %dma_start3A_1577] : memref<32x16xi32, #tpu.memory_space<hbm>> -> memref<1x16xi32, #tpu.memory_space<hbm>>
      %dma_start3A_1579 = arith.constant 0 : i32
      %dma_start3A_1580 = tpu.memref_slice %arg5[%add3A, %dma_start3A_1579] : memref<32x16xi32, #tpu.memory_space<hbm>> -> memref<1x16xi32, #tpu.memory_space<hbm>>
      tpu.enqueue_dma source(%dma_start3A_1580 : memref<1x16xi32, #tpu.memory_space<hbm>>) target(%arg12 : memref<1x16xi32, #tpu.memory_space<vmem>>) target_semaphore(%run_scoped3A : memref<!tpu.dma_semaphore, #tpu.memory_space<semaphore_mem>>)
      %dma_wait3A_1581 = arith.constant 0 : i32
      %dma_wait3A_1582 = tpu.memref_slice %arg5[%add3A, %dma_wait3A_1581] : memref<32x16xi32, #tpu.memory_space<hbm>> -> memref<1x16xi32, #tpu.memory_space<hbm>>
      %dma_wait3A_1583 = arith.constant 0 : i32
      %dma_wait3A_1584 = tpu.memref_slice %arg5[%add3A, %dma_wait3A_1583] : memref<32x16xi32, #tpu.memory_space<hbm>> -> memref<1x16xi32, #tpu.memory_space<hbm>>
      tpu.wait_dma2 semaphore(%run_scoped3A : memref<!tpu.dma_semaphore, #tpu.memory_space<semaphore_mem>>) src(%dma_wait3A_1584 : memref<1x16xi32, #tpu.memory_space<hbm>>) dst(%arg12 : memref<1x16xi32, #tpu.memory_space<vmem>>)
      tpu.yield
    }) : () -> ()
    %get3A = arith.constant 0 : i32
    %get3A_3 = arith.index_cast %get3A : i32 to index
    %get3A_4 = arith.constant 0 : index
    %get3A_5 = tpu.vector_load %arg12[%get3A_3, %get3A_4] {strides = array<i32>} : memref<1x16xi32, #tpu.memory_space<vmem>>, vector<16xi32>,
    %iota3A = tpu.iota {dimensions = array<i32: 0>} : vector<16xi32>
    %broadcast_in_dim3A = arith.constant 0 : i32
    %broadcast_in_dim3A_6 = vector.broadcast %broadcast_in_dim3A : i32 to vector<16xi32>
    %swap3A = arith.constant 0 : index
    %swap3A_7 = tpu.vector_load %arg13[%swap3A] {strides = array<i32>} : memref<64xi32, #tpu.memory_space<vmem>>, vector<16xi32>,
    tpu.vector_store %arg13[%swap3A], %broadcast_in_dim3A_6 {strides = array<i32>} : memref<64xi32, #tpu.memory_space<vmem>>, vector<16xi32>,
    %swap3A_8 = arith.constant 0 : index
    %swap3A_9 = tpu.vector_load %arg14[%swap3A_8] {strides = array<i32>} : memref<64xi32, #tpu.memory_space<vmem>>, vector<16xi32>,
    tpu.vector_store %arg14[%swap3A_8], %broadcast_in_dim3A_6 {strides = array<i32>} : memref<64xi32, #tpu.memory_space<vmem>>, vector<16xi32>,
    %swap3A_10 = arith.constant 16 : index
    %swap3A_11 = tpu.vector_load %arg13[%swap3A_10] {strides = array<i32>} : memref<64xi32, #tpu.memory_space<vmem>>, vector<16xi32>,
    tpu.vector_store %arg13[%swap3A_10], %broadcast_in_dim3A_6 {strides = array<i32>} : memref<64xi32, #tpu.memory_space<vmem>>, vector<16xi32>,
    %swap3A_12 = arith.constant 16 : index
    %swap3A_13 = tpu.vector_load %arg14[%swap3A_12] {strides = array<i32>} : memref<64xi32, #tpu.memory_space<vmem>>, vector<16xi32>,
    tpu.vector_store %arg14[%swap3A_12], %broadcast_in_dim3A_6 {strides = array<i32>} : memref<64xi32, #tpu.memory_space<vmem>>, vector<16xi32>,
    %swap3A_14 = arith.constant 32 : index
    %swap3A_15 = tpu.vector_load %arg13[%swap3A_14] {strides = array<i32>} : memref<64xi32, #tpu.memory_space<vmem>>, vector<16xi32>,
    tpu.vector_store %arg13[%swap3A_14], %broadcast_in_dim3A_6 {strides = array<i32>} : memref<64xi32, #tpu.memory_space<vmem>>, vector<16xi32>,
    %swap3A_16 = arith.constant 32 : index
    %swap3A_17 = tpu.vector_load %arg14[%swap3A_16] {strides = array<i32>} : memref<64xi32, #tpu.memory_space<vmem>>, vector<16xi32>,
    tpu.vector_store %arg14[%swap3A_16], %broadcast_in_dim3A_6 {strides = array<i32>} : memref<64xi32, #tpu.memory_space<vmem>>, vector<16xi32>,
    %swap3A_18 = arith.constant 48 : index
    %swap3A_19 = tpu.vector_load %arg13[%swap3A_18] {strides = array<i32>} : memref<64xi32, #tpu.memory_space<vmem>>, vector<16xi32>,
    tpu.vector_store %arg13[%swap3A_18], %broadcast_in_dim3A_6 {strides = array<i32>} : memref<64xi32, #tpu.memory_space<vmem>>, vector<16xi32>,
    %swap3A_20 = arith.constant 48 : index
    %swap3A_21 = tpu.vector_load %arg14[%swap3A_20] {strides = array<i32>} : memref<64xi32, #tpu.memory_space<vmem>>, vector<16xi32>,
    tpu.vector_store %arg14[%swap3A_20], %broadcast_in_dim3A_6 {strides = array<i32>} : memref<64xi32, #tpu.memory_space<vmem>>, vector<16xi32>,
    %eq3A = arith.constant 0 : i32
    %eq3A_22 = vector.broadcast %eq3A : i32 to vector<16xi32>
    %eq3A_23 = arith.cmpi eq, %iota3A, %eq3A_22 : vector<16xi32>
    %jit3A = arith.constant 0 : i32
    %broadcast_in_dim3A_24 = vector.broadcast %jit3A : i32 to vector<16xi32>
    %select_n3A = arith.select %eq3A_23, %get3A_5, %broadcast_in_dim3A_24 : vector<16xi1>, vector<16xi32>
    %reduce_sum3A = arith.constant true
    %reduce_sum3A_25 = vector.broadcast %reduce_sum3A : i1 to vector<16xi1>
    %reduce_sum3A_26 = tpu.scan <sum>, %select_n3A masked %reduce_sum3A_25 : vector<16xi32>, vector<16xi1> -> vector<16xi32>
    %reduce_sum3A_27 = vector.extract %reduce_sum3A_26[15] : i32 from vector<16xi32>
    %get3A_28 = arith.constant 0 : index
    %get3A_29 = tpu.vector_load %arg10[%get3A_28] {strides = array<i32>} : memref<64xi32, #tpu.memory_space<vmem>>, vector<16xi32>,
    %eq3A_30 = arith.constant 0 : i32
    %eq3A_31 = vector.broadcast %eq3A_30 : i32 to vector<16xi32>
    %eq3A_32 = arith.cmpi eq, %get3A_29, %eq3A_31 : vector<16xi32>
    %convert_element_type3A = arith.extui %eq3A_32 : vector<16xi1> to vector<16xi32>
    %broadcast_in_dim3A_33 = arith.constant true
    %broadcast_in_dim3A_34 = vector.broadcast %broadcast_in_dim3A_33 : i1 to vector<16xi1>
    %masked_cumsum3A = tpu.scan <sum>, %convert_element_type3A masked %broadcast_in_dim3A_34 : vector<16xi32>, vector<16xi1> -> vector<16xi32>
    %sub3A = arith.subi %masked_cumsum3A, %convert_element_type3A : vector<16xi32>
    %add3A_35 = vector.broadcast %reduce_sum3A_27 : i32 to vector<16xi32>
    %add3A_36 = arith.addi %sub3A, %add3A_35 : vector<16xi32>
    %get3A_37 = arith.constant 0 : index
    %get3A_38 = tpu.vector_load %arg13[%get3A_37] {strides = array<i32>} : memref<64xi32, #tpu.memory_space<vmem>>, vector<16xi32>,
    %mul3A_39 = arith.muli %convert_element_type3A, %add3A_36 : vector<16xi32>
    %add3A_40 = arith.addi %get3A_38, %mul3A_39 : vector<16xi32>
    %swap3A_41 = arith.constant 0 : index
    %swap3A_42 = tpu.vector_load %arg13[%swap3A_41] {strides = array<i32>} : memref<64xi32, #tpu.memory_space<vmem>>, vector<16xi32>,
    tpu.vector_store %arg13[%swap3A_41], %add3A_40 {strides = array<i32>} : memref<64xi32, #tpu.memory_space<vmem>>, vector<16xi32>,
    %reduce_sum3A_43 = arith.constant true
    %reduce_sum3A_44 = vector.broadcast %reduce_sum3A_43 : i1 to vector<16xi1>
    %reduce_sum3A_45 = tpu.scan <sum>, %convert_element_type3A masked %reduce_sum3A_44 : vector<16xi32>, vector<16xi1> -> vector<16xi32>
    %reduce_sum3A_46 = vector.extract %reduce_sum3A_45[15] : i32 from vector<16xi32>
    %add3A_47 = arith.addi %reduce_sum3A_27, %reduce_sum3A_46 : i32
    %get3A_48 = arith.constant 16 : index
    %get3A_49 = tpu.vector_load %arg10[%get3A_48] {strides = array<i32>} : memref<64xi32, #tpu.memory_space<vmem>>, vector<16xi32>,
    %eq3A_50 = arith.constant 0 : i32
    %eq3A_51 = vector.broadcast %eq3A_50 : i32 to vector<16xi32>
    %eq3A_52 = arith.cmpi eq, %get3A_49, %eq3A_51 : vector<16xi32>
    %convert_element_type3A_53 = arith.extui %eq3A_52 : vector<16xi1> to vector<16xi32>
    %broadcast_in_dim3A_54 = arith.constant true
    %broadcast_in_dim3A_55 = vector.broadcast %broadcast_in_dim3A_54 : i1 to vector<16xi1>
    %masked_cumsum3A_56 = tpu.scan <sum>, %convert_element_type3A_53 masked %broadcast_in_dim3A_55 : vector<16xi32>, vector<16xi1> -> vector<16xi32>
    %sub3A_57 = arith.subi %masked_cumsum3A_56, %convert_element_type3A_53 : vector<16xi32>
    %add3A_58 = vector.broadcast %add3A_47 : i32 to vector<16xi32>
    %add3A_59 = arith.addi %sub3A_57, %add3A_58 : vector<16xi32>
    %get3A_60 = arith.constant 16 : index
    %get3A_61 = tpu.vector_load %arg13[%get3A_60] {strides = array<i32>} : memref<64xi32, #tpu.memory_space<vmem>>, vector<16xi32>,
    %mul3A_62 = arith.muli %convert_element_type3A_53, %add3A_59 : vector<16xi32>
    %add3A_63 = arith.addi %get3A_61, %mul3A_62 : vector<16xi32>
    %swap3A_64 = arith.constant 16 : index
    %swap3A_65 = tpu.vector_load %arg13[%swap3A_64] {strides = array<i32>} : memref<64xi32, #tpu.memory_space<vmem>>, vector<16xi32>,
    tpu.vector_store %arg13[%swap3A_64], %add3A_63 {strides = array<i32>} : memref<64xi32, #tpu.memory_space<vmem>>, vector<16xi32>,
    %reduce_sum3A_66 = arith.constant true
    %reduce_sum3A_67 = vector.broadcast %reduce_sum3A_66 : i1 to vector<16xi1>
    %reduce_sum3A_68 = tpu.scan <sum>, %convert_element_type3A_53 masked %reduce_sum3A_67 : vector<16xi32>, vector<16xi1> -> vector<16xi32>
    %reduce_sum3A_69 = vector.extract %reduce_sum3A_68[15] : i32 from vector<16xi32>
    %add3A_70 = arith.addi %add3A_47, %reduce_sum3A_69 : i32
    %get3A_71 = arith.constant 32 : index
    %get3A_72 = tpu.vector_load %arg10[%get3A_71] {strides = array<i32>} : memref<64xi32, #tpu.memory_space<vmem>>, vector<16xi32>,
    %eq3A_73 = arith.constant 0 : i32
    %eq3A_74 = vector.broadcast %eq3A_73 : i32 to vector<16xi32>
    %eq3A_75 = arith.cmpi eq, %get3A_72, %eq3A_74 : vector<16xi32>
    %convert_element_type3A_76 = arith.extui %eq3A_75 : vector<16xi1> to vector<16xi32>
    %broadcast_in_dim3A_77 = arith.constant true
    %broadcast_in_dim3A_78 = vector.broadcast %broadcast_in_dim3A_77 : i1 to vector<16xi1>
    %masked_cumsum3A_79 = tpu.scan <sum>, %convert_element_type3A_76 masked %broadcast_in_dim3A_78 : vector<16xi32>, vector<16xi1> -> vector<16xi32>
    %sub3A_80 = arith.subi %masked_cumsum3A_79, %convert_element_type3A_76 : vector<16xi32>
    %add3A_81 = vector.broadcast %add3A_70 : i32 to vector<16xi32>
    %add3A_82 = arith.addi %sub3A_80, %add3A_81 : vector<16xi32>
    %get3A_83 = arith.constant 32 : index
    %get3A_84 = tpu.vector_load %arg13[%get3A_83] {strides = array<i32>} : memref<64xi32, #tpu.memory_space<vmem>>, vector<16xi32>,
    %mul3A_85 = arith.muli %convert_element_type3A_76, %add3A_82 : vector<16xi32>
    %add3A_86 = arith.addi %get3A_84, %mul3A_85 : vector<16xi32>
    %swap3A_87 = arith.constant 32 : index
    %swap3A_88 = tpu.vector_load %arg13[%swap3A_87] {strides = array<i32>} : memref<64xi32, #tpu.memory_space<vmem>>, vector<16xi32>,
    tpu.vector_store %arg13[%swap3A_87], %add3A_86 {strides = array<i32>} : memref<64xi32, #tpu.memory_space<vmem>>, vector<16xi32>,
    %reduce_sum3A_89 = arith.constant true
    %reduce_sum3A_90 = vector.broadcast %reduce_sum3A_89 : i1 to vector<16xi1>
    %reduce_sum3A_91 = tpu.scan <sum>, %convert_element_type3A_76 masked %reduce_sum3A_90 : vector<16xi32>, vector<16xi1> -> vector<16xi32>
    %reduce_sum3A_92 = vector.extract %reduce_sum3A_91[15] : i32 from vector<16xi32>
    %add3A_93 = arith.addi %add3A_70, %reduce_sum3A_92 : i32
    %get3A_94 = arith.constant 48 : index
    %get3A_95 = tpu.vector_load %arg10[%get3A_94] {strides = array<i32>} : memref<64xi32, #tpu.memory_space<vmem>>, vector<16xi32>,
    %eq3A_96 = arith.constant 0 : i32
    %eq3A_97 = vector.broadcast %eq3A_96 : i32 to vector<16xi32>
    %eq3A_98 = arith.cmpi eq, %get3A_95, %eq3A_97 : vector<16xi32>
    %convert_element_type3A_99 = arith.extui %eq3A_98 : vector<16xi1> to vector<16xi32>
    %broadcast_in_dim3A_100 = arith.constant true
    %broadcast_in_dim3A_101 = vector.broadcast %broadcast_in_dim3A_100 : i1 to vector<16xi1>
    %masked_cumsum3A_102 = tpu.scan <sum>, %convert_element_type3A_99 masked %broadcast_in_dim3A_101 : vector<16xi32>, vector<16xi1> -> vector<16xi32>
    %sub3A_103 = arith.subi %masked_cumsum3A_102, %convert_element_type3A_99 : vector<16xi32>
    %add3A_104 = vector.broadcast %add3A_93 : i32 to vector<16xi32>
    %add3A_105 = arith.addi %sub3A_103, %add3A_104 : vector<16xi32>
    %get3A_106 = arith.constant 48 : index
    %get3A_107 = tpu.vector_load %arg13[%get3A_106] {strides = array<i32>} : memref<64xi32, #tpu.memory_space<vmem>>, vector<16xi32>,
    %mul3A_108 = arith.muli %convert_element_type3A_99, %add3A_105 : vector<16xi32>
    %add3A_109 = arith.addi %get3A_107, %mul3A_108 : vector<16xi32>
    %swap3A_110 = arith.constant 48 : index
    %swap3A_111 = tpu.vector_load %arg13[%swap3A_110] {strides = array<i32>} : memref<64xi32, #tpu.memory_space<vmem>>, vector<16xi32>,
    tpu.vector_store %arg13[%swap3A_110], %add3A_109 {strides = array<i32>} : memref<64xi32, #tpu.memory_space<vmem>>, vector<16xi32>,
    %reduce_sum3A_112 = arith.constant true
    %reduce_sum3A_113 = vector.broadcast %reduce_sum3A_112 : i1 to vector<16xi1>
    %reduce_sum3A_114 = tpu.scan <sum>, %convert_element_type3A_99 masked %reduce_sum3A_113 : vector<16xi32>, vector<16xi1> -> vector<16xi32>
    %reduce_sum3A_115 = vector.extract %reduce_sum3A_114[15] : i32 from vector<16xi32>
    %add3A_116 = arith.addi %add3A_93, %reduce_sum3A_115 : i32
    %get3A_117 = arith.constant 0 : index
    %get3A_118 = tpu.vector_load %arg11[%get3A_117] {strides = array<i32>} : memref<64xi32, #tpu.memory_space<vmem>>, vector<16xi32>,
    %eq3A_119 = arith.constant 0 : i32
    %eq3A_120 = vector.broadcast %eq3A_119 : i32 to vector<16xi32>
    %eq3A_121 = arith.cmpi eq, %get3A_118, %eq3A_120 : vector<16xi32>
    %convert_element_type3A_122 = arith.extui %eq3A_121 : vector<16xi1> to vector<16xi32>
    %broadcast_in_dim3A_123 = arith.constant true
    %broadcast_in_dim3A_124 = vector.broadcast %broadcast_in_dim3A_123 : i1 to vector<16xi1>
    %masked_cumsum3A_125 = tpu.scan <sum>, %convert_element_type3A_122 masked %broadcast_in_dim3A_124 : vector<16xi32>, vector<16xi1> -> vector<16xi32>
    %sub3A_126 = arith.subi %masked_cumsum3A_125, %convert_element_type3A_122 : vector<16xi32>
    %add3A_127 = vector.broadcast %add3A_116 : i32 to vector<16xi32>
    %add3A_128 = arith.addi %sub3A_126, %add3A_127 : vector<16xi32>
    %get3A_129 = arith.constant 0 : index
    %get3A_130 = tpu.vector_load %arg14[%get3A_129] {strides = array<i32>} : memref<64xi32, #tpu.memory_space<vmem>>, vector<16xi32>,
    %mul3A_131 = arith.muli %convert_element_type3A_122, %add3A_128 : vector<16xi32>
    %add3A_132 = arith.addi %get3A_130, %mul3A_131 : vector<16xi32>
    %swap3A_133 = arith.constant 0 : index
    %swap3A_134 = tpu.vector_load %arg14[%swap3A_133] {strides = array<i32>} : memref<64xi32, #tpu.memory_space<vmem>>, vector<16xi32>,
    tpu.vector_store %arg14[%swap3A_133], %add3A_132 {strides = array<i32>} : memref<64xi32, #tpu.memory_space<vmem>>, vector<16xi32>,
    %reduce_sum3A_135 = arith.constant true
    %reduce_sum3A_136 = vector.broadcast %reduce_sum3A_135 : i1 to vector<16xi1>
    %reduce_sum3A_137 = tpu.scan <sum>, %convert_element_type3A_122 masked %reduce_sum3A_136 : vector<16xi32>, vector<16xi1> -> vector<16xi32>
    %reduce_sum3A_138 = vector.extract %reduce_sum3A_137[15] : i32 from vector<16xi32>
    %add3A_139 = arith.addi %add3A_116, %reduce_sum3A_138 : i32
    %get3A_140 = arith.constant 16 : index
    %get3A_141 = tpu.vector_load %arg11[%get3A_140] {strides = array<i32>} : memref<64xi32, #tpu.memory_space<vmem>>, vector<16xi32>,
    %eq3A_142 = arith.constant 0 : i32
    %eq3A_143 = vector.broadcast %eq3A_142 : i32 to vector<16xi32>
    %eq3A_144 = arith.cmpi eq, %get3A_141, %eq3A_143 : vector<16xi32>
    %convert_element_type3A_145 = arith.extui %eq3A_144 : vector<16xi1> to vector<16xi32>
    %broadcast_in_dim3A_146 = arith.constant true
    %broadcast_in_dim3A_147 = vector.broadcast %broadcast_in_dim3A_146 : i1 to vector<16xi1>
    %masked_cumsum3A_148 = tpu.scan <sum>, %convert_element_type3A_145 masked %broadcast_in_dim3A_147 : vector<16xi32>, vector<16xi1> -> vector<16xi32>
    %sub3A_149 = arith.subi %masked_cumsum3A_148, %convert_element_type3A_145 : vector<16xi32>
    %add3A_150 = vector.broadcast %add3A_139 : i32 to vector<16xi32>
    %add3A_151 = arith.addi %sub3A_149, %add3A_150 : vector<16xi32>
    %get3A_152 = arith.constant 16 : index
    %get3A_153 = tpu.vector_load %arg14[%get3A_152] {strides = array<i32>} : memref<64xi32, #tpu.memory_space<vmem>>, vector<16xi32>,
    %mul3A_154 = arith.muli %convert_element_type3A_145, %add3A_151 : vector<16xi32>
    %add3A_155 = arith.addi %get3A_153, %mul3A_154 : vector<16xi32>
    %swap3A_156 = arith.constant 16 : index
    %swap3A_157 = tpu.vector_load %arg14[%swap3A_156] {strides = array<i32>} : memref<64xi32, #tpu.memory_space<vmem>>, vector<16xi32>,
    tpu.vector_store %arg14[%swap3A_156], %add3A_155 {strides = array<i32>} : memref<64xi32, #tpu.memory_space<vmem>>, vector<16xi32>,
    %reduce_sum3A_158 = arith.constant true
    %reduce_sum3A_159 = vector.broadcast %reduce_sum3A_158 : i1 to vector<16xi1>
    %reduce_sum3A_160 = tpu.scan <sum>, %convert_element_type3A_145 masked %reduce_sum3A_159 : vector<16xi32>, vector<16xi1> -> vector<16xi32>
    %reduce_sum3A_161 = vector.extract %reduce_sum3A_160[15] : i32 from vector<16xi32>
    %add3A_162 = arith.addi %add3A_139, %reduce_sum3A_161 : i32
    %get3A_163 = arith.constant 32 : index
    %get3A_164 = tpu.vector_load %arg11[%get3A_163] {strides = array<i32>} : memref<64xi32, #tpu.memory_space<vmem>>, vector<16xi32>,
    %eq3A_165 = arith.constant 0 : i32
    %eq3A_166 = vector.broadcast %eq3A_165 : i32 to vector<16xi32>
    %eq3A_167 = arith.cmpi eq, %get3A_164, %eq3A_166 : vector<16xi32>
    %convert_element_type3A_168 = arith.extui %eq3A_167 : vector<16xi1> to vector<16xi32>
    %broadcast_in_dim3A_169 = arith.constant true
    %broadcast_in_dim3A_170 = vector.broadcast %broadcast_in_dim3A_169 : i1 to vector<16xi1>
    %masked_cumsum3A_171 = tpu.scan <sum>, %convert_element_type3A_168 masked %broadcast_in_dim3A_170 : vector<16xi32>, vector<16xi1> -> vector<16xi32>
    %sub3A_172 = arith.subi %masked_cumsum3A_171, %convert_element_type3A_168 : vector<16xi32>
    %add3A_173 = vector.broadcast %add3A_162 : i32 to vector<16xi32>
    %add3A_174 = arith.addi %sub3A_172, %add3A_173 : vector<16xi32>
    %get3A_175 = arith.constant 32 : index
    %get3A_176 = tpu.vector_load %arg14[%get3A_175] {strides = array<i32>} : memref<64xi32, #tpu.memory_space<vmem>>, vector<16xi32>,
    %mul3A_177 = arith.muli %convert_element_type3A_168, %add3A_174 : vector<16xi32>
    %add3A_178 = arith.addi %get3A_176, %mul3A_177 : vector<16xi32>
    %swap3A_179 = arith.constant 32 : index
    %swap3A_180 = tpu.vector_load %arg14[%swap3A_179] {strides = array<i32>} : memref<64xi32, #tpu.memory_space<vmem>>, vector<16xi32>,
    tpu.vector_store %arg14[%swap3A_179], %add3A_178 {strides = array<i32>} : memref<64xi32, #tpu.memory_space<vmem>>, vector<16xi32>,
    %reduce_sum3A_181 = arith.constant true
    %reduce_sum3A_182 = vector.broadcast %reduce_sum3A_181 : i1 to vector<16xi1>
    %reduce_sum3A_183 = tpu.scan <sum>, %convert_element_type3A_168 masked %reduce_sum3A_182 : vector<16xi32>, vector<16xi1> -> vector<16xi32>
    %reduce_sum3A_184 = vector.extract %reduce_sum3A_183[15] : i32 from vector<16xi32>
    %add3A_185 = arith.addi %add3A_162, %reduce_sum3A_184 : i32
    %get3A_186 = arith.constant 48 : index
    %get3A_187 = tpu.vector_load %arg11[%get3A_186] {strides = array<i32>} : memref<64xi32, #tpu.memory_space<vmem>>, vector<16xi32>,
    %eq3A_188 = arith.constant 0 : i32
    %eq3A_189 = vector.broadcast %eq3A_188 : i32 to vector<16xi32>
    %eq3A_190 = arith.cmpi eq, %get3A_187, %eq3A_189 : vector<16xi32>
    %convert_element_type3A_191 = arith.extui %eq3A_190 : vector<16xi1> to vector<16xi32>
    %broadcast_in_dim3A_192 = arith.constant true
    %broadcast_in_dim3A_193 = vector.broadcast %broadcast_in_dim3A_192 : i1 to vector<16xi1>
    %masked_cumsum3A_194 = tpu.scan <sum>, %convert_element_type3A_191 masked %broadcast_in_dim3A_193 : vector<16xi32>, vector<16xi1> -> vector<16xi32>
    %sub3A_195 = arith.subi %masked_cumsum3A_194, %convert_element_type3A_191 : vector<16xi32>
    %add3A_196 = vector.broadcast %add3A_185 : i32 to vector<16xi32>
    %add3A_197 = arith.addi %sub3A_195, %add3A_196 : vector<16xi32>
    %get3A_198 = arith.constant 48 : index
    %get3A_199 = tpu.vector_load %arg14[%get3A_198] {strides = array<i32>} : memref<64xi32, #tpu.memory_space<vmem>>, vector<16xi32>,
    %mul3A_200 = arith.muli %convert_element_type3A_191, %add3A_197 : vector<16xi32>
    %add3A_201 = arith.addi %get3A_199, %mul3A_200 : vector<16xi32>
    %swap3A_202 = arith.constant 48 : index
    %swap3A_203 = tpu.vector_load %arg14[%swap3A_202] {strides = array<i32>} : memref<64xi32, #tpu.memory_space<vmem>>, vector<16xi32>,
    tpu.vector_store %arg14[%swap3A_202], %add3A_201 {strides = array<i32>} : memref<64xi32, #tpu.memory_space<vmem>>, vector<16xi32>,
    %reduce_sum3A_204 = arith.constant true
    %reduce_sum3A_205 = vector.broadcast %reduce_sum3A_204 : i1 to vector<16xi1>
    %reduce_sum3A_206 = tpu.scan <sum>, %convert_element_type3A_191 masked %reduce_sum3A_205 : vector<16xi32>, vector<16xi1> -> vector<16xi32>
    %reduce_sum3A_207 = vector.extract %reduce_sum3A_206[15] : i32 from vector<16xi32>
    %add3A_208 = arith.addi %add3A_185, %reduce_sum3A_207 : i32
    %eq3A_209 = arith.constant 1 : i32
    %eq3A_210 = vector.broadcast %eq3A_209 : i32 to vector<16xi32>
    %eq3A_211 = arith.cmpi eq, %iota3A, %eq3A_210 : vector<16xi32>
    %jit3A_212 = arith.constant 0 : i32
    %broadcast_in_dim3A_213 = vector.broadcast %jit3A_212 : i32 to vector<16xi32>
    %select_n3A_214 = arith.select %eq3A_211, %get3A_5, %broadcast_in_dim3A_213 : vector<16xi1>, vector<16xi32>
    %reduce_sum3A_215 = arith.constant true
    %reduce_sum3A_216 = vector.broadcast %reduce_sum3A_215 : i1 to vector<16xi1>
    %reduce_sum3A_217 = tpu.scan <sum>, %select_n3A_214 masked %reduce_sum3A_216 : vector<16xi32>, vector<16xi1> -> vector<16xi32>
    %reduce_sum3A_218 = vector.extract %reduce_sum3A_217[15] : i32 from vector<16xi32>
    %get3A_219 = arith.constant 0 : index
    %get3A_220 = tpu.vector_load %arg10[%get3A_219] {strides = array<i32>} : memref<64xi32, #tpu.memory_space<vmem>>, vector<16xi32>,
    %eq3A_221 = arith.constant 1 : i32
    %eq3A_222 = vector.broadcast %eq3A_221 : i32 to vector<16xi32>
    %eq3A_223 = arith.cmpi eq, %get3A_220, %eq3A_222 : vector<16xi32>
    %convert_element_type3A_224 = arith.extui %eq3A_223 : vector<16xi1> to vector<16xi32>
    %broadcast_in_dim3A_225 = arith.constant true
    %broadcast_in_dim3A_226 = vector.broadcast %broadcast_in_dim3A_225 : i1 to vector<16xi1>
    %masked_cumsum3A_227 = tpu.scan <sum>, %convert_element_type3A_224 masked %broadcast_in_dim3A_226 : vector<16xi32>, vector<16xi1> -> vector<16xi32>
    %sub3A_228 = arith.subi %masked_cumsum3A_227, %convert_element_type3A_224 : vector<16xi32>
    %add3A_229 = vector.broadcast %reduce_sum3A_218 : i32 to vector<16xi32>
    %add3A_230 = arith.addi %sub3A_228, %add3A_229 : vector<16xi32>
    %get3A_231 = arith.constant 0 : index
    %get3A_232 = tpu.vector_load %arg13[%get3A_231] {strides = array<i32>} : memref<64xi32, #tpu.memory_space<vmem>>, vector<16xi32>,
    %mul3A_233 = arith.muli %convert_element_type3A_224, %add3A_230 : vector<16xi32>
    %add3A_234 = arith.addi %get3A_232, %mul3A_233 : vector<16xi32>
    %swap3A_235 = arith.constant 0 : index
    %swap3A_236 = tpu.vector_load %arg13[%swap3A_235] {strides = array<i32>} : memref<64xi32, #tpu.memory_space<vmem>>, vector<16xi32>,
    tpu.vector_store %arg13[%swap3A_235], %add3A_234 {strides = array<i32>} : memref<64xi32, #tpu.memory_space<vmem>>, vector<16xi32>,
    %reduce_sum3A_237 = arith.constant true
    %reduce_sum3A_238 = vector.broadcast %reduce_sum3A_237 : i1 to vector<16xi1>
    %reduce_sum3A_239 = tpu.scan <sum>, %convert_element_type3A_224 masked %reduce_sum3A_238 : vector<16xi32>, vector<16xi1> -> vector<16xi32>
    %reduce_sum3A_240 = vector.extract %reduce_sum3A_239[15] : i32 from vector<16xi32>
    %add3A_241 = arith.addi %reduce_sum3A_218, %reduce_sum3A_240 : i32
    %get3A_242 = arith.constant 16 : index
    %get3A_243 = tpu.vector_load %arg10[%get3A_242] {strides = array<i32>} : memref<64xi32, #tpu.memory_space<vmem>>, vector<16xi32>,
    %eq3A_244 = arith.constant 1 : i32
    %eq3A_245 = vector.broadcast %eq3A_244 : i32 to vector<16xi32>
    %eq3A_246 = arith.cmpi eq, %get3A_243, %eq3A_245 : vector<16xi32>
    %convert_element_type3A_247 = arith.extui %eq3A_246 : vector<16xi1> to vector<16xi32>
    %broadcast_in_dim3A_248 = arith.constant true
    %broadcast_in_dim3A_249 = vector.broadcast %broadcast_in_dim3A_248 : i1 to vector<16xi1>
    %masked_cumsum3A_250 = tpu.scan <sum>, %convert_element_type3A_247 masked %broadcast_in_dim3A_249 : vector<16xi32>, vector<16xi1> -> vector<16xi32>
    %sub3A_251 = arith.subi %masked_cumsum3A_250, %convert_element_type3A_247 : vector<16xi32>
    %add3A_252 = vector.broadcast %add3A_241 : i32 to vector<16xi32>
    %add3A_253 = arith.addi %sub3A_251, %add3A_252 : vector<16xi32>
    %get3A_254 = arith.constant 16 : index
    %get3A_255 = tpu.vector_load %arg13[%get3A_254] {strides = array<i32>} : memref<64xi32, #tpu.memory_space<vmem>>, vector<16xi32>,
    %mul3A_256 = arith.muli %convert_element_type3A_247, %add3A_253 : vector<16xi32>
    %add3A_257 = arith.addi %get3A_255, %mul3A_256 : vector<16xi32>
    %swap3A_258 = arith.constant 16 : index
    %swap3A_259 = tpu.vector_load %arg13[%swap3A_258] {strides = array<i32>} : memref<64xi32, #tpu.memory_space<vmem>>, vector<16xi32>,
    tpu.vector_store %arg13[%swap3A_258], %add3A_257 {strides = array<i32>} : memref<64xi32, #tpu.memory_space<vmem>>, vector<16xi32>,
    %reduce_sum3A_260 = arith.constant true
    %reduce_sum3A_261 = vector.broadcast %reduce_sum3A_260 : i1 to vector<16xi1>
    %reduce_sum3A_262 = tpu.scan <sum>, %convert_element_type3A_247 masked %reduce_sum3A_261 : vector<16xi32>, vector<16xi1> -> vector<16xi32>
    %reduce_sum3A_263 = vector.extract %reduce_sum3A_262[15] : i32 from vector<16xi32>
    %add3A_264 = arith.addi %add3A_241, %reduce_sum3A_263 : i32
    %get3A_265 = arith.constant 32 : index
    %get3A_266 = tpu.vector_load %arg10[%get3A_265] {strides = array<i32>} : memref<64xi32, #tpu.memory_space<vmem>>, vector<16xi32>,
    %eq3A_267 = arith.constant 1 : i32
    %eq3A_268 = vector.broadcast %eq3A_267 : i32 to vector<16xi32>
    %eq3A_269 = arith.cmpi eq, %get3A_266, %eq3A_268 : vector<16xi32>
    %convert_element_type3A_270 = arith.extui %eq3A_269 : vector<16xi1> to vector<16xi32>
    %broadcast_in_dim3A_271 = arith.constant true
    %broadcast_in_dim3A_272 = vector.broadcast %broadcast_in_dim3A_271 : i1 to vector<16xi1>
    %masked_cumsum3A_273 = tpu.scan <sum>, %convert_element_type3A_270 masked %broadcast_in_dim3A_272 : vector<16xi32>, vector<16xi1> -> vector<16xi32>
    %sub3A_274 = arith.subi %masked_cumsum3A_273, %convert_element_type3A_270 : vector<16xi32>
    %add3A_275 = vector.broadcast %add3A_264 : i32 to vector<16xi32>
    %add3A_276 = arith.addi %sub3A_274, %add3A_275 : vector<16xi32>
    %get3A_277 = arith.constant 32 : index
    %get3A_278 = tpu.vector_load %arg13[%get3A_277] {strides = array<i32>} : memref<64xi32, #tpu.memory_space<vmem>>, vector<16xi32>,
    %mul3A_279 = arith.muli %convert_element_type3A_270, %add3A_276 : vector<16xi32>
    %add3A_280 = arith.addi %get3A_278, %mul3A_279 : vector<16xi32>
    %swap3A_281 = arith.constant 32 : index
    %swap3A_282 = tpu.vector_load %arg13[%swap3A_281] {strides = array<i32>} : memref<64xi32, #tpu.memory_space<vmem>>, vector<16xi32>,
    tpu.vector_store %arg13[%swap3A_281], %add3A_280 {strides = array<i32>} : memref<64xi32, #tpu.memory_space<vmem>>, vector<16xi32>,
    %reduce_sum3A_283 = arith.constant true
    %reduce_sum3A_284 = vector.broadcast %reduce_sum3A_283 : i1 to vector<16xi1>
    %reduce_sum3A_285 = tpu.scan <sum>, %convert_element_type3A_270 masked %reduce_sum3A_284 : vector<16xi32>, vector<16xi1> -> vector<16xi32>
    %reduce_sum3A_286 = vector.extract %reduce_sum3A_285[15] : i32 from vector<16xi32>
    %add3A_287 = arith.addi %add3A_264, %reduce_sum3A_286 : i32
    %get3A_288 = arith.constant 48 : index
    %get3A_289 = tpu.vector_load %arg10[%get3A_288] {strides = array<i32>} : memref<64xi32, #tpu.memory_space<vmem>>, vector<16xi32>,
    %eq3A_290 = arith.constant 1 : i32
    %eq3A_291 = vector.broadcast %eq3A_290 : i32 to vector<16xi32>
    %eq3A_292 = arith.cmpi eq, %get3A_289, %eq3A_291 : vector<16xi32>
    %convert_element_type3A_293 = arith.extui %eq3A_292 : vector<16xi1> to vector<16xi32>
    %broadcast_in_dim3A_294 = arith.constant true
    %broadcast_in_dim3A_295 = vector.broadcast %broadcast_in_dim3A_294 : i1 to vector<16xi1>
    %masked_cumsum3A_296 = tpu.scan <sum>, %convert_element_type3A_293 masked %broadcast_in_dim3A_295 : vector<16xi32>, vector<16xi1> -> vector<16xi32>
    %sub3A_297 = arith.subi %masked_cumsum3A_296, %convert_element_type3A_293 : vector<16xi32>
    %add3A_298 = vector.broadcast %add3A_287 : i32 to vector<16xi32>
    %add3A_299 = arith.addi %sub3A_297, %add3A_298 : vector<16xi32>
    %get3A_300 = arith.constant 48 : index
    %get3A_301 = tpu.vector_load %arg13[%get3A_300] {strides = array<i32>} : memref<64xi32, #tpu.memory_space<vmem>>, vector<16xi32>,
    %mul3A_302 = arith.muli %convert_element_type3A_293, %add3A_299 : vector<16xi32>
    %add3A_303 = arith.addi %get3A_301, %mul3A_302 : vector<16xi32>
    %swap3A_304 = arith.constant 48 : index
    %swap3A_305 = tpu.vector_load %arg13[%swap3A_304] {strides = array<i32>} : memref<64xi32, #tpu.memory_space<vmem>>, vector<16xi32>,
    tpu.vector_store %arg13[%swap3A_304], %add3A_303 {strides = array<i32>} : memref<64xi32, #tpu.memory_space<vmem>>, vector<16xi32>,
    %reduce_sum3A_306 = arith.constant true
    %reduce_sum3A_307 = vector.broadcast %reduce_sum3A_306 : i1 to vector<16xi1>
    %reduce_sum3A_308 = tpu.scan <sum>, %convert_element_type3A_293 masked %reduce_sum3A_307 : vector<16xi32>, vector<16xi1> -> vector<16xi32>
    %reduce_sum3A_309 = vector.extract %reduce_sum3A_308[15] : i32 from vector<16xi32>
    %add3A_310 = arith.addi %add3A_287, %reduce_sum3A_309 : i32
    %get3A_311 = arith.constant 0 : index
    %get3A_312 = tpu.vector_load %arg11[%get3A_311] {strides = array<i32>} : memref<64xi32, #tpu.memory_space<vmem>>, vector<16xi32>,
    %eq3A_313 = arith.constant 1 : i32
    %eq3A_314 = vector.broadcast %eq3A_313 : i32 to vector<16xi32>
    %eq3A_315 = arith.cmpi eq, %get3A_312, %eq3A_314 : vector<16xi32>
    %convert_element_type3A_316 = arith.extui %eq3A_315 : vector<16xi1> to vector<16xi32>
    %broadcast_in_dim3A_317 = arith.constant true
    %broadcast_in_dim3A_318 = vector.broadcast %broadcast_in_dim3A_317 : i1 to vector<16xi1>
    %masked_cumsum3A_319 = tpu.scan <sum>, %convert_element_type3A_316 masked %broadcast_in_dim3A_318 : vector<16xi32>, vector<16xi1> -> vector<16xi32>
    %sub3A_320 = arith.subi %masked_cumsum3A_319, %convert_element_type3A_316 : vector<16xi32>
    %add3A_321 = vector.broadcast %add3A_310 : i32 to vector<16xi32>
    %add3A_322 = arith.addi %sub3A_320, %add3A_321 : vector<16xi32>
    %get3A_323 = arith.constant 0 : index
    %get3A_324 = tpu.vector_load %arg14[%get3A_323] {strides = array<i32>} : memref<64xi32, #tpu.memory_space<vmem>>, vector<16xi32>,
    %mul3A_325 = arith.muli %convert_element_type3A_316, %add3A_322 : vector<16xi32>
    %add3A_326 = arith.addi %get3A_324, %mul3A_325 : vector<16xi32>
    %swap3A_327 = arith.constant 0 : index
    %swap3A_328 = tpu.vector_load %arg14[%swap3A_327] {strides = array<i32>} : memref<64xi32, #tpu.memory_space<vmem>>, vector<16xi32>,
    tpu.vector_store %arg14[%swap3A_327], %add3A_326 {strides = array<i32>} : memref<64xi32, #tpu.memory_space<vmem>>, vector<16xi32>,
    %reduce_sum3A_329 = arith.constant true
    %reduce_sum3A_330 = vector.broadcast %reduce_sum3A_329 : i1 to vector<16xi1>
    %reduce_sum3A_331 = tpu.scan <sum>, %convert_element_type3A_316 masked %reduce_sum3A_330 : vector<16xi32>, vector<16xi1> -> vector<16xi32>
    %reduce_sum3A_332 = vector.extract %reduce_sum3A_331[15] : i32 from vector<16xi32>
    %add3A_333 = arith.addi %add3A_310, %reduce_sum3A_332 : i32
    %get3A_334 = arith.constant 16 : index
    %get3A_335 = tpu.vector_load %arg11[%get3A_334] {strides = array<i32>} : memref<64xi32, #tpu.memory_space<vmem>>, vector<16xi32>,
    %eq3A_336 = arith.constant 1 : i32
    %eq3A_337 = vector.broadcast %eq3A_336 : i32 to vector<16xi32>
    %eq3A_338 = arith.cmpi eq, %get3A_335, %eq3A_337 : vector<16xi32>
    %convert_element_type3A_339 = arith.extui %eq3A_338 : vector<16xi1> to vector<16xi32>
    %broadcast_in_dim3A_340 = arith.constant true
    %broadcast_in_dim3A_341 = vector.broadcast %broadcast_in_dim3A_340 : i1 to vector<16xi1>
    %masked_cumsum3A_342 = tpu.scan <sum>, %convert_element_type3A_339 masked %broadcast_in_dim3A_341 : vector<16xi32>, vector<16xi1> -> vector<16xi32>
    %sub3A_343 = arith.subi %masked_cumsum3A_342, %convert_element_type3A_339 : vector<16xi32>
    %add3A_344 = vector.broadcast %add3A_333 : i32 to vector<16xi32>
    %add3A_345 = arith.addi %sub3A_343, %add3A_344 : vector<16xi32>
    %get3A_346 = arith.constant 16 : index
    %get3A_347 = tpu.vector_load %arg14[%get3A_346] {strides = array<i32>} : memref<64xi32, #tpu.memory_space<vmem>>, vector<16xi32>,
    %mul3A_348 = arith.muli %convert_element_type3A_339, %add3A_345 : vector<16xi32>
    %add3A_349 = arith.addi %get3A_347, %mul3A_348 : vector<16xi32>
    %swap3A_350 = arith.constant 16 : index
    %swap3A_351 = tpu.vector_load %arg14[%swap3A_350] {strides = array<i32>} : memref<64xi32, #tpu.memory_space<vmem>>, vector<16xi32>,
    tpu.vector_store %arg14[%swap3A_350], %add3A_349 {strides = array<i32>} : memref<64xi32, #tpu.memory_space<vmem>>, vector<16xi32>,
    %reduce_sum3A_352 = arith.constant true
    %reduce_sum3A_353 = vector.broadcast %reduce_sum3A_352 : i1 to vector<16xi1>
    %reduce_sum3A_354 = tpu.scan <sum>, %convert_element_type3A_339 masked %reduce_sum3A_353 : vector<16xi32>, vector<16xi1> -> vector<16xi32>
    %reduce_sum3A_355 = vector.extract %reduce_sum3A_354[15] : i32 from vector<16xi32>
    %add3A_356 = arith.addi %add3A_333, %reduce_sum3A_355 : i32
    %get3A_357 = arith.constant 32 : index
    %get3A_358 = tpu.vector_load %arg11[%get3A_357] {strides = array<i32>} : memref<64xi32, #tpu.memory_space<vmem>>, vector<16xi32>,
    %eq3A_359 = arith.constant 1 : i32
    %eq3A_360 = vector.broadcast %eq3A_359 : i32 to vector<16xi32>
    %eq3A_361 = arith.cmpi eq, %get3A_358, %eq3A_360 : vector<16xi32>
    %convert_element_type3A_362 = arith.extui %eq3A_361 : vector<16xi1> to vector<16xi32>
    %broadcast_in_dim3A_363 = arith.constant true
    %broadcast_in_dim3A_364 = vector.broadcast %broadcast_in_dim3A_363 : i1 to vector<16xi1>
    %masked_cumsum3A_365 = tpu.scan <sum>, %convert_element_type3A_362 masked %broadcast_in_dim3A_364 : vector<16xi32>, vector<16xi1> -> vector<16xi32>
    %sub3A_366 = arith.subi %masked_cumsum3A_365, %convert_element_type3A_362 : vector<16xi32>
    %add3A_367 = vector.broadcast %add3A_356 : i32 to vector<16xi32>
    %add3A_368 = arith.addi %sub3A_366, %add3A_367 : vector<16xi32>
    %get3A_369 = arith.constant 32 : index
    %get3A_370 = tpu.vector_load %arg14[%get3A_369] {strides = array<i32>} : memref<64xi32, #tpu.memory_space<vmem>>, vector<16xi32>,
    %mul3A_371 = arith.muli %convert_element_type3A_362, %add3A_368 : vector<16xi32>
    %add3A_372 = arith.addi %get3A_370, %mul3A_371 : vector<16xi32>
    %swap3A_373 = arith.constant 32 : index
    %swap3A_374 = tpu.vector_load %arg14[%swap3A_373] {strides = array<i32>} : memref<64xi32, #tpu.memory_space<vmem>>, vector<16xi32>,
    tpu.vector_store %arg14[%swap3A_373], %add3A_372 {strides = array<i32>} : memref<64xi32, #tpu.memory_space<vmem>>, vector<16xi32>,
    %reduce_sum3A_375 = arith.constant true
    %reduce_sum3A_376 = vector.broadcast %reduce_sum3A_375 : i1 to vector<16xi1>
    %reduce_sum3A_377 = tpu.scan <sum>, %convert_element_type3A_362 masked %reduce_sum3A_376 : vector<16xi32>, vector<16xi1> -> vector<16xi32>
    %reduce_sum3A_378 = vector.extract %reduce_sum3A_377[15] : i32 from vector<16xi32>
    %add3A_379 = arith.addi %add3A_356, %reduce_sum3A_378 : i32
    %get3A_380 = arith.constant 48 : index
    %get3A_381 = tpu.vector_load %arg11[%get3A_380] {strides = array<i32>} : memref<64xi32, #tpu.memory_space<vmem>>, vector<16xi32>,
    %eq3A_382 = arith.constant 1 : i32
    %eq3A_383 = vector.broadcast %eq3A_382 : i32 to vector<16xi32>
    %eq3A_384 = arith.cmpi eq, %get3A_381, %eq3A_383 : vector<16xi32>
    %convert_element_type3A_385 = arith.extui %eq3A_384 : vector<16xi1> to vector<16xi32>
    %broadcast_in_dim3A_386 = arith.constant true
    %broadcast_in_dim3A_387 = vector.broadcast %broadcast_in_dim3A_386 : i1 to vector<16xi1>
    %masked_cumsum3A_388 = tpu.scan <sum>, %convert_element_type3A_385 masked %broadcast_in_dim3A_387 : vector<16xi32>, vector<16xi1> -> vector<16xi32>
    %sub3A_389 = arith.subi %masked_cumsum3A_388, %convert_element_type3A_385 : vector<16xi32>
    %add3A_390 = vector.broadcast %add3A_379 : i32 to vector<16xi32>
    %add3A_391 = arith.addi %sub3A_389, %add3A_390 : vector<16xi32>
    %get3A_392 = arith.constant 48 : index
    %get3A_393 = tpu.vector_load %arg14[%get3A_392] {strides = array<i32>} : memref<64xi32, #tpu.memory_space<vmem>>, vector<16xi32>,
    %mul3A_394 = arith.muli %convert_element_type3A_385, %add3A_391 : vector<16xi32>
    %add3A_395 = arith.addi %get3A_393, %mul3A_394 : vector<16xi32>
    %swap3A_396 = arith.constant 48 : index
    %swap3A_397 = tpu.vector_load %arg14[%swap3A_396] {strides = array<i32>} : memref<64xi32, #tpu.memory_space<vmem>>, vector<16xi32>,
    tpu.vector_store %arg14[%swap3A_396], %add3A_395 {strides = array<i32>} : memref<64xi32, #tpu.memory_space<vmem>>, vector<16xi32>,
    %reduce_sum3A_398 = arith.constant true
    %reduce_sum3A_399 = vector.broadcast %reduce_sum3A_398 : i1 to vector<16xi1>
    %reduce_sum3A_400 = tpu.scan <sum>, %convert_element_type3A_385 masked %reduce_sum3A_399 : vector<16xi32>, vector<16xi1> -> vector<16xi32>
    %reduce_sum3A_401 = vector.extract %reduce_sum3A_400[15] : i32 from vector<16xi32>
    %add3A_402 = arith.addi %add3A_379, %reduce_sum3A_401 : i32
    %eq3A_403 = arith.constant 2 : i32
    %eq3A_404 = vector.broadcast %eq3A_403 : i32 to vector<16xi32>
    %eq3A_405 = arith.cmpi eq, %iota3A, %eq3A_404 : vector<16xi32>
    %jit3A_406 = arith.constant 0 : i32
    %broadcast_in_dim3A_407 = vector.broadcast %jit3A_406 : i32 to vector<16xi32>
    %select_n3A_408 = arith.select %eq3A_405, %get3A_5, %broadcast_in_dim3A_407 : vector<16xi1>, vector<16xi32>
    %reduce_sum3A_409 = arith.constant true
    %reduce_sum3A_410 = vector.broadcast %reduce_sum3A_409 : i1 to vector<16xi1>
    %reduce_sum3A_411 = tpu.scan <sum>, %select_n3A_408 masked %reduce_sum3A_410 : vector<16xi32>, vector<16xi1> -> vector<16xi32>
    %reduce_sum3A_412 = vector.extract %reduce_sum3A_411[15] : i32 from vector<16xi32>
    %get3A_413 = arith.constant 0 : index
    %get3A_414 = tpu.vector_load %arg10[%get3A_413] {strides = array<i32>} : memref<64xi32, #tpu.memory_space<vmem>>, vector<16xi32>,
    %eq3A_415 = arith.constant 2 : i32
    %eq3A_416 = vector.broadcast %eq3A_415 : i32 to vector<16xi32>
    %eq3A_417 = arith.cmpi eq, %get3A_414, %eq3A_416 : vector<16xi32>
    %convert_element_type3A_418 = arith.extui %eq3A_417 : vector<16xi1> to vector<16xi32>
    %broadcast_in_dim3A_419 = arith.constant true
    %broadcast_in_dim3A_420 = vector.broadcast %broadcast_in_dim3A_419 : i1 to vector<16xi1>
    %masked_cumsum3A_421 = tpu.scan <sum>, %convert_element_type3A_418 masked %broadcast_in_dim3A_420 : vector<16xi32>, vector<16xi1> -> vector<16xi32>
    %sub3A_422 = arith.subi %masked_cumsum3A_421, %convert_element_type3A_418 : vector<16xi32>
    %add3A_423 = vector.broadcast %reduce_sum3A_412 : i32 to vector<16xi32>
    %add3A_424 = arith.addi %sub3A_422, %add3A_423 : vector<16xi32>
    %get3A_425 = arith.constant 0 : index
    %get3A_426 = tpu.vector_load %arg13[%get3A_425] {strides = array<i32>} : memref<64xi32, #tpu.memory_space<vmem>>, vector<16xi32>,
    %mul3A_427 = arith.muli %convert_element_type3A_418, %add3A_424 : vector<16xi32>
    %add3A_428 = arith.addi %get3A_426, %mul3A_427 : vector<16xi32>
    %swap3A_429 = arith.constant 0 : index
    %swap3A_430 = tpu.vector_load %arg13[%swap3A_429] {strides = array<i32>} : memref<64xi32, #tpu.memory_space<vmem>>, vector<16xi32>,
    tpu.vector_store %arg13[%swap3A_429], %add3A_428 {strides = array<i32>} : memref<64xi32, #tpu.memory_space<vmem>>, vector<16xi32>,
    %reduce_sum3A_431 = arith.constant true
    %reduce_sum3A_432 = vector.broadcast %reduce_sum3A_431 : i1 to vector<16xi1>
    %reduce_sum3A_433 = tpu.scan <sum>, %convert_element_type3A_418 masked %reduce_sum3A_432 : vector<16xi32>, vector<16xi1> -> vector<16xi32>
    %reduce_sum3A_434 = vector.extract %reduce_sum3A_433[15] : i32 from vector<16xi32>
    %add3A_435 = arith.addi %reduce_sum3A_412, %reduce_sum3A_434 : i32
    %get3A_436 = arith.constant 16 : index
    %get3A_437 = tpu.vector_load %arg10[%get3A_436] {strides = array<i32>} : memref<64xi32, #tpu.memory_space<vmem>>, vector<16xi32>,
    %eq3A_438 = arith.constant 2 : i32
    %eq3A_439 = vector.broadcast %eq3A_438 : i32 to vector<16xi32>
    %eq3A_440 = arith.cmpi eq, %get3A_437, %eq3A_439 : vector<16xi32>
    %convert_element_type3A_441 = arith.extui %eq3A_440 : vector<16xi1> to vector<16xi32>
    %broadcast_in_dim3A_442 = arith.constant true
    %broadcast_in_dim3A_443 = vector.broadcast %broadcast_in_dim3A_442 : i1 to vector<16xi1>
    %masked_cumsum3A_444 = tpu.scan <sum>, %convert_element_type3A_441 masked %broadcast_in_dim3A_443 : vector<16xi32>, vector<16xi1> -> vector<16xi32>
    %sub3A_445 = arith.subi %masked_cumsum3A_444, %convert_element_type3A_441 : vector<16xi32>
    %add3A_446 = vector.broadcast %add3A_435 : i32 to vector<16xi32>
    %add3A_447 = arith.addi %sub3A_445, %add3A_446 : vector<16xi32>
    %get3A_448 = arith.constant 16 : index
    %get3A_449 = tpu.vector_load %arg13[%get3A_448] {strides = array<i32>} : memref<64xi32, #tpu.memory_space<vmem>>, vector<16xi32>,
    %mul3A_450 = arith.muli %convert_element_type3A_441, %add3A_447 : vector<16xi32>
    %add3A_451 = arith.addi %get3A_449, %mul3A_450 : vector<16xi32>
    %swap3A_452 = arith.constant 16 : index
    %swap3A_453 = tpu.vector_load %arg13[%swap3A_452] {strides = array<i32>} : memref<64xi32, #tpu.memory_space<vmem>>, vector<16xi32>,
    tpu.vector_store %arg13[%swap3A_452], %add3A_451 {strides = array<i32>} : memref<64xi32, #tpu.memory_space<vmem>>, vector<16xi32>,
    %reduce_sum3A_454 = arith.constant true
    %reduce_sum3A_455 = vector.broadcast %reduce_sum3A_454 : i1 to vector<16xi1>
    %reduce_sum3A_456 = tpu.scan <sum>, %convert_element_type3A_441 masked %reduce_sum3A_455 : vector<16xi32>, vector<16xi1> -> vector<16xi32>
    %reduce_sum3A_457 = vector.extract %reduce_sum3A_456[15] : i32 from vector<16xi32>
    %add3A_458 = arith.addi %add3A_435, %reduce_sum3A_457 : i32
    %get3A_459 = arith.constant 32 : index
    %get3A_460 = tpu.vector_load %arg10[%get3A_459] {strides = array<i32>} : memref<64xi32, #tpu.memory_space<vmem>>, vector<16xi32>,
    %eq3A_461 = arith.constant 2 : i32
    %eq3A_462 = vector.broadcast %eq3A_461 : i32 to vector<16xi32>
    %eq3A_463 = arith.cmpi eq, %get3A_460, %eq3A_462 : vector<16xi32>
    %convert_element_type3A_464 = arith.extui %eq3A_463 : vector<16xi1> to vector<16xi32>
    %broadcast_in_dim3A_465 = arith.constant true
    %broadcast_in_dim3A_466 = vector.broadcast %broadcast_in_dim3A_465 : i1 to vector<16xi1>
    %masked_cumsum3A_467 = tpu.scan <sum>, %convert_element_type3A_464 masked %broadcast_in_dim3A_466 : vector<16xi32>, vector<16xi1> -> vector<16xi32>
    %sub3A_468 = arith.subi %masked_cumsum3A_467, %convert_element_type3A_464 : vector<16xi32>
    %add3A_469 = vector.broadcast %add3A_458 : i32 to vector<16xi32>
    %add3A_470 = arith.addi %sub3A_468, %add3A_469 : vector<16xi32>
    %get3A_471 = arith.constant 32 : index
    %get3A_472 = tpu.vector_load %arg13[%get3A_471] {strides = array<i32>} : memref<64xi32, #tpu.memory_space<vmem>>, vector<16xi32>,
    %mul3A_473 = arith.muli %convert_element_type3A_464, %add3A_470 : vector<16xi32>
    %add3A_474 = arith.addi %get3A_472, %mul3A_473 : vector<16xi32>
    %swap3A_475 = arith.constant 32 : index
    %swap3A_476 = tpu.vector_load %arg13[%swap3A_475] {strides = array<i32>} : memref<64xi32, #tpu.memory_space<vmem>>, vector<16xi32>,
    tpu.vector_store %arg13[%swap3A_475], %add3A_474 {strides = array<i32>} : memref<64xi32, #tpu.memory_space<vmem>>, vector<16xi32>,
    %reduce_sum3A_477 = arith.constant true
    %reduce_sum3A_478 = vector.broadcast %reduce_sum3A_477 : i1 to vector<16xi1>
    %reduce_sum3A_479 = tpu.scan <sum>, %convert_element_type3A_464 masked %reduce_sum3A_478 : vector<16xi32>, vector<16xi1> -> vector<16xi32>
    %reduce_sum3A_480 = vector.extract %reduce_sum3A_479[15] : i32 from vector<16xi32>
    %add3A_481 = arith.addi %add3A_458, %reduce_sum3A_480 : i32
    %get3A_482 = arith.constant 48 : index
    %get3A_483 = tpu.vector_load %arg10[%get3A_482] {strides = array<i32>} : memref<64xi32, #tpu.memory_space<vmem>>, vector<16xi32>,
    %eq3A_484 = arith.constant 2 : i32
    %eq3A_485 = vector.broadcast %eq3A_484 : i32 to vector<16xi32>
    %eq3A_486 = arith.cmpi eq, %get3A_483, %eq3A_485 : vector<16xi32>
    %convert_element_type3A_487 = arith.extui %eq3A_486 : vector<16xi1> to vector<16xi32>
    %broadcast_in_dim3A_488 = arith.constant true
    %broadcast_in_dim3A_489 = vector.broadcast %broadcast_in_dim3A_488 : i1 to vector<16xi1>
    %masked_cumsum3A_490 = tpu.scan <sum>, %convert_element_type3A_487 masked %broadcast_in_dim3A_489 : vector<16xi32>, vector<16xi1> -> vector<16xi32>
    %sub3A_491 = arith.subi %masked_cumsum3A_490, %convert_element_type3A_487 : vector<16xi32>
    %add3A_492 = vector.broadcast %add3A_481 : i32 to vector<16xi32>
    %add3A_493 = arith.addi %sub3A_491, %add3A_492 : vector<16xi32>
    %get3A_494 = arith.constant 48 : index
    %get3A_495 = tpu.vector_load %arg13[%get3A_494] {strides = array<i32>} : memref<64xi32, #tpu.memory_space<vmem>>, vector<16xi32>,
    %mul3A_496 = arith.muli %convert_element_type3A_487, %add3A_493 : vector<16xi32>
    %add3A_497 = arith.addi %get3A_495, %mul3A_496 : vector<16xi32>
    %swap3A_498 = arith.constant 48 : index
    %swap3A_499 = tpu.vector_load %arg13[%swap3A_498] {strides = array<i32>} : memref<64xi32, #tpu.memory_space<vmem>>, vector<16xi32>,
    tpu.vector_store %arg13[%swap3A_498], %add3A_497 {strides = array<i32>} : memref<64xi32, #tpu.memory_space<vmem>>, vector<16xi32>,
    %reduce_sum3A_500 = arith.constant true
    %reduce_sum3A_501 = vector.broadcast %reduce_sum3A_500 : i1 to vector<16xi1>
    %reduce_sum3A_502 = tpu.scan <sum>, %convert_element_type3A_487 masked %reduce_sum3A_501 : vector<16xi32>, vector<16xi1> -> vector<16xi32>
    %reduce_sum3A_503 = vector.extract %reduce_sum3A_502[15] : i32 from vector<16xi32>
    %add3A_504 = arith.addi %add3A_481, %reduce_sum3A_503 : i32
    %get3A_505 = arith.constant 0 : index
    %get3A_506 = tpu.vector_load %arg11[%get3A_505] {strides = array<i32>} : memref<64xi32, #tpu.memory_space<vmem>>, vector<16xi32>,
    %eq3A_507 = arith.constant 2 : i32
    %eq3A_508 = vector.broadcast %eq3A_507 : i32 to vector<16xi32>
    %eq3A_509 = arith.cmpi eq, %get3A_506, %eq3A_508 : vector<16xi32>
    %convert_element_type3A_510 = arith.extui %eq3A_509 : vector<16xi1> to vector<16xi32>
    %broadcast_in_dim3A_511 = arith.constant true
    %broadcast_in_dim3A_512 = vector.broadcast %broadcast_in_dim3A_511 : i1 to vector<16xi1>
    %masked_cumsum3A_513 = tpu.scan <sum>, %convert_element_type3A_510 masked %broadcast_in_dim3A_512 : vector<16xi32>, vector<16xi1> -> vector<16xi32>
    %sub3A_514 = arith.subi %masked_cumsum3A_513, %convert_element_type3A_510 : vector<16xi32>
    %add3A_515 = vector.broadcast %add3A_504 : i32 to vector<16xi32>
    %add3A_516 = arith.addi %sub3A_514, %add3A_515 : vector<16xi32>
    %get3A_517 = arith.constant 0 : index
    %get3A_518 = tpu.vector_load %arg14[%get3A_517] {strides = array<i32>} : memref<64xi32, #tpu.memory_space<vmem>>, vector<16xi32>,
    %mul3A_519 = arith.muli %convert_element_type3A_510, %add3A_516 : vector<16xi32>
    %add3A_520 = arith.addi %get3A_518, %mul3A_519 : vector<16xi32>
    %swap3A_521 = arith.constant 0 : index
    %swap3A_522 = tpu.vector_load %arg14[%swap3A_521] {strides = array<i32>} : memref<64xi32, #tpu.memory_space<vmem>>, vector<16xi32>,
    tpu.vector_store %arg14[%swap3A_521], %add3A_520 {strides = array<i32>} : memref<64xi32, #tpu.memory_space<vmem>>, vector<16xi32>,
    %reduce_sum3A_523 = arith.constant true
    %reduce_sum3A_524 = vector.broadcast %reduce_sum3A_523 : i1 to vector<16xi1>
    %reduce_sum3A_525 = tpu.scan <sum>, %convert_element_type3A_510 masked %reduce_sum3A_524 : vector<16xi32>, vector<16xi1> -> vector<16xi32>
    %reduce_sum3A_526 = vector.extract %reduce_sum3A_525[15] : i32 from vector<16xi32>
    %add3A_527 = arith.addi %add3A_504, %reduce_sum3A_526 : i32
    %get3A_528 = arith.constant 16 : index
    %get3A_529 = tpu.vector_load %arg11[%get3A_528] {strides = array<i32>} : memref<64xi32, #tpu.memory_space<vmem>>, vector<16xi32>,
    %eq3A_530 = arith.constant 2 : i32
    %eq3A_531 = vector.broadcast %eq3A_530 : i32 to vector<16xi32>
    %eq3A_532 = arith.cmpi eq, %get3A_529, %eq3A_531 : vector<16xi32>
    %convert_element_type3A_533 = arith.extui %eq3A_532 : vector<16xi1> to vector<16xi32>
    %broadcast_in_dim3A_534 = arith.constant true
    %broadcast_in_dim3A_535 = vector.broadcast %broadcast_in_dim3A_534 : i1 to vector<16xi1>
    %masked_cumsum3A_536 = tpu.scan <sum>, %convert_element_type3A_533 masked %broadcast_in_dim3A_535 : vector<16xi32>, vector<16xi1> -> vector<16xi32>
    %sub3A_537 = arith.subi %masked_cumsum3A_536, %convert_element_type3A_533 : vector<16xi32>
    %add3A_538 = vector.broadcast %add3A_527 : i32 to vector<16xi32>
    %add3A_539 = arith.addi %sub3A_537, %add3A_538 : vector<16xi32>
    %get3A_540 = arith.constant 16 : index
    %get3A_541 = tpu.vector_load %arg14[%get3A_540] {strides = array<i32>} : memref<64xi32, #tpu.memory_space<vmem>>, vector<16xi32>,
    %mul3A_542 = arith.muli %convert_element_type3A_533, %add3A_539 : vector<16xi32>
    %add3A_543 = arith.addi %get3A_541, %mul3A_542 : vector<16xi32>
    %swap3A_544 = arith.constant 16 : index
    %swap3A_545 = tpu.vector_load %arg14[%swap3A_544] {strides = array<i32>} : memref<64xi32, #tpu.memory_space<vmem>>, vector<16xi32>,
    tpu.vector_store %arg14[%swap3A_544], %add3A_543 {strides = array<i32>} : memref<64xi32, #tpu.memory_space<vmem>>, vector<16xi32>,
    %reduce_sum3A_546 = arith.constant true
    %reduce_sum3A_547 = vector.broadcast %reduce_sum3A_546 : i1 to vector<16xi1>
    %reduce_sum3A_548 = tpu.scan <sum>, %convert_element_type3A_533 masked %reduce_sum3A_547 : vector<16xi32>, vector<16xi1> -> vector<16xi32>
    %reduce_sum3A_549 = vector.extract %reduce_sum3A_548[15] : i32 from vector<16xi32>
    %add3A_550 = arith.addi %add3A_527, %reduce_sum3A_549 : i32
    %get3A_551 = arith.constant 32 : index
    %get3A_552 = tpu.vector_load %arg11[%get3A_551] {strides = array<i32>} : memref<64xi32, #tpu.memory_space<vmem>>, vector<16xi32>,
    %eq3A_553 = arith.constant 2 : i32
    %eq3A_554 = vector.broadcast %eq3A_553 : i32 to vector<16xi32>
    %eq3A_555 = arith.cmpi eq, %get3A_552, %eq3A_554 : vector<16xi32>
    %convert_element_type3A_556 = arith.extui %eq3A_555 : vector<16xi1> to vector<16xi32>
    %broadcast_in_dim3A_557 = arith.constant true
    %broadcast_in_dim3A_558 = vector.broadcast %broadcast_in_dim3A_557 : i1 to vector<16xi1>
    %masked_cumsum3A_559 = tpu.scan <sum>, %convert_element_type3A_556 masked %broadcast_in_dim3A_558 : vector<16xi32>, vector<16xi1> -> vector<16xi32>
    %sub3A_560 = arith.subi %masked_cumsum3A_559, %convert_element_type3A_556 : vector<16xi32>
    %add3A_561 = vector.broadcast %add3A_550 : i32 to vector<16xi32>
    %add3A_562 = arith.addi %sub3A_560, %add3A_561 : vector<16xi32>
    %get3A_563 = arith.constant 32 : index
    %get3A_564 = tpu.vector_load %arg14[%get3A_563] {strides = array<i32>} : memref<64xi32, #tpu.memory_space<vmem>>, vector<16xi32>,
    %mul3A_565 = arith.muli %convert_element_type3A_556, %add3A_562 : vector<16xi32>
    %add3A_566 = arith.addi %get3A_564, %mul3A_565 : vector<16xi32>
    %swap3A_567 = arith.constant 32 : index
    %swap3A_568 = tpu.vector_load %arg14[%swap3A_567] {strides = array<i32>} : memref<64xi32, #tpu.memory_space<vmem>>, vector<16xi32>,
    tpu.vector_store %arg14[%swap3A_567], %add3A_566 {strides = array<i32>} : memref<64xi32, #tpu.memory_space<vmem>>, vector<16xi32>,
    %reduce_sum3A_569 = arith.constant true
    %reduce_sum3A_570 = vector.broadcast %reduce_sum3A_569 : i1 to vector<16xi1>
    %reduce_sum3A_571 = tpu.scan <sum>, %convert_element_type3A_556 masked %reduce_sum3A_570 : vector<16xi32>, vector<16xi1> -> vector<16xi32>
    %reduce_sum3A_572 = vector.extract %reduce_sum3A_571[15] : i32 from vector<16xi32>
    %add3A_573 = arith.addi %add3A_550, %reduce_sum3A_572 : i32
    %get3A_574 = arith.constant 48 : index
    %get3A_575 = tpu.vector_load %arg11[%get3A_574] {strides = array<i32>} : memref<64xi32, #tpu.memory_space<vmem>>, vector<16xi32>,
    %eq3A_576 = arith.constant 2 : i32
    %eq3A_577 = vector.broadcast %eq3A_576 : i32 to vector<16xi32>
    %eq3A_578 = arith.cmpi eq, %get3A_575, %eq3A_577 : vector<16xi32>
    %convert_element_type3A_579 = arith.extui %eq3A_578 : vector<16xi1> to vector<16xi32>
    %broadcast_in_dim3A_580 = arith.constant true
    %broadcast_in_dim3A_581 = vector.broadcast %broadcast_in_dim3A_580 : i1 to vector<16xi1>
    %masked_cumsum3A_582 = tpu.scan <sum>, %convert_element_type3A_579 masked %broadcast_in_dim3A_581 : vector<16xi32>, vector<16xi1> -> vector<16xi32>
    %sub3A_583 = arith.subi %masked_cumsum3A_582, %convert_element_type3A_579 : vector<16xi32>
    %add3A_584 = vector.broadcast %add3A_573 : i32 to vector<16xi32>
    %add3A_585 = arith.addi %sub3A_583, %add3A_584 : vector<16xi32>
    %get3A_586 = arith.constant 48 : index
    %get3A_587 = tpu.vector_load %arg14[%get3A_586] {strides = array<i32>} : memref<64xi32, #tpu.memory_space<vmem>>, vector<16xi32>,
    %mul3A_588 = arith.muli %convert_element_type3A_579, %add3A_585 : vector<16xi32>
    %add3A_589 = arith.addi %get3A_587, %mul3A_588 : vector<16xi32>
    %swap3A_590 = arith.constant 48 : index
    %swap3A_591 = tpu.vector_load %arg14[%swap3A_590] {strides = array<i32>} : memref<64xi32, #tpu.memory_space<vmem>>, vector<16xi32>,
    tpu.vector_store %arg14[%swap3A_590], %add3A_589 {strides = array<i32>} : memref<64xi32, #tpu.memory_space<vmem>>, vector<16xi32>,
    %reduce_sum3A_592 = arith.constant true
    %reduce_sum3A_593 = vector.broadcast %reduce_sum3A_592 : i1 to vector<16xi1>
    %reduce_sum3A_594 = tpu.scan <sum>, %convert_element_type3A_579 masked %reduce_sum3A_593 : vector<16xi32>, vector<16xi1> -> vector<16xi32>
    %reduce_sum3A_595 = vector.extract %reduce_sum3A_594[15] : i32 from vector<16xi32>
    %add3A_596 = arith.addi %add3A_573, %reduce_sum3A_595 : i32
    %eq3A_597 = arith.constant 3 : i32
    %eq3A_598 = vector.broadcast %eq3A_597 : i32 to vector<16xi32>
    %eq3A_599 = arith.cmpi eq, %iota3A, %eq3A_598 : vector<16xi32>
    %jit3A_600 = arith.constant 0 : i32
    %broadcast_in_dim3A_601 = vector.broadcast %jit3A_600 : i32 to vector<16xi32>
    %select_n3A_602 = arith.select %eq3A_599, %get3A_5, %broadcast_in_dim3A_601 : vector<16xi1>, vector<16xi32>
    %reduce_sum3A_603 = arith.constant true
    %reduce_sum3A_604 = vector.broadcast %reduce_sum3A_603 : i1 to vector<16xi1>
    %reduce_sum3A_605 = tpu.scan <sum>, %select_n3A_602 masked %reduce_sum3A_604 : vector<16xi32>, vector<16xi1> -> vector<16xi32>
    %reduce_sum3A_606 = vector.extract %reduce_sum3A_605[15] : i32 from vector<16xi32>
    %get3A_607 = arith.constant 0 : index
    %get3A_608 = tpu.vector_load %arg10[%get3A_607] {strides = array<i32>} : memref<64xi32, #tpu.memory_space<vmem>>, vector<16xi32>,
    %eq3A_609 = arith.constant 3 : i32
    %eq3A_610 = vector.broadcast %eq3A_609 : i32 to vector<16xi32>
    %eq3A_611 = arith.cmpi eq, %get3A_608, %eq3A_610 : vector<16xi32>
    %convert_element_type3A_612 = arith.extui %eq3A_611 : vector<16xi1> to vector<16xi32>
    %broadcast_in_dim3A_613 = arith.constant true
    %broadcast_in_dim3A_614 = vector.broadcast %broadcast_in_dim3A_613 : i1 to vector<16xi1>
    %masked_cumsum3A_615 = tpu.scan <sum>, %convert_element_type3A_612 masked %broadcast_in_dim3A_614 : vector<16xi32>, vector<16xi1> -> vector<16xi32>
    %sub3A_616 = arith.subi %masked_cumsum3A_615, %convert_element_type3A_612 : vector<16xi32>
    %add3A_617 = vector.broadcast %reduce_sum3A_606 : i32 to vector<16xi32>
    %add3A_618 = arith.addi %sub3A_616, %add3A_617 : vector<16xi32>
    %get3A_619 = arith.constant 0 : index
    %get3A_620 = tpu.vector_load %arg13[%get3A_619] {strides = array<i32>} : memref<64xi32, #tpu.memory_space<vmem>>, vector<16xi32>,
    %mul3A_621 = arith.muli %convert_element_type3A_612, %add3A_618 : vector<16xi32>
    %add3A_622 = arith.addi %get3A_620, %mul3A_621 : vector<16xi32>
    %swap3A_623 = arith.constant 0 : index
    %swap3A_624 = tpu.vector_load %arg13[%swap3A_623] {strides = array<i32>} : memref<64xi32, #tpu.memory_space<vmem>>, vector<16xi32>,
    tpu.vector_store %arg13[%swap3A_623], %add3A_622 {strides = array<i32>} : memref<64xi32, #tpu.memory_space<vmem>>, vector<16xi32>,
    %reduce_sum3A_625 = arith.constant true
    %reduce_sum3A_626 = vector.broadcast %reduce_sum3A_625 : i1 to vector<16xi1>
    %reduce_sum3A_627 = tpu.scan <sum>, %convert_element_type3A_612 masked %reduce_sum3A_626 : vector<16xi32>, vector<16xi1> -> vector<16xi32>
    %reduce_sum3A_628 = vector.extract %reduce_sum3A_627[15] : i32 from vector<16xi32>
    %add3A_629 = arith.addi %reduce_sum3A_606, %reduce_sum3A_628 : i32
    %get3A_630 = arith.constant 16 : index
    %get3A_631 = tpu.vector_load %arg10[%get3A_630] {strides = array<i32>} : memref<64xi32, #tpu.memory_space<vmem>>, vector<16xi32>,
    %eq3A_632 = arith.constant 3 : i32
    %eq3A_633 = vector.broadcast %eq3A_632 : i32 to vector<16xi32>
    %eq3A_634 = arith.cmpi eq, %get3A_631, %eq3A_633 : vector<16xi32>
    %convert_element_type3A_635 = arith.extui %eq3A_634 : vector<16xi1> to vector<16xi32>
    %broadcast_in_dim3A_636 = arith.constant true
    %broadcast_in_dim3A_637 = vector.broadcast %broadcast_in_dim3A_636 : i1 to vector<16xi1>
    %masked_cumsum3A_638 = tpu.scan <sum>, %convert_element_type3A_635 masked %broadcast_in_dim3A_637 : vector<16xi32>, vector<16xi1> -> vector<16xi32>
    %sub3A_639 = arith.subi %masked_cumsum3A_638, %convert_element_type3A_635 : vector<16xi32>
    %add3A_640 = vector.broadcast %add3A_629 : i32 to vector<16xi32>
    %add3A_641 = arith.addi %sub3A_639, %add3A_640 : vector<16xi32>
    %get3A_642 = arith.constant 16 : index
    %get3A_643 = tpu.vector_load %arg13[%get3A_642] {strides = array<i32>} : memref<64xi32, #tpu.memory_space<vmem>>, vector<16xi32>,
    %mul3A_644 = arith.muli %convert_element_type3A_635, %add3A_641 : vector<16xi32>
    %add3A_645 = arith.addi %get3A_643, %mul3A_644 : vector<16xi32>
    %swap3A_646 = arith.constant 16 : index
    %swap3A_647 = tpu.vector_load %arg13[%swap3A_646] {strides = array<i32>} : memref<64xi32, #tpu.memory_space<vmem>>, vector<16xi32>,
    tpu.vector_store %arg13[%swap3A_646], %add3A_645 {strides = array<i32>} : memref<64xi32, #tpu.memory_space<vmem>>, vector<16xi32>,
    %reduce_sum3A_648 = arith.constant true
    %reduce_sum3A_649 = vector.broadcast %reduce_sum3A_648 : i1 to vector<16xi1>
    %reduce_sum3A_650 = tpu.scan <sum>, %convert_element_type3A_635 masked %reduce_sum3A_649 : vector<16xi32>, vector<16xi1> -> vector<16xi32>
    %reduce_sum3A_651 = vector.extract %reduce_sum3A_650[15] : i32 from vector<16xi32>
    %add3A_652 = arith.addi %add3A_629, %reduce_sum3A_651 : i32
    %get3A_653 = arith.constant 32 : index
    %get3A_654 = tpu.vector_load %arg10[%get3A_653] {strides = array<i32>} : memref<64xi32, #tpu.memory_space<vmem>>, vector<16xi32>,
    %eq3A_655 = arith.constant 3 : i32
    %eq3A_656 = vector.broadcast %eq3A_655 : i32 to vector<16xi32>
    %eq3A_657 = arith.cmpi eq, %get3A_654, %eq3A_656 : vector<16xi32>
    %convert_element_type3A_658 = arith.extui %eq3A_657 : vector<16xi1> to vector<16xi32>
    %broadcast_in_dim3A_659 = arith.constant true
    %broadcast_in_dim3A_660 = vector.broadcast %broadcast_in_dim3A_659 : i1 to vector<16xi1>
    %masked_cumsum3A_661 = tpu.scan <sum>, %convert_element_type3A_658 masked %broadcast_in_dim3A_660 : vector<16xi32>, vector<16xi1> -> vector<16xi32>
    %sub3A_662 = arith.subi %masked_cumsum3A_661, %convert_element_type3A_658 : vector<16xi32>
    %add3A_663 = vector.broadcast %add3A_652 : i32 to vector<16xi32>
    %add3A_664 = arith.addi %sub3A_662, %add3A_663 : vector<16xi32>
    %get3A_665 = arith.constant 32 : index
    %get3A_666 = tpu.vector_load %arg13[%get3A_665] {strides = array<i32>} : memref<64xi32, #tpu.memory_space<vmem>>, vector<16xi32>,
    %mul3A_667 = arith.muli %convert_element_type3A_658, %add3A_664 : vector<16xi32>
    %add3A_668 = arith.addi %get3A_666, %mul3A_667 : vector<16xi32>
    %swap3A_669 = arith.constant 32 : index
    %swap3A_670 = tpu.vector_load %arg13[%swap3A_669] {strides = array<i32>} : memref<64xi32, #tpu.memory_space<vmem>>, vector<16xi32>,
    tpu.vector_store %arg13[%swap3A_669], %add3A_668 {strides = array<i32>} : memref<64xi32, #tpu.memory_space<vmem>>, vector<16xi32>,
    %reduce_sum3A_671 = arith.constant true
    %reduce_sum3A_672 = vector.broadcast %reduce_sum3A_671 : i1 to vector<16xi1>
    %reduce_sum3A_673 = tpu.scan <sum>, %convert_element_type3A_658 masked %reduce_sum3A_672 : vector<16xi32>, vector<16xi1> -> vector<16xi32>
    %reduce_sum3A_674 = vector.extract %reduce_sum3A_673[15] : i32 from vector<16xi32>
    %add3A_675 = arith.addi %add3A_652, %reduce_sum3A_674 : i32
    %get3A_676 = arith.constant 48 : index
    %get3A_677 = tpu.vector_load %arg10[%get3A_676] {strides = array<i32>} : memref<64xi32, #tpu.memory_space<vmem>>, vector<16xi32>,
    %eq3A_678 = arith.constant 3 : i32
    %eq3A_679 = vector.broadcast %eq3A_678 : i32 to vector<16xi32>
    %eq3A_680 = arith.cmpi eq, %get3A_677, %eq3A_679 : vector<16xi32>
    %convert_element_type3A_681 = arith.extui %eq3A_680 : vector<16xi1> to vector<16xi32>
    %broadcast_in_dim3A_682 = arith.constant true
    %broadcast_in_dim3A_683 = vector.broadcast %broadcast_in_dim3A_682 : i1 to vector<16xi1>
    %masked_cumsum3A_684 = tpu.scan <sum>, %convert_element_type3A_681 masked %broadcast_in_dim3A_683 : vector<16xi32>, vector<16xi1> -> vector<16xi32>
    %sub3A_685 = arith.subi %masked_cumsum3A_684, %convert_element_type3A_681 : vector<16xi32>
    %add3A_686 = vector.broadcast %add3A_675 : i32 to vector<16xi32>
    %add3A_687 = arith.addi %sub3A_685, %add3A_686 : vector<16xi32>
    %get3A_688 = arith.constant 48 : index
    %get3A_689 = tpu.vector_load %arg13[%get3A_688] {strides = array<i32>} : memref<64xi32, #tpu.memory_space<vmem>>, vector<16xi32>,
    %mul3A_690 = arith.muli %convert_element_type3A_681, %add3A_687 : vector<16xi32>
    %add3A_691 = arith.addi %get3A_689, %mul3A_690 : vector<16xi32>
    %swap3A_692 = arith.constant 48 : index
    %swap3A_693 = tpu.vector_load %arg13[%swap3A_692] {strides = array<i32>} : memref<64xi32, #tpu.memory_space<vmem>>, vector<16xi32>,
    tpu.vector_store %arg13[%swap3A_692], %add3A_691 {strides = array<i32>} : memref<64xi32, #tpu.memory_space<vmem>>, vector<16xi32>,
    %reduce_sum3A_694 = arith.constant true
    %reduce_sum3A_695 = vector.broadcast %reduce_sum3A_694 : i1 to vector<16xi1>
    %reduce_sum3A_696 = tpu.scan <sum>, %convert_element_type3A_681 masked %reduce_sum3A_695 : vector<16xi32>, vector<16xi1> -> vector<16xi32>
    %reduce_sum3A_697 = vector.extract %reduce_sum3A_696[15] : i32 from vector<16xi32>
    %add3A_698 = arith.addi %add3A_675, %reduce_sum3A_697 : i32
    %get3A_699 = arith.constant 0 : index
    %get3A_700 = tpu.vector_load %arg11[%get3A_699] {strides = array<i32>} : memref<64xi32, #tpu.memory_space<vmem>>, vector<16xi32>,
    %eq3A_701 = arith.constant 3 : i32
    %eq3A_702 = vector.broadcast %eq3A_701 : i32 to vector<16xi32>
    %eq3A_703 = arith.cmpi eq, %get3A_700, %eq3A_702 : vector<16xi32>
    %convert_element_type3A_704 = arith.extui %eq3A_703 : vector<16xi1> to vector<16xi32>
    %broadcast_in_dim3A_705 = arith.constant true
    %broadcast_in_dim3A_706 = vector.broadcast %broadcast_in_dim3A_705 : i1 to vector<16xi1>
    %masked_cumsum3A_707 = tpu.scan <sum>, %convert_element_type3A_704 masked %broadcast_in_dim3A_706 : vector<16xi32>, vector<16xi1> -> vector<16xi32>
    %sub3A_708 = arith.subi %masked_cumsum3A_707, %convert_element_type3A_704 : vector<16xi32>
    %add3A_709 = vector.broadcast %add3A_698 : i32 to vector<16xi32>
    %add3A_710 = arith.addi %sub3A_708, %add3A_709 : vector<16xi32>
    %get3A_711 = arith.constant 0 : index
    %get3A_712 = tpu.vector_load %arg14[%get3A_711] {strides = array<i32>} : memref<64xi32, #tpu.memory_space<vmem>>, vector<16xi32>,
    %mul3A_713 = arith.muli %convert_element_type3A_704, %add3A_710 : vector<16xi32>
    %add3A_714 = arith.addi %get3A_712, %mul3A_713 : vector<16xi32>
    %swap3A_715 = arith.constant 0 : index
    %swap3A_716 = tpu.vector_load %arg14[%swap3A_715] {strides = array<i32>} : memref<64xi32, #tpu.memory_space<vmem>>, vector<16xi32>,
    tpu.vector_store %arg14[%swap3A_715], %add3A_714 {strides = array<i32>} : memref<64xi32, #tpu.memory_space<vmem>>, vector<16xi32>,
    %reduce_sum3A_717 = arith.constant true
    %reduce_sum3A_718 = vector.broadcast %reduce_sum3A_717 : i1 to vector<16xi1>
    %reduce_sum3A_719 = tpu.scan <sum>, %convert_element_type3A_704 masked %reduce_sum3A_718 : vector<16xi32>, vector<16xi1> -> vector<16xi32>
    %reduce_sum3A_720 = vector.extract %reduce_sum3A_719[15] : i32 from vector<16xi32>
    %add3A_721 = arith.addi %add3A_698, %reduce_sum3A_720 : i32
    %get3A_722 = arith.constant 16 : index
    %get3A_723 = tpu.vector_load %arg11[%get3A_722] {strides = array<i32>} : memref<64xi32, #tpu.memory_space<vmem>>, vector<16xi32>,
    %eq3A_724 = arith.constant 3 : i32
    %eq3A_725 = vector.broadcast %eq3A_724 : i32 to vector<16xi32>
    %eq3A_726 = arith.cmpi eq, %get3A_723, %eq3A_725 : vector<16xi32>
    %convert_element_type3A_727 = arith.extui %eq3A_726 : vector<16xi1> to vector<16xi32>
    %broadcast_in_dim3A_728 = arith.constant true
    %broadcast_in_dim3A_729 = vector.broadcast %broadcast_in_dim3A_728 : i1 to vector<16xi1>
    %masked_cumsum3A_730 = tpu.scan <sum>, %convert_element_type3A_727 masked %broadcast_in_dim3A_729 : vector<16xi32>, vector<16xi1> -> vector<16xi32>
    %sub3A_731 = arith.subi %masked_cumsum3A_730, %convert_element_type3A_727 : vector<16xi32>
    %add3A_732 = vector.broadcast %add3A_721 : i32 to vector<16xi32>
    %add3A_733 = arith.addi %sub3A_731, %add3A_732 : vector<16xi32>
    %get3A_734 = arith.constant 16 : index
    %get3A_735 = tpu.vector_load %arg14[%get3A_734] {strides = array<i32>} : memref<64xi32, #tpu.memory_space<vmem>>, vector<16xi32>,
    %mul3A_736 = arith.muli %convert_element_type3A_727, %add3A_733 : vector<16xi32>
    %add3A_737 = arith.addi %get3A_735, %mul3A_736 : vector<16xi32>
    %swap3A_738 = arith.constant 16 : index
    %swap3A_739 = tpu.vector_load %arg14[%swap3A_738] {strides = array<i32>} : memref<64xi32, #tpu.memory_space<vmem>>, vector<16xi32>,
    tpu.vector_store %arg14[%swap3A_738], %add3A_737 {strides = array<i32>} : memref<64xi32, #tpu.memory_space<vmem>>, vector<16xi32>,
    %reduce_sum3A_740 = arith.constant true
    %reduce_sum3A_741 = vector.broadcast %reduce_sum3A_740 : i1 to vector<16xi1>
    %reduce_sum3A_742 = tpu.scan <sum>, %convert_element_type3A_727 masked %reduce_sum3A_741 : vector<16xi32>, vector<16xi1> -> vector<16xi32>
    %reduce_sum3A_743 = vector.extract %reduce_sum3A_742[15] : i32 from vector<16xi32>
    %add3A_744 = arith.addi %add3A_721, %reduce_sum3A_743 : i32
    %get3A_745 = arith.constant 32 : index
    %get3A_746 = tpu.vector_load %arg11[%get3A_745] {strides = array<i32>} : memref<64xi32, #tpu.memory_space<vmem>>, vector<16xi32>,
    %eq3A_747 = arith.constant 3 : i32
    %eq3A_748 = vector.broadcast %eq3A_747 : i32 to vector<16xi32>
    %eq3A_749 = arith.cmpi eq, %get3A_746, %eq3A_748 : vector<16xi32>
    %convert_element_type3A_750 = arith.extui %eq3A_749 : vector<16xi1> to vector<16xi32>
    %broadcast_in_dim3A_751 = arith.constant true
    %broadcast_in_dim3A_752 = vector.broadcast %broadcast_in_dim3A_751 : i1 to vector<16xi1>
    %masked_cumsum3A_753 = tpu.scan <sum>, %convert_element_type3A_750 masked %broadcast_in_dim3A_752 : vector<16xi32>, vector<16xi1> -> vector<16xi32>
    %sub3A_754 = arith.subi %masked_cumsum3A_753, %convert_element_type3A_750 : vector<16xi32>
    %add3A_755 = vector.broadcast %add3A_744 : i32 to vector<16xi32>
    %add3A_756 = arith.addi %sub3A_754, %add3A_755 : vector<16xi32>
    %get3A_757 = arith.constant 32 : index
    %get3A_758 = tpu.vector_load %arg14[%get3A_757] {strides = array<i32>} : memref<64xi32, #tpu.memory_space<vmem>>, vector<16xi32>,
    %mul3A_759 = arith.muli %convert_element_type3A_750, %add3A_756 : vector<16xi32>
    %add3A_760 = arith.addi %get3A_758, %mul3A_759 : vector<16xi32>
    %swap3A_761 = arith.constant 32 : index
    %swap3A_762 = tpu.vector_load %arg14[%swap3A_761] {strides = array<i32>} : memref<64xi32, #tpu.memory_space<vmem>>, vector<16xi32>,
    tpu.vector_store %arg14[%swap3A_761], %add3A_760 {strides = array<i32>} : memref<64xi32, #tpu.memory_space<vmem>>, vector<16xi32>,
    %reduce_sum3A_763 = arith.constant true
    %reduce_sum3A_764 = vector.broadcast %reduce_sum3A_763 : i1 to vector<16xi1>
    %reduce_sum3A_765 = tpu.scan <sum>, %convert_element_type3A_750 masked %reduce_sum3A_764 : vector<16xi32>, vector<16xi1> -> vector<16xi32>
    %reduce_sum3A_766 = vector.extract %reduce_sum3A_765[15] : i32 from vector<16xi32>
    %add3A_767 = arith.addi %add3A_744, %reduce_sum3A_766 : i32
    %get3A_768 = arith.constant 48 : index
    %get3A_769 = tpu.vector_load %arg11[%get3A_768] {strides = array<i32>} : memref<64xi32, #tpu.memory_space<vmem>>, vector<16xi32>,
    %eq3A_770 = arith.constant 3 : i32
    %eq3A_771 = vector.broadcast %eq3A_770 : i32 to vector<16xi32>
    %eq3A_772 = arith.cmpi eq, %get3A_769, %eq3A_771 : vector<16xi32>
    %convert_element_type3A_773 = arith.extui %eq3A_772 : vector<16xi1> to vector<16xi32>
    %broadcast_in_dim3A_774 = arith.constant true
    %broadcast_in_dim3A_775 = vector.broadcast %broadcast_in_dim3A_774 : i1 to vector<16xi1>
    %masked_cumsum3A_776 = tpu.scan <sum>, %convert_element_type3A_773 masked %broadcast_in_dim3A_775 : vector<16xi32>, vector<16xi1> -> vector<16xi32>
    %sub3A_777 = arith.subi %masked_cumsum3A_776, %convert_element_type3A_773 : vector<16xi32>
    %add3A_778 = vector.broadcast %add3A_767 : i32 to vector<16xi32>
    %add3A_779 = arith.addi %sub3A_777, %add3A_778 : vector<16xi32>
    %get3A_780 = arith.constant 48 : index
    %get3A_781 = tpu.vector_load %arg14[%get3A_780] {strides = array<i32>} : memref<64xi32, #tpu.memory_space<vmem>>, vector<16xi32>,
    %mul3A_782 = arith.muli %convert_element_type3A_773, %add3A_779 : vector<16xi32>
    %add3A_783 = arith.addi %get3A_781, %mul3A_782 : vector<16xi32>
    %swap3A_784 = arith.constant 48 : index
    %swap3A_785 = tpu.vector_load %arg14[%swap3A_784] {strides = array<i32>} : memref<64xi32, #tpu.memory_space<vmem>>, vector<16xi32>,
    tpu.vector_store %arg14[%swap3A_784], %add3A_783 {strides = array<i32>} : memref<64xi32, #tpu.memory_space<vmem>>, vector<16xi32>,
    %reduce_sum3A_786 = arith.constant true
    %reduce_sum3A_787 = vector.broadcast %reduce_sum3A_786 : i1 to vector<16xi1>
    %reduce_sum3A_788 = tpu.scan <sum>, %convert_element_type3A_773 masked %reduce_sum3A_787 : vector<16xi32>, vector<16xi1> -> vector<16xi32>
    %reduce_sum3A_789 = vector.extract %reduce_sum3A_788[15] : i32 from vector<16xi32>
    %add3A_790 = arith.addi %add3A_767, %reduce_sum3A_789 : i32
    %eq3A_791 = arith.constant 4 : i32
    %eq3A_792 = vector.broadcast %eq3A_791 : i32 to vector<16xi32>
    %eq3A_793 = arith.cmpi eq, %iota3A, %eq3A_792 : vector<16xi32>
    %jit3A_794 = arith.constant 0 : i32
    %broadcast_in_dim3A_795 = vector.broadcast %jit3A_794 : i32 to vector<16xi32>
    %select_n3A_796 = arith.select %eq3A_793, %get3A_5, %broadcast_in_dim3A_795 : vector<16xi1>, vector<16xi32>
    %reduce_sum3A_797 = arith.constant true
    %reduce_sum3A_798 = vector.broadcast %reduce_sum3A_797 : i1 to vector<16xi1>
    %reduce_sum3A_799 = tpu.scan <sum>, %select_n3A_796 masked %reduce_sum3A_798 : vector<16xi32>, vector<16xi1> -> vector<16xi32>
    %reduce_sum3A_800 = vector.extract %reduce_sum3A_799[15] : i32 from vector<16xi32>
    %get3A_801 = arith.constant 0 : index
    %get3A_802 = tpu.vector_load %arg10[%get3A_801] {strides = array<i32>} : memref<64xi32, #tpu.memory_space<vmem>>, vector<16xi32>,
    %eq3A_803 = arith.constant 4 : i32
    %eq3A_804 = vector.broadcast %eq3A_803 : i32 to vector<16xi32>
    %eq3A_805 = arith.cmpi eq, %get3A_802, %eq3A_804 : vector<16xi32>
    %convert_element_type3A_806 = arith.extui %eq3A_805 : vector<16xi1> to vector<16xi32>
    %broadcast_in_dim3A_807 = arith.constant true
    %broadcast_in_dim3A_808 = vector.broadcast %broadcast_in_dim3A_807 : i1 to vector<16xi1>
    %masked_cumsum3A_809 = tpu.scan <sum>, %convert_element_type3A_806 masked %broadcast_in_dim3A_808 : vector<16xi32>, vector<16xi1> -> vector<16xi32>
    %sub3A_810 = arith.subi %masked_cumsum3A_809, %convert_element_type3A_806 : vector<16xi32>
    %add3A_811 = vector.broadcast %reduce_sum3A_800 : i32 to vector<16xi32>
    %add3A_812 = arith.addi %sub3A_810, %add3A_811 : vector<16xi32>
    %get3A_813 = arith.constant 0 : index
    %get3A_814 = tpu.vector_load %arg13[%get3A_813] {strides = array<i32>} : memref<64xi32, #tpu.memory_space<vmem>>, vector<16xi32>,
    %mul3A_815 = arith.muli %convert_element_type3A_806, %add3A_812 : vector<16xi32>
    %add3A_816 = arith.addi %get3A_814, %mul3A_815 : vector<16xi32>
    %swap3A_817 = arith.constant 0 : index
    %swap3A_818 = tpu.vector_load %arg13[%swap3A_817] {strides = array<i32>} : memref<64xi32, #tpu.memory_space<vmem>>, vector<16xi32>,
    tpu.vector_store %arg13[%swap3A_817], %add3A_816 {strides = array<i32>} : memref<64xi32, #tpu.memory_space<vmem>>, vector<16xi32>,
    %reduce_sum3A_819 = arith.constant true
    %reduce_sum3A_820 = vector.broadcast %reduce_sum3A_819 : i1 to vector<16xi1>
    %reduce_sum3A_821 = tpu.scan <sum>, %convert_element_type3A_806 masked %reduce_sum3A_820 : vector<16xi32>, vector<16xi1> -> vector<16xi32>
    %reduce_sum3A_822 = vector.extract %reduce_sum3A_821[15] : i32 from vector<16xi32>
    %add3A_823 = arith.addi %reduce_sum3A_800, %reduce_sum3A_822 : i32
    %get3A_824 = arith.constant 16 : index
    %get3A_825 = tpu.vector_load %arg10[%get3A_824] {strides = array<i32>} : memref<64xi32, #tpu.memory_space<vmem>>, vector<16xi32>,
    %eq3A_826 = arith.constant 4 : i32
    %eq3A_827 = vector.broadcast %eq3A_826 : i32 to vector<16xi32>
    %eq3A_828 = arith.cmpi eq, %get3A_825, %eq3A_827 : vector<16xi32>
    %convert_element_type3A_829 = arith.extui %eq3A_828 : vector<16xi1> to vector<16xi32>
    %broadcast_in_dim3A_830 = arith.constant true
    %broadcast_in_dim3A_831 = vector.broadcast %broadcast_in_dim3A_830 : i1 to vector<16xi1>
    %masked_cumsum3A_832 = tpu.scan <sum>, %convert_element_type3A_829 masked %broadcast_in_dim3A_831 : vector<16xi32>, vector<16xi1> -> vector<16xi32>
    %sub3A_833 = arith.subi %masked_cumsum3A_832, %convert_element_type3A_829 : vector<16xi32>
    %add3A_834 = vector.broadcast %add3A_823 : i32 to vector<16xi32>
    %add3A_835 = arith.addi %sub3A_833, %add3A_834 : vector<16xi32>
    %get3A_836 = arith.constant 16 : index
    %get3A_837 = tpu.vector_load %arg13[%get3A_836] {strides = array<i32>} : memref<64xi32, #tpu.memory_space<vmem>>, vector<16xi32>,
    %mul3A_838 = arith.muli %convert_element_type3A_829, %add3A_835 : vector<16xi32>
    %add3A_839 = arith.addi %get3A_837, %mul3A_838 : vector<16xi32>
    %swap3A_840 = arith.constant 16 : index
    %swap3A_841 = tpu.vector_load %arg13[%swap3A_840] {strides = array<i32>} : memref<64xi32, #tpu.memory_space<vmem>>, vector<16xi32>,
    tpu.vector_store %arg13[%swap3A_840], %add3A_839 {strides = array<i32>} : memref<64xi32, #tpu.memory_space<vmem>>, vector<16xi32>,
    %reduce_sum3A_842 = arith.constant true
    %reduce_sum3A_843 = vector.broadcast %reduce_sum3A_842 : i1 to vector<16xi1>
    %reduce_sum3A_844 = tpu.scan <sum>, %convert_element_type3A_829 masked %reduce_sum3A_843 : vector<16xi32>, vector<16xi1> -> vector<16xi32>
    %reduce_sum3A_845 = vector.extract %reduce_sum3A_844[15] : i32 from vector<16xi32>
    %add3A_846 = arith.addi %add3A_823, %reduce_sum3A_845 : i32
    %get3A_847 = arith.constant 32 : index
    %get3A_848 = tpu.vector_load %arg10[%get3A_847] {strides = array<i32>} : memref<64xi32, #tpu.memory_space<vmem>>, vector<16xi32>,
    %eq3A_849 = arith.constant 4 : i32
    %eq3A_850 = vector.broadcast %eq3A_849 : i32 to vector<16xi32>
    %eq3A_851 = arith.cmpi eq, %get3A_848, %eq3A_850 : vector<16xi32>
    %convert_element_type3A_852 = arith.extui %eq3A_851 : vector<16xi1> to vector<16xi32>
    %broadcast_in_dim3A_853 = arith.constant true
    %broadcast_in_dim3A_854 = vector.broadcast %broadcast_in_dim3A_853 : i1 to vector<16xi1>
    %masked_cumsum3A_855 = tpu.scan <sum>, %convert_element_type3A_852 masked %broadcast_in_dim3A_854 : vector<16xi32>, vector<16xi1> -> vector<16xi32>
    %sub3A_856 = arith.subi %masked_cumsum3A_855, %convert_element_type3A_852 : vector<16xi32>
    %add3A_857 = vector.broadcast %add3A_846 : i32 to vector<16xi32>
    %add3A_858 = arith.addi %sub3A_856, %add3A_857 : vector<16xi32>
    %get3A_859 = arith.constant 32 : index
    %get3A_860 = tpu.vector_load %arg13[%get3A_859] {strides = array<i32>} : memref<64xi32, #tpu.memory_space<vmem>>, vector<16xi32>,
    %mul3A_861 = arith.muli %convert_element_type3A_852, %add3A_858 : vector<16xi32>
    %add3A_862 = arith.addi %get3A_860, %mul3A_861 : vector<16xi32>
    %swap3A_863 = arith.constant 32 : index
    %swap3A_864 = tpu.vector_load %arg13[%swap3A_863] {strides = array<i32>} : memref<64xi32, #tpu.memory_space<vmem>>, vector<16xi32>,
    tpu.vector_store %arg13[%swap3A_863], %add3A_862 {strides = array<i32>} : memref<64xi32, #tpu.memory_space<vmem>>, vector<16xi32>,
    %reduce_sum3A_865 = arith.constant true
    %reduce_sum3A_866 = vector.broadcast %reduce_sum3A_865 : i1 to vector<16xi1>
    %reduce_sum3A_867 = tpu.scan <sum>, %convert_element_type3A_852 masked %reduce_sum3A_866 : vector<16xi32>, vector<16xi1> -> vector<16xi32>
    %reduce_sum3A_868 = vector.extract %reduce_sum3A_867[15] : i32 from vector<16xi32>
    %add3A_869 = arith.addi %add3A_846, %reduce_sum3A_868 : i32
    %get3A_870 = arith.constant 48 : index
    %get3A_871 = tpu.vector_load %arg10[%get3A_870] {strides = array<i32>} : memref<64xi32, #tpu.memory_space<vmem>>, vector<16xi32>,
    %eq3A_872 = arith.constant 4 : i32
    %eq3A_873 = vector.broadcast %eq3A_872 : i32 to vector<16xi32>
    %eq3A_874 = arith.cmpi eq, %get3A_871, %eq3A_873 : vector<16xi32>
    %convert_element_type3A_875 = arith.extui %eq3A_874 : vector<16xi1> to vector<16xi32>
    %broadcast_in_dim3A_876 = arith.constant true
    %broadcast_in_dim3A_877 = vector.broadcast %broadcast_in_dim3A_876 : i1 to vector<16xi1>
    %masked_cumsum3A_878 = tpu.scan <sum>, %convert_element_type3A_875 masked %broadcast_in_dim3A_877 : vector<16xi32>, vector<16xi1> -> vector<16xi32>
    %sub3A_879 = arith.subi %masked_cumsum3A_878, %convert_element_type3A_875 : vector<16xi32>
    %add3A_880 = vector.broadcast %add3A_869 : i32 to vector<16xi32>
    %add3A_881 = arith.addi %sub3A_879, %add3A_880 : vector<16xi32>
    %get3A_882 = arith.constant 48 : index
    %get3A_883 = tpu.vector_load %arg13[%get3A_882] {strides = array<i32>} : memref<64xi32, #tpu.memory_space<vmem>>, vector<16xi32>,
    %mul3A_884 = arith.muli %convert_element_type3A_875, %add3A_881 : vector<16xi32>
    %add3A_885 = arith.addi %get3A_883, %mul3A_884 : vector<16xi32>
    %swap3A_886 = arith.constant 48 : index
    %swap3A_887 = tpu.vector_load %arg13[%swap3A_886] {strides = array<i32>} : memref<64xi32, #tpu.memory_space<vmem>>, vector<16xi32>,
    tpu.vector_store %arg13[%swap3A_886], %add3A_885 {strides = array<i32>} : memref<64xi32, #tpu.memory_space<vmem>>, vector<16xi32>,
    %reduce_sum3A_888 = arith.constant true
    %reduce_sum3A_889 = vector.broadcast %reduce_sum3A_888 : i1 to vector<16xi1>
    %reduce_sum3A_890 = tpu.scan <sum>, %convert_element_type3A_875 masked %reduce_sum3A_889 : vector<16xi32>, vector<16xi1> -> vector<16xi32>
    %reduce_sum3A_891 = vector.extract %reduce_sum3A_890[15] : i32 from vector<16xi32>
    %add3A_892 = arith.addi %add3A_869, %reduce_sum3A_891 : i32
    %get3A_893 = arith.constant 0 : index
    %get3A_894 = tpu.vector_load %arg11[%get3A_893] {strides = array<i32>} : memref<64xi32, #tpu.memory_space<vmem>>, vector<16xi32>,
    %eq3A_895 = arith.constant 4 : i32
    %eq3A_896 = vector.broadcast %eq3A_895 : i32 to vector<16xi32>
    %eq3A_897 = arith.cmpi eq, %get3A_894, %eq3A_896 : vector<16xi32>
    %convert_element_type3A_898 = arith.extui %eq3A_897 : vector<16xi1> to vector<16xi32>
    %broadcast_in_dim3A_899 = arith.constant true
    %broadcast_in_dim3A_900 = vector.broadcast %broadcast_in_dim3A_899 : i1 to vector<16xi1>
    %masked_cumsum3A_901 = tpu.scan <sum>, %convert_element_type3A_898 masked %broadcast_in_dim3A_900 : vector<16xi32>, vector<16xi1> -> vector<16xi32>
    %sub3A_902 = arith.subi %masked_cumsum3A_901, %convert_element_type3A_898 : vector<16xi32>
    %add3A_903 = vector.broadcast %add3A_892 : i32 to vector<16xi32>
    %add3A_904 = arith.addi %sub3A_902, %add3A_903 : vector<16xi32>
    %get3A_905 = arith.constant 0 : index
    %get3A_906 = tpu.vector_load %arg14[%get3A_905] {strides = array<i32>} : memref<64xi32, #tpu.memory_space<vmem>>, vector<16xi32>,
    %mul3A_907 = arith.muli %convert_element_type3A_898, %add3A_904 : vector<16xi32>
    %add3A_908 = arith.addi %get3A_906, %mul3A_907 : vector<16xi32>
    %swap3A_909 = arith.constant 0 : index
    %swap3A_910 = tpu.vector_load %arg14[%swap3A_909] {strides = array<i32>} : memref<64xi32, #tpu.memory_space<vmem>>, vector<16xi32>,
    tpu.vector_store %arg14[%swap3A_909], %add3A_908 {strides = array<i32>} : memref<64xi32, #tpu.memory_space<vmem>>, vector<16xi32>,
    %reduce_sum3A_911 = arith.constant true
    %reduce_sum3A_912 = vector.broadcast %reduce_sum3A_911 : i1 to vector<16xi1>
    %reduce_sum3A_913 = tpu.scan <sum>, %convert_element_type3A_898 masked %reduce_sum3A_912 : vector<16xi32>, vector<16xi1> -> vector<16xi32>
    %reduce_sum3A_914 = vector.extract %reduce_sum3A_913[15] : i32 from vector<16xi32>
    %add3A_915 = arith.addi %add3A_892, %reduce_sum3A_914 : i32
    %get3A_916 = arith.constant 16 : index
    %get3A_917 = tpu.vector_load %arg11[%get3A_916] {strides = array<i32>} : memref<64xi32, #tpu.memory_space<vmem>>, vector<16xi32>,
    %eq3A_918 = arith.constant 4 : i32
    %eq3A_919 = vector.broadcast %eq3A_918 : i32 to vector<16xi32>
    %eq3A_920 = arith.cmpi eq, %get3A_917, %eq3A_919 : vector<16xi32>
    %convert_element_type3A_921 = arith.extui %eq3A_920 : vector<16xi1> to vector<16xi32>
    %broadcast_in_dim3A_922 = arith.constant true
    %broadcast_in_dim3A_923 = vector.broadcast %broadcast_in_dim3A_922 : i1 to vector<16xi1>
    %masked_cumsum3A_924 = tpu.scan <sum>, %convert_element_type3A_921 masked %broadcast_in_dim3A_923 : vector<16xi32>, vector<16xi1> -> vector<16xi32>
    %sub3A_925 = arith.subi %masked_cumsum3A_924, %convert_element_type3A_921 : vector<16xi32>
    %add3A_926 = vector.broadcast %add3A_915 : i32 to vector<16xi32>
    %add3A_927 = arith.addi %sub3A_925, %add3A_926 : vector<16xi32>
    %get3A_928 = arith.constant 16 : index
    %get3A_929 = tpu.vector_load %arg14[%get3A_928] {strides = array<i32>} : memref<64xi32, #tpu.memory_space<vmem>>, vector<16xi32>,
    %mul3A_930 = arith.muli %convert_element_type3A_921, %add3A_927 : vector<16xi32>
    %add3A_931 = arith.addi %get3A_929, %mul3A_930 : vector<16xi32>
    %swap3A_932 = arith.constant 16 : index
    %swap3A_933 = tpu.vector_load %arg14[%swap3A_932] {strides = array<i32>} : memref<64xi32, #tpu.memory_space<vmem>>, vector<16xi32>,
    tpu.vector_store %arg14[%swap3A_932], %add3A_931 {strides = array<i32>} : memref<64xi32, #tpu.memory_space<vmem>>, vector<16xi32>,
    %reduce_sum3A_934 = arith.constant true
    %reduce_sum3A_935 = vector.broadcast %reduce_sum3A_934 : i1 to vector<16xi1>
    %reduce_sum3A_936 = tpu.scan <sum>, %convert_element_type3A_921 masked %reduce_sum3A_935 : vector<16xi32>, vector<16xi1> -> vector<16xi32>
    %reduce_sum3A_937 = vector.extract %reduce_sum3A_936[15] : i32 from vector<16xi32>
    %add3A_938 = arith.addi %add3A_915, %reduce_sum3A_937 : i32
    %get3A_939 = arith.constant 32 : index
    %get3A_940 = tpu.vector_load %arg11[%get3A_939] {strides = array<i32>} : memref<64xi32, #tpu.memory_space<vmem>>, vector<16xi32>,
    %eq3A_941 = arith.constant 4 : i32
    %eq3A_942 = vector.broadcast %eq3A_941 : i32 to vector<16xi32>
    %eq3A_943 = arith.cmpi eq, %get3A_940, %eq3A_942 : vector<16xi32>
    %convert_element_type3A_944 = arith.extui %eq3A_943 : vector<16xi1> to vector<16xi32>
    %broadcast_in_dim3A_945 = arith.constant true
    %broadcast_in_dim3A_946 = vector.broadcast %broadcast_in_dim3A_945 : i1 to vector<16xi1>
    %masked_cumsum3A_947 = tpu.scan <sum>, %convert_element_type3A_944 masked %broadcast_in_dim3A_946 : vector<16xi32>, vector<16xi1> -> vector<16xi32>
    %sub3A_948 = arith.subi %masked_cumsum3A_947, %convert_element_type3A_944 : vector<16xi32>
    %add3A_949 = vector.broadcast %add3A_938 : i32 to vector<16xi32>
    %add3A_950 = arith.addi %sub3A_948, %add3A_949 : vector<16xi32>
    %get3A_951 = arith.constant 32 : index
    %get3A_952 = tpu.vector_load %arg14[%get3A_951] {strides = array<i32>} : memref<64xi32, #tpu.memory_space<vmem>>, vector<16xi32>,
    %mul3A_953 = arith.muli %convert_element_type3A_944, %add3A_950 : vector<16xi32>
    %add3A_954 = arith.addi %get3A_952, %mul3A_953 : vector<16xi32>
    %swap3A_955 = arith.constant 32 : index
    %swap3A_956 = tpu.vector_load %arg14[%swap3A_955] {strides = array<i32>} : memref<64xi32, #tpu.memory_space<vmem>>, vector<16xi32>,
    tpu.vector_store %arg14[%swap3A_955], %add3A_954 {strides = array<i32>} : memref<64xi32, #tpu.memory_space<vmem>>, vector<16xi32>,
    %reduce_sum3A_957 = arith.constant true
    %reduce_sum3A_958 = vector.broadcast %reduce_sum3A_957 : i1 to vector<16xi1>
    %reduce_sum3A_959 = tpu.scan <sum>, %convert_element_type3A_944 masked %reduce_sum3A_958 : vector<16xi32>, vector<16xi1> -> vector<16xi32>
    %reduce_sum3A_960 = vector.extract %reduce_sum3A_959[15] : i32 from vector<16xi32>
    %add3A_961 = arith.addi %add3A_938, %reduce_sum3A_960 : i32
    %get3A_962 = arith.constant 48 : index
    %get3A_963 = tpu.vector_load %arg11[%get3A_962] {strides = array<i32>} : memref<64xi32, #tpu.memory_space<vmem>>, vector<16xi32>,
    %eq3A_964 = arith.constant 4 : i32
    %eq3A_965 = vector.broadcast %eq3A_964 : i32 to vector<16xi32>
    %eq3A_966 = arith.cmpi eq, %get3A_963, %eq3A_965 : vector<16xi32>
    %convert_element_type3A_967 = arith.extui %eq3A_966 : vector<16xi1> to vector<16xi32>
    %broadcast_in_dim3A_968 = arith.constant true
    %broadcast_in_dim3A_969 = vector.broadcast %broadcast_in_dim3A_968 : i1 to vector<16xi1>
    %masked_cumsum3A_970 = tpu.scan <sum>, %convert_element_type3A_967 masked %broadcast_in_dim3A_969 : vector<16xi32>, vector<16xi1> -> vector<16xi32>
    %sub3A_971 = arith.subi %masked_cumsum3A_970, %convert_element_type3A_967 : vector<16xi32>
    %add3A_972 = vector.broadcast %add3A_961 : i32 to vector<16xi32>
    %add3A_973 = arith.addi %sub3A_971, %add3A_972 : vector<16xi32>
    %get3A_974 = arith.constant 48 : index
    %get3A_975 = tpu.vector_load %arg14[%get3A_974] {strides = array<i32>} : memref<64xi32, #tpu.memory_space<vmem>>, vector<16xi32>,
    %mul3A_976 = arith.muli %convert_element_type3A_967, %add3A_973 : vector<16xi32>
    %add3A_977 = arith.addi %get3A_975, %mul3A_976 : vector<16xi32>
    %swap3A_978 = arith.constant 48 : index
    %swap3A_979 = tpu.vector_load %arg14[%swap3A_978] {strides = array<i32>} : memref<64xi32, #tpu.memory_space<vmem>>, vector<16xi32>,
    tpu.vector_store %arg14[%swap3A_978], %add3A_977 {strides = array<i32>} : memref<64xi32, #tpu.memory_space<vmem>>, vector<16xi32>,
    %reduce_sum3A_980 = arith.constant true
    %reduce_sum3A_981 = vector.broadcast %reduce_sum3A_980 : i1 to vector<16xi1>
    %reduce_sum3A_982 = tpu.scan <sum>, %convert_element_type3A_967 masked %reduce_sum3A_981 : vector<16xi32>, vector<16xi1> -> vector<16xi32>
    %reduce_sum3A_983 = vector.extract %reduce_sum3A_982[15] : i32 from vector<16xi32>
    %add3A_984 = arith.addi %add3A_961, %reduce_sum3A_983 : i32
    %eq3A_985 = arith.constant 5 : i32
    %eq3A_986 = vector.broadcast %eq3A_985 : i32 to vector<16xi32>
    %eq3A_987 = arith.cmpi eq, %iota3A, %eq3A_986 : vector<16xi32>
    %jit3A_988 = arith.constant 0 : i32
    %broadcast_in_dim3A_989 = vector.broadcast %jit3A_988 : i32 to vector<16xi32>
    %select_n3A_990 = arith.select %eq3A_987, %get3A_5, %broadcast_in_dim3A_989 : vector<16xi1>, vector<16xi32>
    %reduce_sum3A_991 = arith.constant true
    %reduce_sum3A_992 = vector.broadcast %reduce_sum3A_991 : i1 to vector<16xi1>
    %reduce_sum3A_993 = tpu.scan <sum>, %select_n3A_990 masked %reduce_sum3A_992 : vector<16xi32>, vector<16xi1> -> vector<16xi32>
    %reduce_sum3A_994 = vector.extract %reduce_sum3A_993[15] : i32 from vector<16xi32>
    %get3A_995 = arith.constant 0 : index
    %get3A_996 = tpu.vector_load %arg10[%get3A_995] {strides = array<i32>} : memref<64xi32, #tpu.memory_space<vmem>>, vector<16xi32>,
    %eq3A_997 = arith.constant 5 : i32
    %eq3A_998 = vector.broadcast %eq3A_997 : i32 to vector<16xi32>
    %eq3A_999 = arith.cmpi eq, %get3A_996, %eq3A_998 : vector<16xi32>
    %convert_element_type3A_1000 = arith.extui %eq3A_999 : vector<16xi1> to vector<16xi32>
    %broadcast_in_dim3A_1001 = arith.constant true
    %broadcast_in_dim3A_1002 = vector.broadcast %broadcast_in_dim3A_1001 : i1 to vector<16xi1>
    %masked_cumsum3A_1003 = tpu.scan <sum>, %convert_element_type3A_1000 masked %broadcast_in_dim3A_1002 : vector<16xi32>, vector<16xi1> -> vector<16xi32>
    %sub3A_1004 = arith.subi %masked_cumsum3A_1003, %convert_element_type3A_1000 : vector<16xi32>
    %add3A_1005 = vector.broadcast %reduce_sum3A_994 : i32 to vector<16xi32>
    %add3A_1006 = arith.addi %sub3A_1004, %add3A_1005 : vector<16xi32>
    %get3A_1007 = arith.constant 0 : index
    %get3A_1008 = tpu.vector_load %arg13[%get3A_1007] {strides = array<i32>} : memref<64xi32, #tpu.memory_space<vmem>>, vector<16xi32>,
    %mul3A_1009 = arith.muli %convert_element_type3A_1000, %add3A_1006 : vector<16xi32>
    %add3A_1010 = arith.addi %get3A_1008, %mul3A_1009 : vector<16xi32>
    %swap3A_1011 = arith.constant 0 : index
    %swap3A_1012 = tpu.vector_load %arg13[%swap3A_1011] {strides = array<i32>} : memref<64xi32, #tpu.memory_space<vmem>>, vector<16xi32>,
    tpu.vector_store %arg13[%swap3A_1011], %add3A_1010 {strides = array<i32>} : memref<64xi32, #tpu.memory_space<vmem>>, vector<16xi32>,
    %reduce_sum3A_1013 = arith.constant true
    %reduce_sum3A_1014 = vector.broadcast %reduce_sum3A_1013 : i1 to vector<16xi1>
    %reduce_sum3A_1015 = tpu.scan <sum>, %convert_element_type3A_1000 masked %reduce_sum3A_1014 : vector<16xi32>, vector<16xi1> -> vector<16xi32>
    %reduce_sum3A_1016 = vector.extract %reduce_sum3A_1015[15] : i32 from vector<16xi32>
    %add3A_1017 = arith.addi %reduce_sum3A_994, %reduce_sum3A_1016 : i32
    %get3A_1018 = arith.constant 16 : index
    %get3A_1019 = tpu.vector_load %arg10[%get3A_1018] {strides = array<i32>} : memref<64xi32, #tpu.memory_space<vmem>>, vector<16xi32>,
    %eq3A_1020 = arith.constant 5 : i32
    %eq3A_1021 = vector.broadcast %eq3A_1020 : i32 to vector<16xi32>
    %eq3A_1022 = arith.cmpi eq, %get3A_1019, %eq3A_1021 : vector<16xi32>
    %convert_element_type3A_1023 = arith.extui %eq3A_1022 : vector<16xi1> to vector<16xi32>
    %broadcast_in_dim3A_1024 = arith.constant true
    %broadcast_in_dim3A_1025 = vector.broadcast %broadcast_in_dim3A_1024 : i1 to vector<16xi1>
    %masked_cumsum3A_1026 = tpu.scan <sum>, %convert_element_type3A_1023 masked %broadcast_in_dim3A_1025 : vector<16xi32>, vector<16xi1> -> vector<16xi32>
    %sub3A_1027 = arith.subi %masked_cumsum3A_1026, %convert_element_type3A_1023 : vector<16xi32>
    %add3A_1028 = vector.broadcast %add3A_1017 : i32 to vector<16xi32>
    %add3A_1029 = arith.addi %sub3A_1027, %add3A_1028 : vector<16xi32>
    %get3A_1030 = arith.constant 16 : index
    %get3A_1031 = tpu.vector_load %arg13[%get3A_1030] {strides = array<i32>} : memref<64xi32, #tpu.memory_space<vmem>>, vector<16xi32>,
    %mul3A_1032 = arith.muli %convert_element_type3A_1023, %add3A_1029 : vector<16xi32>
    %add3A_1033 = arith.addi %get3A_1031, %mul3A_1032 : vector<16xi32>
    %swap3A_1034 = arith.constant 16 : index
    %swap3A_1035 = tpu.vector_load %arg13[%swap3A_1034] {strides = array<i32>} : memref<64xi32, #tpu.memory_space<vmem>>, vector<16xi32>,
    tpu.vector_store %arg13[%swap3A_1034], %add3A_1033 {strides = array<i32>} : memref<64xi32, #tpu.memory_space<vmem>>, vector<16xi32>,
    %reduce_sum3A_1036 = arith.constant true
    %reduce_sum3A_1037 = vector.broadcast %reduce_sum3A_1036 : i1 to vector<16xi1>
    %reduce_sum3A_1038 = tpu.scan <sum>, %convert_element_type3A_1023 masked %reduce_sum3A_1037 : vector<16xi32>, vector<16xi1> -> vector<16xi32>
    %reduce_sum3A_1039 = vector.extract %reduce_sum3A_1038[15] : i32 from vector<16xi32>
    %add3A_1040 = arith.addi %add3A_1017, %reduce_sum3A_1039 : i32
    %get3A_1041 = arith.constant 32 : index
    %get3A_1042 = tpu.vector_load %arg10[%get3A_1041] {strides = array<i32>} : memref<64xi32, #tpu.memory_space<vmem>>, vector<16xi32>,
    %eq3A_1043 = arith.constant 5 : i32
    %eq3A_1044 = vector.broadcast %eq3A_1043 : i32 to vector<16xi32>
    %eq3A_1045 = arith.cmpi eq, %get3A_1042, %eq3A_1044 : vector<16xi32>
    %convert_element_type3A_1046 = arith.extui %eq3A_1045 : vector<16xi1> to vector<16xi32>
    %broadcast_in_dim3A_1047 = arith.constant true
    %broadcast_in_dim3A_1048 = vector.broadcast %broadcast_in_dim3A_1047 : i1 to vector<16xi1>
    %masked_cumsum3A_1049 = tpu.scan <sum>, %convert_element_type3A_1046 masked %broadcast_in_dim3A_1048 : vector<16xi32>, vector<16xi1> -> vector<16xi32>
    %sub3A_1050 = arith.subi %masked_cumsum3A_1049, %convert_element_type3A_1046 : vector<16xi32>
    %add3A_1051 = vector.broadcast %add3A_1040 : i32 to vector<16xi32>
    %add3A_1052 = arith.addi %sub3A_1050, %add3A_1051 : vector<16xi32>
    %get3A_1053 = arith.constant 32 : index
    %get3A_1054 = tpu.vector_load %arg13[%get3A_1053] {strides = array<i32>} : memref<64xi32, #tpu.memory_space<vmem>>, vector<16xi32>,
    %mul3A_1055 = arith.muli %convert_element_type3A_1046, %add3A_1052 : vector<16xi32>
    %add3A_1056 = arith.addi %get3A_1054, %mul3A_1055 : vector<16xi32>
    %swap3A_1057 = arith.constant 32 : index
    %swap3A_1058 = tpu.vector_load %arg13[%swap3A_1057] {strides = array<i32>} : memref<64xi32, #tpu.memory_space<vmem>>, vector<16xi32>,
    tpu.vector_store %arg13[%swap3A_1057], %add3A_1056 {strides = array<i32>} : memref<64xi32, #tpu.memory_space<vmem>>, vector<16xi32>,
    %reduce_sum3A_1059 = arith.constant true
    %reduce_sum3A_1060 = vector.broadcast %reduce_sum3A_1059 : i1 to vector<16xi1>
    %reduce_sum3A_1061 = tpu.scan <sum>, %convert_element_type3A_1046 masked %reduce_sum3A_1060 : vector<16xi32>, vector<16xi1> -> vector<16xi32>
    %reduce_sum3A_1062 = vector.extract %reduce_sum3A_1061[15] : i32 from vector<16xi32>
    %add3A_1063 = arith.addi %add3A_1040, %reduce_sum3A_1062 : i32
    %get3A_1064 = arith.constant 48 : index
    %get3A_1065 = tpu.vector_load %arg10[%get3A_1064] {strides = array<i32>} : memref<64xi32, #tpu.memory_space<vmem>>, vector<16xi32>,
    %eq3A_1066 = arith.constant 5 : i32
    %eq3A_1067 = vector.broadcast %eq3A_1066 : i32 to vector<16xi32>
    %eq3A_1068 = arith.cmpi eq, %get3A_1065, %eq3A_1067 : vector<16xi32>
    %convert_element_type3A_1069 = arith.extui %eq3A_1068 : vector<16xi1> to vector<16xi32>
    %broadcast_in_dim3A_1070 = arith.constant true
    %broadcast_in_dim3A_1071 = vector.broadcast %broadcast_in_dim3A_1070 : i1 to vector<16xi1>
    %masked_cumsum3A_1072 = tpu.scan <sum>, %convert_element_type3A_1069 masked %broadcast_in_dim3A_1071 : vector<16xi32>, vector<16xi1> -> vector<16xi32>
    %sub3A_1073 = arith.subi %masked_cumsum3A_1072, %convert_element_type3A_1069 : vector<16xi32>
    %add3A_1074 = vector.broadcast %add3A_1063 : i32 to vector<16xi32>
    %add3A_1075 = arith.addi %sub3A_1073, %add3A_1074 : vector<16xi32>
    %get3A_1076 = arith.constant 48 : index
    %get3A_1077 = tpu.vector_load %arg13[%get3A_1076] {strides = array<i32>} : memref<64xi32, #tpu.memory_space<vmem>>, vector<16xi32>,
    %mul3A_1078 = arith.muli %convert_element_type3A_1069, %add3A_1075 : vector<16xi32>
    %add3A_1079 = arith.addi %get3A_1077, %mul3A_1078 : vector<16xi32>
    %swap3A_1080 = arith.constant 48 : index
    %swap3A_1081 = tpu.vector_load %arg13[%swap3A_1080] {strides = array<i32>} : memref<64xi32, #tpu.memory_space<vmem>>, vector<16xi32>,
    tpu.vector_store %arg13[%swap3A_1080], %add3A_1079 {strides = array<i32>} : memref<64xi32, #tpu.memory_space<vmem>>, vector<16xi32>,
    %reduce_sum3A_1082 = arith.constant true
    %reduce_sum3A_1083 = vector.broadcast %reduce_sum3A_1082 : i1 to vector<16xi1>
    %reduce_sum3A_1084 = tpu.scan <sum>, %convert_element_type3A_1069 masked %reduce_sum3A_1083 : vector<16xi32>, vector<16xi1> -> vector<16xi32>
    %reduce_sum3A_1085 = vector.extract %reduce_sum3A_1084[15] : i32 from vector<16xi32>
    %add3A_1086 = arith.addi %add3A_1063, %reduce_sum3A_1085 : i32
    %get3A_1087 = arith.constant 0 : index
    %get3A_1088 = tpu.vector_load %arg11[%get3A_1087] {strides = array<i32>} : memref<64xi32, #tpu.memory_space<vmem>>, vector<16xi32>,
    %eq3A_1089 = arith.constant 5 : i32
    %eq3A_1090 = vector.broadcast %eq3A_1089 : i32 to vector<16xi32>
    %eq3A_1091 = arith.cmpi eq, %get3A_1088, %eq3A_1090 : vector<16xi32>
    %convert_element_type3A_1092 = arith.extui %eq3A_1091 : vector<16xi1> to vector<16xi32>
    %broadcast_in_dim3A_1093 = arith.constant true
    %broadcast_in_dim3A_1094 = vector.broadcast %broadcast_in_dim3A_1093 : i1 to vector<16xi1>
    %masked_cumsum3A_1095 = tpu.scan <sum>, %convert_element_type3A_1092 masked %broadcast_in_dim3A_1094 : vector<16xi32>, vector<16xi1> -> vector<16xi32>
    %sub3A_1096 = arith.subi %masked_cumsum3A_1095, %convert_element_type3A_1092 : vector<16xi32>
    %add3A_1097 = vector.broadcast %add3A_1086 : i32 to vector<16xi32>
    %add3A_1098 = arith.addi %sub3A_1096, %add3A_1097 : vector<16xi32>
    %get3A_1099 = arith.constant 0 : index
    %get3A_1100 = tpu.vector_load %arg14[%get3A_1099] {strides = array<i32>} : memref<64xi32, #tpu.memory_space<vmem>>, vector<16xi32>,
    %mul3A_1101 = arith.muli %convert_element_type3A_1092, %add3A_1098 : vector<16xi32>
    %add3A_1102 = arith.addi %get3A_1100, %mul3A_1101 : vector<16xi32>
    %swap3A_1103 = arith.constant 0 : index
    %swap3A_1104 = tpu.vector_load %arg14[%swap3A_1103] {strides = array<i32>} : memref<64xi32, #tpu.memory_space<vmem>>, vector<16xi32>,
    tpu.vector_store %arg14[%swap3A_1103], %add3A_1102 {strides = array<i32>} : memref<64xi32, #tpu.memory_space<vmem>>, vector<16xi32>,
    %reduce_sum3A_1105 = arith.constant true
    %reduce_sum3A_1106 = vector.broadcast %reduce_sum3A_1105 : i1 to vector<16xi1>
    %reduce_sum3A_1107 = tpu.scan <sum>, %convert_element_type3A_1092 masked %reduce_sum3A_1106 : vector<16xi32>, vector<16xi1> -> vector<16xi32>
    %reduce_sum3A_1108 = vector.extract %reduce_sum3A_1107[15] : i32 from vector<16xi32>
    %add3A_1109 = arith.addi %add3A_1086, %reduce_sum3A_1108 : i32
    %get3A_1110 = arith.constant 16 : index
    %get3A_1111 = tpu.vector_load %arg11[%get3A_1110] {strides = array<i32>} : memref<64xi32, #tpu.memory_space<vmem>>, vector<16xi32>,
    %eq3A_1112 = arith.constant 5 : i32
    %eq3A_1113 = vector.broadcast %eq3A_1112 : i32 to vector<16xi32>
    %eq3A_1114 = arith.cmpi eq, %get3A_1111, %eq3A_1113 : vector<16xi32>
    %convert_element_type3A_1115 = arith.extui %eq3A_1114 : vector<16xi1> to vector<16xi32>
    %broadcast_in_dim3A_1116 = arith.constant true
    %broadcast_in_dim3A_1117 = vector.broadcast %broadcast_in_dim3A_1116 : i1 to vector<16xi1>
    %masked_cumsum3A_1118 = tpu.scan <sum>, %convert_element_type3A_1115 masked %broadcast_in_dim3A_1117 : vector<16xi32>, vector<16xi1> -> vector<16xi32>
    %sub3A_1119 = arith.subi %masked_cumsum3A_1118, %convert_element_type3A_1115 : vector<16xi32>
    %add3A_1120 = vector.broadcast %add3A_1109 : i32 to vector<16xi32>
    %add3A_1121 = arith.addi %sub3A_1119, %add3A_1120 : vector<16xi32>
    %get3A_1122 = arith.constant 16 : index
    %get3A_1123 = tpu.vector_load %arg14[%get3A_1122] {strides = array<i32>} : memref<64xi32, #tpu.memory_space<vmem>>, vector<16xi32>,
    %mul3A_1124 = arith.muli %convert_element_type3A_1115, %add3A_1121 : vector<16xi32>
    %add3A_1125 = arith.addi %get3A_1123, %mul3A_1124 : vector<16xi32>
    %swap3A_1126 = arith.constant 16 : index
    %swap3A_1127 = tpu.vector_load %arg14[%swap3A_1126] {strides = array<i32>} : memref<64xi32, #tpu.memory_space<vmem>>, vector<16xi32>,
    tpu.vector_store %arg14[%swap3A_1126], %add3A_1125 {strides = array<i32>} : memref<64xi32, #tpu.memory_space<vmem>>, vector<16xi32>,
    %reduce_sum3A_1128 = arith.constant true
    %reduce_sum3A_1129 = vector.broadcast %reduce_sum3A_1128 : i1 to vector<16xi1>
    %reduce_sum3A_1130 = tpu.scan <sum>, %convert_element_type3A_1115 masked %reduce_sum3A_1129 : vector<16xi32>, vector<16xi1> -> vector<16xi32>
    %reduce_sum3A_1131 = vector.extract %reduce_sum3A_1130[15] : i32 from vector<16xi32>
    %add3A_1132 = arith.addi %add3A_1109, %reduce_sum3A_1131 : i32
    %get3A_1133 = arith.constant 32 : index
    %get3A_1134 = tpu.vector_load %arg11[%get3A_1133] {strides = array<i32>} : memref<64xi32, #tpu.memory_space<vmem>>, vector<16xi32>,
    %eq3A_1135 = arith.constant 5 : i32
    %eq3A_1136 = vector.broadcast %eq3A_1135 : i32 to vector<16xi32>
    %eq3A_1137 = arith.cmpi eq, %get3A_1134, %eq3A_1136 : vector<16xi32>
    %convert_element_type3A_1138 = arith.extui %eq3A_1137 : vector<16xi1> to vector<16xi32>
    %broadcast_in_dim3A_1139 = arith.constant true
    %broadcast_in_dim3A_1140 = vector.broadcast %broadcast_in_dim3A_1139 : i1 to vector<16xi1>
    %masked_cumsum3A_1141 = tpu.scan <sum>, %convert_element_type3A_1138 masked %broadcast_in_dim3A_1140 : vector<16xi32>, vector<16xi1> -> vector<16xi32>
    %sub3A_1142 = arith.subi %masked_cumsum3A_1141, %convert_element_type3A_1138 : vector<16xi32>
    %add3A_1143 = vector.broadcast %add3A_1132 : i32 to vector<16xi32>
    %add3A_1144 = arith.addi %sub3A_1142, %add3A_1143 : vector<16xi32>
    %get3A_1145 = arith.constant 32 : index
    %get3A_1146 = tpu.vector_load %arg14[%get3A_1145] {strides = array<i32>} : memref<64xi32, #tpu.memory_space<vmem>>, vector<16xi32>,
    %mul3A_1147 = arith.muli %convert_element_type3A_1138, %add3A_1144 : vector<16xi32>
    %add3A_1148 = arith.addi %get3A_1146, %mul3A_1147 : vector<16xi32>
    %swap3A_1149 = arith.constant 32 : index
    %swap3A_1150 = tpu.vector_load %arg14[%swap3A_1149] {strides = array<i32>} : memref<64xi32, #tpu.memory_space<vmem>>, vector<16xi32>,
    tpu.vector_store %arg14[%swap3A_1149], %add3A_1148 {strides = array<i32>} : memref<64xi32, #tpu.memory_space<vmem>>, vector<16xi32>,
    %reduce_sum3A_1151 = arith.constant true
    %reduce_sum3A_1152 = vector.broadcast %reduce_sum3A_1151 : i1 to vector<16xi1>
    %reduce_sum3A_1153 = tpu.scan <sum>, %convert_element_type3A_1138 masked %reduce_sum3A_1152 : vector<16xi32>, vector<16xi1> -> vector<16xi32>
    %reduce_sum3A_1154 = vector.extract %reduce_sum3A_1153[15] : i32 from vector<16xi32>
    %add3A_1155 = arith.addi %add3A_1132, %reduce_sum3A_1154 : i32
    %get3A_1156 = arith.constant 48 : index
    %get3A_1157 = tpu.vector_load %arg11[%get3A_1156] {strides = array<i32>} : memref<64xi32, #tpu.memory_space<vmem>>, vector<16xi32>,
    %eq3A_1158 = arith.constant 5 : i32
    %eq3A_1159 = vector.broadcast %eq3A_1158 : i32 to vector<16xi32>
    %eq3A_1160 = arith.cmpi eq, %get3A_1157, %eq3A_1159 : vector<16xi32>
    %convert_element_type3A_1161 = arith.extui %eq3A_1160 : vector<16xi1> to vector<16xi32>
    %broadcast_in_dim3A_1162 = arith.constant true
    %broadcast_in_dim3A_1163 = vector.broadcast %broadcast_in_dim3A_1162 : i1 to vector<16xi1>
    %masked_cumsum3A_1164 = tpu.scan <sum>, %convert_element_type3A_1161 masked %broadcast_in_dim3A_1163 : vector<16xi32>, vector<16xi1> -> vector<16xi32>
    %sub3A_1165 = arith.subi %masked_cumsum3A_1164, %convert_element_type3A_1161 : vector<16xi32>
    %add3A_1166 = vector.broadcast %add3A_1155 : i32 to vector<16xi32>
    %add3A_1167 = arith.addi %sub3A_1165, %add3A_1166 : vector<16xi32>
    %get3A_1168 = arith.constant 48 : index
    %get3A_1169 = tpu.vector_load %arg14[%get3A_1168] {strides = array<i32>} : memref<64xi32, #tpu.memory_space<vmem>>, vector<16xi32>,
    %mul3A_1170 = arith.muli %convert_element_type3A_1161, %add3A_1167 : vector<16xi32>
    %add3A_1171 = arith.addi %get3A_1169, %mul3A_1170 : vector<16xi32>
    %swap3A_1172 = arith.constant 48 : index
    %swap3A_1173 = tpu.vector_load %arg14[%swap3A_1172] {strides = array<i32>} : memref<64xi32, #tpu.memory_space<vmem>>, vector<16xi32>,
    tpu.vector_store %arg14[%swap3A_1172], %add3A_1171 {strides = array<i32>} : memref<64xi32, #tpu.memory_space<vmem>>, vector<16xi32>,
    %reduce_sum3A_1174 = arith.constant true
    %reduce_sum3A_1175 = vector.broadcast %reduce_sum3A_1174 : i1 to vector<16xi1>
    %reduce_sum3A_1176 = tpu.scan <sum>, %convert_element_type3A_1161 masked %reduce_sum3A_1175 : vector<16xi32>, vector<16xi1> -> vector<16xi32>
    %reduce_sum3A_1177 = vector.extract %reduce_sum3A_1176[15] : i32 from vector<16xi32>
    %add3A_1178 = arith.addi %add3A_1155, %reduce_sum3A_1177 : i32
    %eq3A_1179 = arith.constant 6 : i32
    %eq3A_1180 = vector.broadcast %eq3A_1179 : i32 to vector<16xi32>
    %eq3A_1181 = arith.cmpi eq, %iota3A, %eq3A_1180 : vector<16xi32>
    %jit3A_1182 = arith.constant 0 : i32
    %broadcast_in_dim3A_1183 = vector.broadcast %jit3A_1182 : i32 to vector<16xi32>
    %select_n3A_1184 = arith.select %eq3A_1181, %get3A_5, %broadcast_in_dim3A_1183 : vector<16xi1>, vector<16xi32>
    %reduce_sum3A_1185 = arith.constant true
    %reduce_sum3A_1186 = vector.broadcast %reduce_sum3A_1185 : i1 to vector<16xi1>
    %reduce_sum3A_1187 = tpu.scan <sum>, %select_n3A_1184 masked %reduce_sum3A_1186 : vector<16xi32>, vector<16xi1> -> vector<16xi32>
    %reduce_sum3A_1188 = vector.extract %reduce_sum3A_1187[15] : i32 from vector<16xi32>
    %get3A_1189 = arith.constant 0 : index
    %get3A_1190 = tpu.vector_load %arg10[%get3A_1189] {strides = array<i32>} : memref<64xi32, #tpu.memory_space<vmem>>, vector<16xi32>,
    %eq3A_1191 = arith.constant 6 : i32
    %eq3A_1192 = vector.broadcast %eq3A_1191 : i32 to vector<16xi32>
    %eq3A_1193 = arith.cmpi eq, %get3A_1190, %eq3A_1192 : vector<16xi32>
    %convert_element_type3A_1194 = arith.extui %eq3A_1193 : vector<16xi1> to vector<16xi32>
    %broadcast_in_dim3A_1195 = arith.constant true
    %broadcast_in_dim3A_1196 = vector.broadcast %broadcast_in_dim3A_1195 : i1 to vector<16xi1>
    %masked_cumsum3A_1197 = tpu.scan <sum>, %convert_element_type3A_1194 masked %broadcast_in_dim3A_1196 : vector<16xi32>, vector<16xi1> -> vector<16xi32>
    %sub3A_1198 = arith.subi %masked_cumsum3A_1197, %convert_element_type3A_1194 : vector<16xi32>
    %add3A_1199 = vector.broadcast %reduce_sum3A_1188 : i32 to vector<16xi32>
    %add3A_1200 = arith.addi %sub3A_1198, %add3A_1199 : vector<16xi32>
    %get3A_1201 = arith.constant 0 : index
    %get3A_1202 = tpu.vector_load %arg13[%get3A_1201] {strides = array<i32>} : memref<64xi32, #tpu.memory_space<vmem>>, vector<16xi32>,
    %mul3A_1203 = arith.muli %convert_element_type3A_1194, %add3A_1200 : vector<16xi32>
    %add3A_1204 = arith.addi %get3A_1202, %mul3A_1203 : vector<16xi32>
    %swap3A_1205 = arith.constant 0 : index
    %swap3A_1206 = tpu.vector_load %arg13[%swap3A_1205] {strides = array<i32>} : memref<64xi32, #tpu.memory_space<vmem>>, vector<16xi32>,
    tpu.vector_store %arg13[%swap3A_1205], %add3A_1204 {strides = array<i32>} : memref<64xi32, #tpu.memory_space<vmem>>, vector<16xi32>,
    %reduce_sum3A_1207 = arith.constant true
    %reduce_sum3A_1208 = vector.broadcast %reduce_sum3A_1207 : i1 to vector<16xi1>
    %reduce_sum3A_1209 = tpu.scan <sum>, %convert_element_type3A_1194 masked %reduce_sum3A_1208 : vector<16xi32>, vector<16xi1> -> vector<16xi32>
    %reduce_sum3A_1210 = vector.extract %reduce_sum3A_1209[15] : i32 from vector<16xi32>
    %add3A_1211 = arith.addi %reduce_sum3A_1188, %reduce_sum3A_1210 : i32
    %get3A_1212 = arith.constant 16 : index
    %get3A_1213 = tpu.vector_load %arg10[%get3A_1212] {strides = array<i32>} : memref<64xi32, #tpu.memory_space<vmem>>, vector<16xi32>,
    %eq3A_1214 = arith.constant 6 : i32
    %eq3A_1215 = vector.broadcast %eq3A_1214 : i32 to vector<16xi32>
    %eq3A_1216 = arith.cmpi eq, %get3A_1213, %eq3A_1215 : vector<16xi32>
    %convert_element_type3A_1217 = arith.extui %eq3A_1216 : vector<16xi1> to vector<16xi32>
    %broadcast_in_dim3A_1218 = arith.constant true
    %broadcast_in_dim3A_1219 = vector.broadcast %broadcast_in_dim3A_1218 : i1 to vector<16xi1>
    %masked_cumsum3A_1220 = tpu.scan <sum>, %convert_element_type3A_1217 masked %broadcast_in_dim3A_1219 : vector<16xi32>, vector<16xi1> -> vector<16xi32>
    %sub3A_1221 = arith.subi %masked_cumsum3A_1220, %convert_element_type3A_1217 : vector<16xi32>
    %add3A_1222 = vector.broadcast %add3A_1211 : i32 to vector<16xi32>
    %add3A_1223 = arith.addi %sub3A_1221, %add3A_1222 : vector<16xi32>
    %get3A_1224 = arith.constant 16 : index
    %get3A_1225 = tpu.vector_load %arg13[%get3A_1224] {strides = array<i32>} : memref<64xi32, #tpu.memory_space<vmem>>, vector<16xi32>,
    %mul3A_1226 = arith.muli %convert_element_type3A_1217, %add3A_1223 : vector<16xi32>
    %add3A_1227 = arith.addi %get3A_1225, %mul3A_1226 : vector<16xi32>
    %swap3A_1228 = arith.constant 16 : index
    %swap3A_1229 = tpu.vector_load %arg13[%swap3A_1228] {strides = array<i32>} : memref<64xi32, #tpu.memory_space<vmem>>, vector<16xi32>,
    tpu.vector_store %arg13[%swap3A_1228], %add3A_1227 {strides = array<i32>} : memref<64xi32, #tpu.memory_space<vmem>>, vector<16xi32>,
    %reduce_sum3A_1230 = arith.constant true
    %reduce_sum3A_1231 = vector.broadcast %reduce_sum3A_1230 : i1 to vector<16xi1>
    %reduce_sum3A_1232 = tpu.scan <sum>, %convert_element_type3A_1217 masked %reduce_sum3A_1231 : vector<16xi32>, vector<16xi1> -> vector<16xi32>
    %reduce_sum3A_1233 = vector.extract %reduce_sum3A_1232[15] : i32 from vector<16xi32>
    %add3A_1234 = arith.addi %add3A_1211, %reduce_sum3A_1233 : i32
    %get3A_1235 = arith.constant 32 : index
    %get3A_1236 = tpu.vector_load %arg10[%get3A_1235] {strides = array<i32>} : memref<64xi32, #tpu.memory_space<vmem>>, vector<16xi32>,
    %eq3A_1237 = arith.constant 6 : i32
    %eq3A_1238 = vector.broadcast %eq3A_1237 : i32 to vector<16xi32>
    %eq3A_1239 = arith.cmpi eq, %get3A_1236, %eq3A_1238 : vector<16xi32>
    %convert_element_type3A_1240 = arith.extui %eq3A_1239 : vector<16xi1> to vector<16xi32>
    %broadcast_in_dim3A_1241 = arith.constant true
    %broadcast_in_dim3A_1242 = vector.broadcast %broadcast_in_dim3A_1241 : i1 to vector<16xi1>
    %masked_cumsum3A_1243 = tpu.scan <sum>, %convert_element_type3A_1240 masked %broadcast_in_dim3A_1242 : vector<16xi32>, vector<16xi1> -> vector<16xi32>
    %sub3A_1244 = arith.subi %masked_cumsum3A_1243, %convert_element_type3A_1240 : vector<16xi32>
    %add3A_1245 = vector.broadcast %add3A_1234 : i32 to vector<16xi32>
    %add3A_1246 = arith.addi %sub3A_1244, %add3A_1245 : vector<16xi32>
    %get3A_1247 = arith.constant 32 : index
    %get3A_1248 = tpu.vector_load %arg13[%get3A_1247] {strides = array<i32>} : memref<64xi32, #tpu.memory_space<vmem>>, vector<16xi32>,
    %mul3A_1249 = arith.muli %convert_element_type3A_1240, %add3A_1246 : vector<16xi32>
    %add3A_1250 = arith.addi %get3A_1248, %mul3A_1249 : vector<16xi32>
    %swap3A_1251 = arith.constant 32 : index
    %swap3A_1252 = tpu.vector_load %arg13[%swap3A_1251] {strides = array<i32>} : memref<64xi32, #tpu.memory_space<vmem>>, vector<16xi32>,
    tpu.vector_store %arg13[%swap3A_1251], %add3A_1250 {strides = array<i32>} : memref<64xi32, #tpu.memory_space<vmem>>, vector<16xi32>,
    %reduce_sum3A_1253 = arith.constant true
    %reduce_sum3A_1254 = vector.broadcast %reduce_sum3A_1253 : i1 to vector<16xi1>
    %reduce_sum3A_1255 = tpu.scan <sum>, %convert_element_type3A_1240 masked %reduce_sum3A_1254 : vector<16xi32>, vector<16xi1> -> vector<16xi32>
    %reduce_sum3A_1256 = vector.extract %reduce_sum3A_1255[15] : i32 from vector<16xi32>
    %add3A_1257 = arith.addi %add3A_1234, %reduce_sum3A_1256 : i32
    %get3A_1258 = arith.constant 48 : index
    %get3A_1259 = tpu.vector_load %arg10[%get3A_1258] {strides = array<i32>} : memref<64xi32, #tpu.memory_space<vmem>>, vector<16xi32>,
    %eq3A_1260 = arith.constant 6 : i32
    %eq3A_1261 = vector.broadcast %eq3A_1260 : i32 to vector<16xi32>
    %eq3A_1262 = arith.cmpi eq, %get3A_1259, %eq3A_1261 : vector<16xi32>
    %convert_element_type3A_1263 = arith.extui %eq3A_1262 : vector<16xi1> to vector<16xi32>
    %broadcast_in_dim3A_1264 = arith.constant true
    %broadcast_in_dim3A_1265 = vector.broadcast %broadcast_in_dim3A_1264 : i1 to vector<16xi1>
    %masked_cumsum3A_1266 = tpu.scan <sum>, %convert_element_type3A_1263 masked %broadcast_in_dim3A_1265 : vector<16xi32>, vector<16xi1> -> vector<16xi32>
    %sub3A_1267 = arith.subi %masked_cumsum3A_1266, %convert_element_type3A_1263 : vector<16xi32>
    %add3A_1268 = vector.broadcast %add3A_1257 : i32 to vector<16xi32>
    %add3A_1269 = arith.addi %sub3A_1267, %add3A_1268 : vector<16xi32>
    %get3A_1270 = arith.constant 48 : index
    %get3A_1271 = tpu.vector_load %arg13[%get3A_1270] {strides = array<i32>} : memref<64xi32, #tpu.memory_space<vmem>>, vector<16xi32>,
    %mul3A_1272 = arith.muli %convert_element_type3A_1263, %add3A_1269 : vector<16xi32>
    %add3A_1273 = arith.addi %get3A_1271, %mul3A_1272 : vector<16xi32>
    %swap3A_1274 = arith.constant 48 : index
    %swap3A_1275 = tpu.vector_load %arg13[%swap3A_1274] {strides = array<i32>} : memref<64xi32, #tpu.memory_space<vmem>>, vector<16xi32>,
    tpu.vector_store %arg13[%swap3A_1274], %add3A_1273 {strides = array<i32>} : memref<64xi32, #tpu.memory_space<vmem>>, vector<16xi32>,
    %reduce_sum3A_1276 = arith.constant true
    %reduce_sum3A_1277 = vector.broadcast %reduce_sum3A_1276 : i1 to vector<16xi1>
    %reduce_sum3A_1278 = tpu.scan <sum>, %convert_element_type3A_1263 masked %reduce_sum3A_1277 : vector<16xi32>, vector<16xi1> -> vector<16xi32>
    %reduce_sum3A_1279 = vector.extract %reduce_sum3A_1278[15] : i32 from vector<16xi32>
    %add3A_1280 = arith.addi %add3A_1257, %reduce_sum3A_1279 : i32
    %get3A_1281 = arith.constant 0 : index
    %get3A_1282 = tpu.vector_load %arg11[%get3A_1281] {strides = array<i32>} : memref<64xi32, #tpu.memory_space<vmem>>, vector<16xi32>,
    %eq3A_1283 = arith.constant 6 : i32
    %eq3A_1284 = vector.broadcast %eq3A_1283 : i32 to vector<16xi32>
    %eq3A_1285 = arith.cmpi eq, %get3A_1282, %eq3A_1284 : vector<16xi32>
    %convert_element_type3A_1286 = arith.extui %eq3A_1285 : vector<16xi1> to vector<16xi32>
    %broadcast_in_dim3A_1287 = arith.constant true
    %broadcast_in_dim3A_1288 = vector.broadcast %broadcast_in_dim3A_1287 : i1 to vector<16xi1>
    %masked_cumsum3A_1289 = tpu.scan <sum>, %convert_element_type3A_1286 masked %broadcast_in_dim3A_1288 : vector<16xi32>, vector<16xi1> -> vector<16xi32>
    %sub3A_1290 = arith.subi %masked_cumsum3A_1289, %convert_element_type3A_1286 : vector<16xi32>
    %add3A_1291 = vector.broadcast %add3A_1280 : i32 to vector<16xi32>
    %add3A_1292 = arith.addi %sub3A_1290, %add3A_1291 : vector<16xi32>
    %get3A_1293 = arith.constant 0 : index
    %get3A_1294 = tpu.vector_load %arg14[%get3A_1293] {strides = array<i32>} : memref<64xi32, #tpu.memory_space<vmem>>, vector<16xi32>,
    %mul3A_1295 = arith.muli %convert_element_type3A_1286, %add3A_1292 : vector<16xi32>
    %add3A_1296 = arith.addi %get3A_1294, %mul3A_1295 : vector<16xi32>
    %swap3A_1297 = arith.constant 0 : index
    %swap3A_1298 = tpu.vector_load %arg14[%swap3A_1297] {strides = array<i32>} : memref<64xi32, #tpu.memory_space<vmem>>, vector<16xi32>,
    tpu.vector_store %arg14[%swap3A_1297], %add3A_1296 {strides = array<i32>} : memref<64xi32, #tpu.memory_space<vmem>>, vector<16xi32>,
    %reduce_sum3A_1299 = arith.constant true
    %reduce_sum3A_1300 = vector.broadcast %reduce_sum3A_1299 : i1 to vector<16xi1>
    %reduce_sum3A_1301 = tpu.scan <sum>, %convert_element_type3A_1286 masked %reduce_sum3A_1300 : vector<16xi32>, vector<16xi1> -> vector<16xi32>
    %reduce_sum3A_1302 = vector.extract %reduce_sum3A_1301[15] : i32 from vector<16xi32>
    %add3A_1303 = arith.addi %add3A_1280, %reduce_sum3A_1302 : i32
    %get3A_1304 = arith.constant 16 : index
    %get3A_1305 = tpu.vector_load %arg11[%get3A_1304] {strides = array<i32>} : memref<64xi32, #tpu.memory_space<vmem>>, vector<16xi32>,
    %eq3A_1306 = arith.constant 6 : i32
    %eq3A_1307 = vector.broadcast %eq3A_1306 : i32 to vector<16xi32>
    %eq3A_1308 = arith.cmpi eq, %get3A_1305, %eq3A_1307 : vector<16xi32>
    %convert_element_type3A_1309 = arith.extui %eq3A_1308 : vector<16xi1> to vector<16xi32>
    %broadcast_in_dim3A_1310 = arith.constant true
    %broadcast_in_dim3A_1311 = vector.broadcast %broadcast_in_dim3A_1310 : i1 to vector<16xi1>
    %masked_cumsum3A_1312 = tpu.scan <sum>, %convert_element_type3A_1309 masked %broadcast_in_dim3A_1311 : vector<16xi32>, vector<16xi1> -> vector<16xi32>
    %sub3A_1313 = arith.subi %masked_cumsum3A_1312, %convert_element_type3A_1309 : vector<16xi32>
    %add3A_1314 = vector.broadcast %add3A_1303 : i32 to vector<16xi32>
    %add3A_1315 = arith.addi %sub3A_1313, %add3A_1314 : vector<16xi32>
    %get3A_1316 = arith.constant 16 : index
    %get3A_1317 = tpu.vector_load %arg14[%get3A_1316] {strides = array<i32>} : memref<64xi32, #tpu.memory_space<vmem>>, vector<16xi32>,
    %mul3A_1318 = arith.muli %convert_element_type3A_1309, %add3A_1315 : vector<16xi32>
    %add3A_1319 = arith.addi %get3A_1317, %mul3A_1318 : vector<16xi32>
    %swap3A_1320 = arith.constant 16 : index
    %swap3A_1321 = tpu.vector_load %arg14[%swap3A_1320] {strides = array<i32>} : memref<64xi32, #tpu.memory_space<vmem>>, vector<16xi32>,
    tpu.vector_store %arg14[%swap3A_1320], %add3A_1319 {strides = array<i32>} : memref<64xi32, #tpu.memory_space<vmem>>, vector<16xi32>,
    %reduce_sum3A_1322 = arith.constant true
    %reduce_sum3A_1323 = vector.broadcast %reduce_sum3A_1322 : i1 to vector<16xi1>
    %reduce_sum3A_1324 = tpu.scan <sum>, %convert_element_type3A_1309 masked %reduce_sum3A_1323 : vector<16xi32>, vector<16xi1> -> vector<16xi32>
    %reduce_sum3A_1325 = vector.extract %reduce_sum3A_1324[15] : i32 from vector<16xi32>
    %add3A_1326 = arith.addi %add3A_1303, %reduce_sum3A_1325 : i32
    %get3A_1327 = arith.constant 32 : index
    %get3A_1328 = tpu.vector_load %arg11[%get3A_1327] {strides = array<i32>} : memref<64xi32, #tpu.memory_space<vmem>>, vector<16xi32>,
    %eq3A_1329 = arith.constant 6 : i32
    %eq3A_1330 = vector.broadcast %eq3A_1329 : i32 to vector<16xi32>
    %eq3A_1331 = arith.cmpi eq, %get3A_1328, %eq3A_1330 : vector<16xi32>
    %convert_element_type3A_1332 = arith.extui %eq3A_1331 : vector<16xi1> to vector<16xi32>
    %broadcast_in_dim3A_1333 = arith.constant true
    %broadcast_in_dim3A_1334 = vector.broadcast %broadcast_in_dim3A_1333 : i1 to vector<16xi1>
    %masked_cumsum3A_1335 = tpu.scan <sum>, %convert_element_type3A_1332 masked %broadcast_in_dim3A_1334 : vector<16xi32>, vector<16xi1> -> vector<16xi32>
    %sub3A_1336 = arith.subi %masked_cumsum3A_1335, %convert_element_type3A_1332 : vector<16xi32>
    %add3A_1337 = vector.broadcast %add3A_1326 : i32 to vector<16xi32>
    %add3A_1338 = arith.addi %sub3A_1336, %add3A_1337 : vector<16xi32>
    %get3A_1339 = arith.constant 32 : index
    %get3A_1340 = tpu.vector_load %arg14[%get3A_1339] {strides = array<i32>} : memref<64xi32, #tpu.memory_space<vmem>>, vector<16xi32>,
    %mul3A_1341 = arith.muli %convert_element_type3A_1332, %add3A_1338 : vector<16xi32>
    %add3A_1342 = arith.addi %get3A_1340, %mul3A_1341 : vector<16xi32>
    %swap3A_1343 = arith.constant 32 : index
    %swap3A_1344 = tpu.vector_load %arg14[%swap3A_1343] {strides = array<i32>} : memref<64xi32, #tpu.memory_space<vmem>>, vector<16xi32>,
    tpu.vector_store %arg14[%swap3A_1343], %add3A_1342 {strides = array<i32>} : memref<64xi32, #tpu.memory_space<vmem>>, vector<16xi32>,
    %reduce_sum3A_1345 = arith.constant true
    %reduce_sum3A_1346 = vector.broadcast %reduce_sum3A_1345 : i1 to vector<16xi1>
    %reduce_sum3A_1347 = tpu.scan <sum>, %convert_element_type3A_1332 masked %reduce_sum3A_1346 : vector<16xi32>, vector<16xi1> -> vector<16xi32>
    %reduce_sum3A_1348 = vector.extract %reduce_sum3A_1347[15] : i32 from vector<16xi32>
    %add3A_1349 = arith.addi %add3A_1326, %reduce_sum3A_1348 : i32
    %get3A_1350 = arith.constant 48 : index
    %get3A_1351 = tpu.vector_load %arg11[%get3A_1350] {strides = array<i32>} : memref<64xi32, #tpu.memory_space<vmem>>, vector<16xi32>,
    %eq3A_1352 = arith.constant 6 : i32
    %eq3A_1353 = vector.broadcast %eq3A_1352 : i32 to vector<16xi32>
    %eq3A_1354 = arith.cmpi eq, %get3A_1351, %eq3A_1353 : vector<16xi32>
    %convert_element_type3A_1355 = arith.extui %eq3A_1354 : vector<16xi1> to vector<16xi32>
    %broadcast_in_dim3A_1356 = arith.constant true
    %broadcast_in_dim3A_1357 = vector.broadcast %broadcast_in_dim3A_1356 : i1 to vector<16xi1>
    %masked_cumsum3A_1358 = tpu.scan <sum>, %convert_element_type3A_1355 masked %broadcast_in_dim3A_1357 : vector<16xi32>, vector<16xi1> -> vector<16xi32>
    %sub3A_1359 = arith.subi %masked_cumsum3A_1358, %convert_element_type3A_1355 : vector<16xi32>
    %add3A_1360 = vector.broadcast %add3A_1349 : i32 to vector<16xi32>
    %add3A_1361 = arith.addi %sub3A_1359, %add3A_1360 : vector<16xi32>
    %get3A_1362 = arith.constant 48 : index
    %get3A_1363 = tpu.vector_load %arg14[%get3A_1362] {strides = array<i32>} : memref<64xi32, #tpu.memory_space<vmem>>, vector<16xi32>,
    %mul3A_1364 = arith.muli %convert_element_type3A_1355, %add3A_1361 : vector<16xi32>
    %add3A_1365 = arith.addi %get3A_1363, %mul3A_1364 : vector<16xi32>
    %swap3A_1366 = arith.constant 48 : index
    %swap3A_1367 = tpu.vector_load %arg14[%swap3A_1366] {strides = array<i32>} : memref<64xi32, #tpu.memory_space<vmem>>, vector<16xi32>,
    tpu.vector_store %arg14[%swap3A_1366], %add3A_1365 {strides = array<i32>} : memref<64xi32, #tpu.memory_space<vmem>>, vector<16xi32>,
    %reduce_sum3A_1368 = arith.constant true
    %reduce_sum3A_1369 = vector.broadcast %reduce_sum3A_1368 : i1 to vector<16xi1>
    %reduce_sum3A_1370 = tpu.scan <sum>, %convert_element_type3A_1355 masked %reduce_sum3A_1369 : vector<16xi32>, vector<16xi1> -> vector<16xi32>
    %reduce_sum3A_1371 = vector.extract %reduce_sum3A_1370[15] : i32 from vector<16xi32>
    %add3A_1372 = arith.addi %add3A_1349, %reduce_sum3A_1371 : i32
    %eq3A_1373 = arith.constant 7 : i32
    %eq3A_1374 = vector.broadcast %eq3A_1373 : i32 to vector<16xi32>
    %eq3A_1375 = arith.cmpi eq, %iota3A, %eq3A_1374 : vector<16xi32>
    %jit3A_1376 = arith.constant 0 : i32
    %broadcast_in_dim3A_1377 = vector.broadcast %jit3A_1376 : i32 to vector<16xi32>
    %select_n3A_1378 = arith.select %eq3A_1375, %get3A_5, %broadcast_in_dim3A_1377 : vector<16xi1>, vector<16xi32>
    %reduce_sum3A_1379 = arith.constant true
    %reduce_sum3A_1380 = vector.broadcast %reduce_sum3A_1379 : i1 to vector<16xi1>
    %reduce_sum3A_1381 = tpu.scan <sum>, %select_n3A_1378 masked %reduce_sum3A_1380 : vector<16xi32>, vector<16xi1> -> vector<16xi32>
    %reduce_sum3A_1382 = vector.extract %reduce_sum3A_1381[15] : i32 from vector<16xi32>
    %get3A_1383 = arith.constant 0 : index
    %get3A_1384 = tpu.vector_load %arg10[%get3A_1383] {strides = array<i32>} : memref<64xi32, #tpu.memory_space<vmem>>, vector<16xi32>,
    %eq3A_1385 = arith.constant 7 : i32
    %eq3A_1386 = vector.broadcast %eq3A_1385 : i32 to vector<16xi32>
    %eq3A_1387 = arith.cmpi eq, %get3A_1384, %eq3A_1386 : vector<16xi32>
    %convert_element_type3A_1388 = arith.extui %eq3A_1387 : vector<16xi1> to vector<16xi32>
    %broadcast_in_dim3A_1389 = arith.constant true
    %broadcast_in_dim3A_1390 = vector.broadcast %broadcast_in_dim3A_1389 : i1 to vector<16xi1>
    %masked_cumsum3A_1391 = tpu.scan <sum>, %convert_element_type3A_1388 masked %broadcast_in_dim3A_1390 : vector<16xi32>, vector<16xi1> -> vector<16xi32>
    %sub3A_1392 = arith.subi %masked_cumsum3A_1391, %convert_element_type3A_1388 : vector<16xi32>
    %add3A_1393 = vector.broadcast %reduce_sum3A_1382 : i32 to vector<16xi32>
    %add3A_1394 = arith.addi %sub3A_1392, %add3A_1393 : vector<16xi32>
    %get3A_1395 = arith.constant 0 : index
    %get3A_1396 = tpu.vector_load %arg13[%get3A_1395] {strides = array<i32>} : memref<64xi32, #tpu.memory_space<vmem>>, vector<16xi32>,
    %mul3A_1397 = arith.muli %convert_element_type3A_1388, %add3A_1394 : vector<16xi32>
    %add3A_1398 = arith.addi %get3A_1396, %mul3A_1397 : vector<16xi32>
    %swap3A_1399 = arith.constant 0 : index
    %swap3A_1400 = tpu.vector_load %arg13[%swap3A_1399] {strides = array<i32>} : memref<64xi32, #tpu.memory_space<vmem>>, vector<16xi32>,
    tpu.vector_store %arg13[%swap3A_1399], %add3A_1398 {strides = array<i32>} : memref<64xi32, #tpu.memory_space<vmem>>, vector<16xi32>,
    %reduce_sum3A_1401 = arith.constant true
    %reduce_sum3A_1402 = vector.broadcast %reduce_sum3A_1401 : i1 to vector<16xi1>
    %reduce_sum3A_1403 = tpu.scan <sum>, %convert_element_type3A_1388 masked %reduce_sum3A_1402 : vector<16xi32>, vector<16xi1> -> vector<16xi32>
    %reduce_sum3A_1404 = vector.extract %reduce_sum3A_1403[15] : i32 from vector<16xi32>
    %add3A_1405 = arith.addi %reduce_sum3A_1382, %reduce_sum3A_1404 : i32
    %get3A_1406 = arith.constant 16 : index
    %get3A_1407 = tpu.vector_load %arg10[%get3A_1406] {strides = array<i32>} : memref<64xi32, #tpu.memory_space<vmem>>, vector<16xi32>,
    %eq3A_1408 = arith.constant 7 : i32
    %eq3A_1409 = vector.broadcast %eq3A_1408 : i32 to vector<16xi32>
    %eq3A_1410 = arith.cmpi eq, %get3A_1407, %eq3A_1409 : vector<16xi32>
    %convert_element_type3A_1411 = arith.extui %eq3A_1410 : vector<16xi1> to vector<16xi32>
    %broadcast_in_dim3A_1412 = arith.constant true
    %broadcast_in_dim3A_1413 = vector.broadcast %broadcast_in_dim3A_1412 : i1 to vector<16xi1>
    %masked_cumsum3A_1414 = tpu.scan <sum>, %convert_element_type3A_1411 masked %broadcast_in_dim3A_1413 : vector<16xi32>, vector<16xi1> -> vector<16xi32>
    %sub3A_1415 = arith.subi %masked_cumsum3A_1414, %convert_element_type3A_1411 : vector<16xi32>
    %add3A_1416 = vector.broadcast %add3A_1405 : i32 to vector<16xi32>
    %add3A_1417 = arith.addi %sub3A_1415, %add3A_1416 : vector<16xi32>
    %get3A_1418 = arith.constant 16 : index
    %get3A_1419 = tpu.vector_load %arg13[%get3A_1418] {strides = array<i32>} : memref<64xi32, #tpu.memory_space<vmem>>, vector<16xi32>,
    %mul3A_1420 = arith.muli %convert_element_type3A_1411, %add3A_1417 : vector<16xi32>
    %add3A_1421 = arith.addi %get3A_1419, %mul3A_1420 : vector<16xi32>
    %swap3A_1422 = arith.constant 16 : index
    %swap3A_1423 = tpu.vector_load %arg13[%swap3A_1422] {strides = array<i32>} : memref<64xi32, #tpu.memory_space<vmem>>, vector<16xi32>,
    tpu.vector_store %arg13[%swap3A_1422], %add3A_1421 {strides = array<i32>} : memref<64xi32, #tpu.memory_space<vmem>>, vector<16xi32>,
    %reduce_sum3A_1424 = arith.constant true
    %reduce_sum3A_1425 = vector.broadcast %reduce_sum3A_1424 : i1 to vector<16xi1>
    %reduce_sum3A_1426 = tpu.scan <sum>, %convert_element_type3A_1411 masked %reduce_sum3A_1425 : vector<16xi32>, vector<16xi1> -> vector<16xi32>
    %reduce_sum3A_1427 = vector.extract %reduce_sum3A_1426[15] : i32 from vector<16xi32>
    %add3A_1428 = arith.addi %add3A_1405, %reduce_sum3A_1427 : i32
    %get3A_1429 = arith.constant 32 : index
    %get3A_1430 = tpu.vector_load %arg10[%get3A_1429] {strides = array<i32>} : memref<64xi32, #tpu.memory_space<vmem>>, vector<16xi32>,
    %eq3A_1431 = arith.constant 7 : i32
    %eq3A_1432 = vector.broadcast %eq3A_1431 : i32 to vector<16xi32>
    %eq3A_1433 = arith.cmpi eq, %get3A_1430, %eq3A_1432 : vector<16xi32>
    %convert_element_type3A_1434 = arith.extui %eq3A_1433 : vector<16xi1> to vector<16xi32>
    %broadcast_in_dim3A_1435 = arith.constant true
    %broadcast_in_dim3A_1436 = vector.broadcast %broadcast_in_dim3A_1435 : i1 to vector<16xi1>
    %masked_cumsum3A_1437 = tpu.scan <sum>, %convert_element_type3A_1434 masked %broadcast_in_dim3A_1436 : vector<16xi32>, vector<16xi1> -> vector<16xi32>
    %sub3A_1438 = arith.subi %masked_cumsum3A_1437, %convert_element_type3A_1434 : vector<16xi32>
    %add3A_1439 = vector.broadcast %add3A_1428 : i32 to vector<16xi32>
    %add3A_1440 = arith.addi %sub3A_1438, %add3A_1439 : vector<16xi32>
    %get3A_1441 = arith.constant 32 : index
    %get3A_1442 = tpu.vector_load %arg13[%get3A_1441] {strides = array<i32>} : memref<64xi32, #tpu.memory_space<vmem>>, vector<16xi32>,
    %mul3A_1443 = arith.muli %convert_element_type3A_1434, %add3A_1440 : vector<16xi32>
    %add3A_1444 = arith.addi %get3A_1442, %mul3A_1443 : vector<16xi32>
    %swap3A_1445 = arith.constant 32 : index
    %swap3A_1446 = tpu.vector_load %arg13[%swap3A_1445] {strides = array<i32>} : memref<64xi32, #tpu.memory_space<vmem>>, vector<16xi32>,
    tpu.vector_store %arg13[%swap3A_1445], %add3A_1444 {strides = array<i32>} : memref<64xi32, #tpu.memory_space<vmem>>, vector<16xi32>,
    %reduce_sum3A_1447 = arith.constant true
    %reduce_sum3A_1448 = vector.broadcast %reduce_sum3A_1447 : i1 to vector<16xi1>
    %reduce_sum3A_1449 = tpu.scan <sum>, %convert_element_type3A_1434 masked %reduce_sum3A_1448 : vector<16xi32>, vector<16xi1> -> vector<16xi32>
    %reduce_sum3A_1450 = vector.extract %reduce_sum3A_1449[15] : i32 from vector<16xi32>
    %add3A_1451 = arith.addi %add3A_1428, %reduce_sum3A_1450 : i32
    %get3A_1452 = arith.constant 48 : index
    %get3A_1453 = tpu.vector_load %arg10[%get3A_1452] {strides = array<i32>} : memref<64xi32, #tpu.memory_space<vmem>>, vector<16xi32>,
    %eq3A_1454 = arith.constant 7 : i32
    %eq3A_1455 = vector.broadcast %eq3A_1454 : i32 to vector<16xi32>
    %eq3A_1456 = arith.cmpi eq, %get3A_1453, %eq3A_1455 : vector<16xi32>
    %convert_element_type3A_1457 = arith.extui %eq3A_1456 : vector<16xi1> to vector<16xi32>
    %broadcast_in_dim3A_1458 = arith.constant true
    %broadcast_in_dim3A_1459 = vector.broadcast %broadcast_in_dim3A_1458 : i1 to vector<16xi1>
    %masked_cumsum3A_1460 = tpu.scan <sum>, %convert_element_type3A_1457 masked %broadcast_in_dim3A_1459 : vector<16xi32>, vector<16xi1> -> vector<16xi32>
    %sub3A_1461 = arith.subi %masked_cumsum3A_1460, %convert_element_type3A_1457 : vector<16xi32>
    %add3A_1462 = vector.broadcast %add3A_1451 : i32 to vector<16xi32>
    %add3A_1463 = arith.addi %sub3A_1461, %add3A_1462 : vector<16xi32>
    %get3A_1464 = arith.constant 48 : index
    %get3A_1465 = tpu.vector_load %arg13[%get3A_1464] {strides = array<i32>} : memref<64xi32, #tpu.memory_space<vmem>>, vector<16xi32>,
    %mul3A_1466 = arith.muli %convert_element_type3A_1457, %add3A_1463 : vector<16xi32>
    %add3A_1467 = arith.addi %get3A_1465, %mul3A_1466 : vector<16xi32>
    %swap3A_1468 = arith.constant 48 : index
    %swap3A_1469 = tpu.vector_load %arg13[%swap3A_1468] {strides = array<i32>} : memref<64xi32, #tpu.memory_space<vmem>>, vector<16xi32>,
    tpu.vector_store %arg13[%swap3A_1468], %add3A_1467 {strides = array<i32>} : memref<64xi32, #tpu.memory_space<vmem>>, vector<16xi32>,
    %reduce_sum3A_1470 = arith.constant true
    %reduce_sum3A_1471 = vector.broadcast %reduce_sum3A_1470 : i1 to vector<16xi1>
    %reduce_sum3A_1472 = tpu.scan <sum>, %convert_element_type3A_1457 masked %reduce_sum3A_1471 : vector<16xi32>, vector<16xi1> -> vector<16xi32>
    %reduce_sum3A_1473 = vector.extract %reduce_sum3A_1472[15] : i32 from vector<16xi32>
    %add3A_1474 = arith.addi %add3A_1451, %reduce_sum3A_1473 : i32
    %get3A_1475 = arith.constant 0 : index
    %get3A_1476 = tpu.vector_load %arg11[%get3A_1475] {strides = array<i32>} : memref<64xi32, #tpu.memory_space<vmem>>, vector<16xi32>,
    %eq3A_1477 = arith.constant 7 : i32
    %eq3A_1478 = vector.broadcast %eq3A_1477 : i32 to vector<16xi32>
    %eq3A_1479 = arith.cmpi eq, %get3A_1476, %eq3A_1478 : vector<16xi32>
    %convert_element_type3A_1480 = arith.extui %eq3A_1479 : vector<16xi1> to vector<16xi32>
    %broadcast_in_dim3A_1481 = arith.constant true
    %broadcast_in_dim3A_1482 = vector.broadcast %broadcast_in_dim3A_1481 : i1 to vector<16xi1>
    %masked_cumsum3A_1483 = tpu.scan <sum>, %convert_element_type3A_1480 masked %broadcast_in_dim3A_1482 : vector<16xi32>, vector<16xi1> -> vector<16xi32>
    %sub3A_1484 = arith.subi %masked_cumsum3A_1483, %convert_element_type3A_1480 : vector<16xi32>
    %add3A_1485 = vector.broadcast %add3A_1474 : i32 to vector<16xi32>
    %add3A_1486 = arith.addi %sub3A_1484, %add3A_1485 : vector<16xi32>
    %get3A_1487 = arith.constant 0 : index
    %get3A_1488 = tpu.vector_load %arg14[%get3A_1487] {strides = array<i32>} : memref<64xi32, #tpu.memory_space<vmem>>, vector<16xi32>,
    %mul3A_1489 = arith.muli %convert_element_type3A_1480, %add3A_1486 : vector<16xi32>
    %add3A_1490 = arith.addi %get3A_1488, %mul3A_1489 : vector<16xi32>
    %swap3A_1491 = arith.constant 0 : index
    %swap3A_1492 = tpu.vector_load %arg14[%swap3A_1491] {strides = array<i32>} : memref<64xi32, #tpu.memory_space<vmem>>, vector<16xi32>,
    tpu.vector_store %arg14[%swap3A_1491], %add3A_1490 {strides = array<i32>} : memref<64xi32, #tpu.memory_space<vmem>>, vector<16xi32>,
    %reduce_sum3A_1493 = arith.constant true
    %reduce_sum3A_1494 = vector.broadcast %reduce_sum3A_1493 : i1 to vector<16xi1>
    %reduce_sum3A_1495 = tpu.scan <sum>, %convert_element_type3A_1480 masked %reduce_sum3A_1494 : vector<16xi32>, vector<16xi1> -> vector<16xi32>
    %reduce_sum3A_1496 = vector.extract %reduce_sum3A_1495[15] : i32 from vector<16xi32>
    %add3A_1497 = arith.addi %add3A_1474, %reduce_sum3A_1496 : i32
    %get3A_1498 = arith.constant 16 : index
    %get3A_1499 = tpu.vector_load %arg11[%get3A_1498] {strides = array<i32>} : memref<64xi32, #tpu.memory_space<vmem>>, vector<16xi32>,
    %eq3A_1500 = arith.constant 7 : i32
    %eq3A_1501 = vector.broadcast %eq3A_1500 : i32 to vector<16xi32>
    %eq3A_1502 = arith.cmpi eq, %get3A_1499, %eq3A_1501 : vector<16xi32>
    %convert_element_type3A_1503 = arith.extui %eq3A_1502 : vector<16xi1> to vector<16xi32>
    %broadcast_in_dim3A_1504 = arith.constant true
    %broadcast_in_dim3A_1505 = vector.broadcast %broadcast_in_dim3A_1504 : i1 to vector<16xi1>
    %masked_cumsum3A_1506 = tpu.scan <sum>, %convert_element_type3A_1503 masked %broadcast_in_dim3A_1505 : vector<16xi32>, vector<16xi1> -> vector<16xi32>
    %sub3A_1507 = arith.subi %masked_cumsum3A_1506, %convert_element_type3A_1503 : vector<16xi32>
    %add3A_1508 = vector.broadcast %add3A_1497 : i32 to vector<16xi32>
    %add3A_1509 = arith.addi %sub3A_1507, %add3A_1508 : vector<16xi32>
    %get3A_1510 = arith.constant 16 : index
    %get3A_1511 = tpu.vector_load %arg14[%get3A_1510] {strides = array<i32>} : memref<64xi32, #tpu.memory_space<vmem>>, vector<16xi32>,
    %mul3A_1512 = arith.muli %convert_element_type3A_1503, %add3A_1509 : vector<16xi32>
    %add3A_1513 = arith.addi %get3A_1511, %mul3A_1512 : vector<16xi32>
    %swap3A_1514 = arith.constant 16 : index
    %swap3A_1515 = tpu.vector_load %arg14[%swap3A_1514] {strides = array<i32>} : memref<64xi32, #tpu.memory_space<vmem>>, vector<16xi32>,
    tpu.vector_store %arg14[%swap3A_1514], %add3A_1513 {strides = array<i32>} : memref<64xi32, #tpu.memory_space<vmem>>, vector<16xi32>,
    %reduce_sum3A_1516 = arith.constant true
    %reduce_sum3A_1517 = vector.broadcast %reduce_sum3A_1516 : i1 to vector<16xi1>
    %reduce_sum3A_1518 = tpu.scan <sum>, %convert_element_type3A_1503 masked %reduce_sum3A_1517 : vector<16xi32>, vector<16xi1> -> vector<16xi32>
    %reduce_sum3A_1519 = vector.extract %reduce_sum3A_1518[15] : i32 from vector<16xi32>
    %add3A_1520 = arith.addi %add3A_1497, %reduce_sum3A_1519 : i32
    %get3A_1521 = arith.constant 32 : index
    %get3A_1522 = tpu.vector_load %arg11[%get3A_1521] {strides = array<i32>} : memref<64xi32, #tpu.memory_space<vmem>>, vector<16xi32>,
    %eq3A_1523 = arith.constant 7 : i32
    %eq3A_1524 = vector.broadcast %eq3A_1523 : i32 to vector<16xi32>
    %eq3A_1525 = arith.cmpi eq, %get3A_1522, %eq3A_1524 : vector<16xi32>
    %convert_element_type3A_1526 = arith.extui %eq3A_1525 : vector<16xi1> to vector<16xi32>
    %broadcast_in_dim3A_1527 = arith.constant true
    %broadcast_in_dim3A_1528 = vector.broadcast %broadcast_in_dim3A_1527 : i1 to vector<16xi1>
    %masked_cumsum3A_1529 = tpu.scan <sum>, %convert_element_type3A_1526 masked %broadcast_in_dim3A_1528 : vector<16xi32>, vector<16xi1> -> vector<16xi32>
    %sub3A_1530 = arith.subi %masked_cumsum3A_1529, %convert_element_type3A_1526 : vector<16xi32>
    %add3A_1531 = vector.broadcast %add3A_1520 : i32 to vector<16xi32>
    %add3A_1532 = arith.addi %sub3A_1530, %add3A_1531 : vector<16xi32>
    %get3A_1533 = arith.constant 32 : index
    %get3A_1534 = tpu.vector_load %arg14[%get3A_1533] {strides = array<i32>} : memref<64xi32, #tpu.memory_space<vmem>>, vector<16xi32>,
    %mul3A_1535 = arith.muli %convert_element_type3A_1526, %add3A_1532 : vector<16xi32>
    %add3A_1536 = arith.addi %get3A_1534, %mul3A_1535 : vector<16xi32>
    %swap3A_1537 = arith.constant 32 : index
    %swap3A_1538 = tpu.vector_load %arg14[%swap3A_1537] {strides = array<i32>} : memref<64xi32, #tpu.memory_space<vmem>>, vector<16xi32>,
    tpu.vector_store %arg14[%swap3A_1537], %add3A_1536 {strides = array<i32>} : memref<64xi32, #tpu.memory_space<vmem>>, vector<16xi32>,
    %reduce_sum3A_1539 = arith.constant true
    %reduce_sum3A_1540 = vector.broadcast %reduce_sum3A_1539 : i1 to vector<16xi1>
    %reduce_sum3A_1541 = tpu.scan <sum>, %convert_element_type3A_1526 masked %reduce_sum3A_1540 : vector<16xi32>, vector<16xi1> -> vector<16xi32>
    %reduce_sum3A_1542 = vector.extract %reduce_sum3A_1541[15] : i32 from vector<16xi32>
    %add3A_1543 = arith.addi %add3A_1520, %reduce_sum3A_1542 : i32
    %get3A_1544 = arith.constant 48 : index
    %get3A_1545 = tpu.vector_load %arg11[%get3A_1544] {strides = array<i32>} : memref<64xi32, #tpu.memory_space<vmem>>, vector<16xi32>,
    %eq3A_1546 = arith.constant 7 : i32
    %eq3A_1547 = vector.broadcast %eq3A_1546 : i32 to vector<16xi32>
    %eq3A_1548 = arith.cmpi eq, %get3A_1545, %eq3A_1547 : vector<16xi32>
    %convert_element_type3A_1549 = arith.extui %eq3A_1548 : vector<16xi1> to vector<16xi32>
    %broadcast_in_dim3A_1550 = arith.constant true
    %broadcast_in_dim3A_1551 = vector.broadcast %broadcast_in_dim3A_1550 : i1 to vector<16xi1>
    %masked_cumsum3A_1552 = tpu.scan <sum>, %convert_element_type3A_1549 masked %broadcast_in_dim3A_1551 : vector<16xi32>, vector<16xi1> -> vector<16xi32>
    %sub3A_1553 = arith.subi %masked_cumsum3A_1552, %convert_element_type3A_1549 : vector<16xi32>
    %add3A_1554 = vector.broadcast %add3A_1543 : i32 to vector<16xi32>
    %add3A_1555 = arith.addi %sub3A_1553, %add3A_1554 : vector<16xi32>
    %get3A_1556 = arith.constant 48 : index
    %get3A_1557 = tpu.vector_load %arg14[%get3A_1556] {strides = array<i32>} : memref<64xi32, #tpu.memory_space<vmem>>, vector<16xi32>,
    %mul3A_1558 = arith.muli %convert_element_type3A_1549, %add3A_1555 : vector<16xi32>
    %add3A_1559 = arith.addi %get3A_1557, %mul3A_1558 : vector<16xi32>
    %swap3A_1560 = arith.constant 48 : index
    %swap3A_1561 = tpu.vector_load %arg14[%swap3A_1560] {strides = array<i32>} : memref<64xi32, #tpu.memory_space<vmem>>, vector<16xi32>,
    tpu.vector_store %arg14[%swap3A_1560], %add3A_1559 {strides = array<i32>} : memref<64xi32, #tpu.memory_space<vmem>>, vector<16xi32>,
    %reduce_sum3A_1562 = arith.constant true
    %reduce_sum3A_1563 = vector.broadcast %reduce_sum3A_1562 : i1 to vector<16xi1>
    %reduce_sum3A_1564 = tpu.scan <sum>, %convert_element_type3A_1549 masked %reduce_sum3A_1563 : vector<16xi32>, vector<16xi1> -> vector<16xi32>
    %reduce_sum3A_1565 = vector.extract %reduce_sum3A_1564[15] : i32 from vector<16xi32>
    %add3A_1566 = arith.addi %add3A_1543, %reduce_sum3A_1565 : i32
    "tpu.region"() ({
      %run_scoped3A = tpu.sem_alloc : memref<!tpu.dma_semaphore, #tpu.memory_space<semaphore_mem>>
      %dma_start3A_1577 = tpu.memref_slice %arg7[%mul3A_2] : memref<2048xi32, #tpu.memory_space<hbm>> -> memref<64xi32, #tpu.memory_space<hbm>>
      %dma_start3A_1578 = tpu.memref_slice %arg7[%mul3A_2] : memref<2048xi32, #tpu.memory_space<hbm>> -> memref<64xi32, #tpu.memory_space<hbm>>
      tpu.enqueue_dma source(%arg13 : memref<64xi32, #tpu.memory_space<vmem>>) target(%dma_start3A_1578 : memref<64xi32, #tpu.memory_space<hbm>>) target_semaphore(%run_scoped3A : memref<!tpu.dma_semaphore, #tpu.memory_space<semaphore_mem>>)
      %dma_wait3A_1579 = tpu.memref_slice %arg7[%mul3A_2] : memref<2048xi32, #tpu.memory_space<hbm>> -> memref<64xi32, #tpu.memory_space<hbm>>
      %dma_wait3A_1580 = tpu.memref_slice %arg7[%mul3A_2] : memref<2048xi32, #tpu.memory_space<hbm>> -> memref<64xi32, #tpu.memory_space<hbm>>
      tpu.wait_dma2 semaphore(%run_scoped3A : memref<!tpu.dma_semaphore, #tpu.memory_space<semaphore_mem>>) src(%arg13 : memref<64xi32, #tpu.memory_space<vmem>>) dst(%dma_wait3A_1580 : memref<64xi32, #tpu.memory_space<hbm>>)
      tpu.yield
    }) : () -> ()
    "tpu.region"() ({
      %run_scoped3A = tpu.sem_alloc : memref<!tpu.dma_semaphore, #tpu.memory_space<semaphore_mem>>
      %dma_start3A_1577 = tpu.memref_slice %arg8[%mul3A_2] : memref<2048xi32, #tpu.memory_space<hbm>> -> memref<64xi32, #tpu.memory_space<hbm>>
      %dma_start3A_1578 = tpu.memref_slice %arg8[%mul3A_2] : memref<2048xi32, #tpu.memory_space<hbm>> -> memref<64xi32, #tpu.memory_space<hbm>>
      tpu.enqueue_dma source(%arg14 : memref<64xi32, #tpu.memory_space<vmem>>) target(%dma_start3A_1578 : memref<64xi32, #tpu.memory_space<hbm>>) target_semaphore(%run_scoped3A : memref<!tpu.dma_semaphore, #tpu.memory_space<semaphore_mem>>)
      %dma_wait3A_1579 = tpu.memref_slice %arg8[%mul3A_2] : memref<2048xi32, #tpu.memory_space<hbm>> -> memref<64xi32, #tpu.memory_space<hbm>>
      %dma_wait3A_1580 = tpu.memref_slice %arg8[%mul3A_2] : memref<2048xi32, #tpu.memory_space<hbm>> -> memref<64xi32, #tpu.memory_space<hbm>>
      tpu.wait_dma2 semaphore(%run_scoped3A : memref<!tpu.dma_semaphore, #tpu.memory_space<semaphore_mem>>) src(%arg14 : memref<64xi32, #tpu.memory_space<vmem>>) dst(%dma_wait3A_1580 : memref<64xi32, #tpu.memory_space<hbm>>)
      tpu.yield
    }) : () -> ()
    %dma_start3A = arith.constant 0 : i32
    %dma_start3A_1567 = arith.constant 0 : i32
    %dma_start3A_1568 = tpu.memref_slice %arg6[%dma_start3A, %dma_start3A_1567] : memref<7680x512xi32, #tpu.memory_space<hbm>> -> memref<7680x512xi32, #tpu.memory_space<hbm>>
    tpu.enqueue_indirect_dma source(%arg9 : memref<64x512xi32, #tpu.memory_space<vmem>>) target(%dma_start3A_1568 : memref<7680x512xi32, #tpu.memory_space<hbm>>) offsets(%arg13 : memref<64xi32, #tpu.memory_space<vmem>>) semaphore(%arg15 : memref<!tpu.dma_semaphore, #tpu.memory_space<semaphore_mem>>)
    %dma_start3A_1569 = arith.constant 0 : i32
    %dma_start3A_1570 = arith.constant 0 : i32
    %dma_start3A_1571 = tpu.memref_slice %arg6[%dma_start3A_1569, %dma_start3A_1570] : memref<7680x512xi32, #tpu.memory_space<hbm>> -> memref<7680x512xi32, #tpu.memory_space<hbm>>
    tpu.enqueue_indirect_dma source(%arg9 : memref<64x512xi32, #tpu.memory_space<vmem>>) target(%dma_start3A_1571 : memref<7680x512xi32, #tpu.memory_space<hbm>>) offsets(%arg14 : memref<64xi32, #tpu.memory_space<vmem>>) semaphore(%arg16 : memref<!tpu.dma_semaphore, #tpu.memory_space<semaphore_mem>>)
    %dma_wait3A = arith.constant 0 : i32
    %dma_wait3A_1572 = arith.constant 0 : i32
    %dma_wait3A_1573 = tpu.memref_slice %arg6[%dma_wait3A, %dma_wait3A_1572] : memref<7680x512xi32, #tpu.memory_space<hbm>> -> memref<7680x512xi32, #tpu.memory_space<hbm>>
    tpu.wait_indirect_dma semaphore(%arg15 : memref<!tpu.dma_semaphore, #tpu.memory_space<semaphore_mem>>) src(%arg9 : memref<64x512xi32, #tpu.memory_space<vmem>>) dst(%dma_wait3A_1573 : memref<7680x512xi32, #tpu.memory_space<hbm>>)
    %dma_wait3A_1574 = arith.constant 0 : i32
    %dma_wait3A_1575 = arith.constant 0 : i32
    %dma_wait3A_1576 = tpu.memref_slice %arg6[%dma_wait3A_1574, %dma_wait3A_1575] : memref<7680x512xi32, #tpu.memory_space<hbm>> -> memref<7680x512xi32, #tpu.memory_space<hbm>>
    tpu.wait_indirect_dma semaphore(%arg16 : memref<!tpu.dma_semaphore, #tpu.memory_space<semaphore_mem>>) src(%arg9 : memref<64x512xi32, #tpu.memory_space<vmem>>) dst(%dma_wait3A_1576 : memref<7680x512xi32, #tpu.memory_space<hbm>>)
    return
  }
}

module attributes {stable_mosaic.version = 14 : i64} {
  func.func @_router_body(%arg0: memref<2048x1024xf32, #tpu.memory_space<vmem>>, %arg1: memref<1024x8xf32, #tpu.memory_space<vmem>>, %arg2: memref<1x8xf32, #tpu.memory_space<vmem>>, %arg3: memref<2048x8xf32, #tpu.memory_space<vmem>>, %arg4: memref<2xf32, #tpu.memory_space<smem>>, %arg5: memref<2048x16xf32, #tpu.memory_space<vmem>>, %arg6: memref<32x16xi32, #tpu.memory_space<vmem>>, %arg7: memref<16x1xi32, #tpu.memory_space<vmem>>, %arg8: memref<1x1xi32, #tpu.memory_space<vmem>>, %arg9: memref<2048x512xi32, #tpu.memory_space<vmem>>) attributes {dimension_semantics = [], scalar_prefetch = 0 : i64, scratch_operands = 0 : i64, tpu.core_type = #tpu.core_type<tc>} {
    %get3A = arith.constant 0 : index
    %get3A_0 = arith.constant 0 : index
    %get3A_1 = vector.load %arg0[%get3A, %get3A_0] : memref<2048x1024xf32, #tpu.memory_space<vmem>>, vector<2048x1024xf32>
    %bitcast_convert_type3A = tpu.bitcast %get3A_1 : vector<2048x1024xf32> -> vector<2048x1024xi32>
    %slice3A = vector.extract_strided_slice %bitcast_convert_type3A {offsets = [0, 0], sizes = [2048, 512], strides = [1, 1]} : vector<2048x1024xi32> to vector<2048x512xi32>
    %add3A = arith.constant 32767 : i32
    %add3A_2 = vector.broadcast %add3A : i32 to vector<2048x512xi32>
    %add3A_3 = arith.addi %slice3A, %add3A_2 : vector<2048x512xi32>
    %shift_right_arithmetic3A = arith.constant 16 : i32
    %shift_right_arithmetic3A_4 = vector.broadcast %shift_right_arithmetic3A : i32 to vector<2048x512xi32>
    %shift_right_arithmetic3A_5 = arith.shrsi %slice3A, %shift_right_arithmetic3A_4 : vector<2048x512xi32>
    %and3A = arith.constant 1 : i32
    %and3A_6 = vector.broadcast %and3A : i32 to vector<2048x512xi32>
    %and3A_7 = arith.andi %shift_right_arithmetic3A_5, %and3A_6 : vector<2048x512xi32>
    %add3A_8 = arith.addi %add3A_3, %and3A_7 : vector<2048x512xi32>
    %shift_right_arithmetic3A_9 = arith.constant 16 : i32
    %shift_right_arithmetic3A_10 = vector.broadcast %shift_right_arithmetic3A_9 : i32 to vector<2048x512xi32>
    %shift_right_arithmetic3A_11 = arith.shrsi %add3A_8, %shift_right_arithmetic3A_10 : vector<2048x512xi32>
    %and3A_12 = arith.constant 65535 : i32
    %and3A_13 = vector.broadcast %and3A_12 : i32 to vector<2048x512xi32>
    %and3A_14 = arith.andi %shift_right_arithmetic3A_11, %and3A_13 : vector<2048x512xi32>
    %slice3A_15 = vector.extract_strided_slice %bitcast_convert_type3A {offsets = [0, 512], sizes = [2048, 512], strides = [1, 1]} : vector<2048x1024xi32> to vector<2048x512xi32>
    %add3A_16 = arith.constant 32767 : i32
    %add3A_17 = vector.broadcast %add3A_16 : i32 to vector<2048x512xi32>
    %add3A_18 = arith.addi %slice3A_15, %add3A_17 : vector<2048x512xi32>
    %shift_right_arithmetic3A_19 = arith.constant 16 : i32
    %shift_right_arithmetic3A_20 = vector.broadcast %shift_right_arithmetic3A_19 : i32 to vector<2048x512xi32>
    %shift_right_arithmetic3A_21 = arith.shrsi %slice3A_15, %shift_right_arithmetic3A_20 : vector<2048x512xi32>
    %and3A_22 = arith.constant 1 : i32
    %and3A_23 = vector.broadcast %and3A_22 : i32 to vector<2048x512xi32>
    %and3A_24 = arith.andi %shift_right_arithmetic3A_21, %and3A_23 : vector<2048x512xi32>
    %add3A_25 = arith.addi %add3A_18, %and3A_24 : vector<2048x512xi32>
    %and3A_26 = arith.constant -65536 : i32
    %and3A_27 = vector.broadcast %and3A_26 : i32 to vector<2048x512xi32>
    %and3A_28 = arith.andi %add3A_25, %and3A_27 : vector<2048x512xi32>
    %or3A = arith.ori %and3A_14, %and3A_28 : vector<2048x512xi32>
    %swap3A = arith.constant 0 : index
    %swap3A_29 = arith.constant 0 : index
    %swap3A_30 = vector.load %arg9[%swap3A, %swap3A_29] : memref<2048x512xi32, #tpu.memory_space<vmem>>, vector<2048x512xi32>
    tpu.vector_store %arg9[%swap3A, %swap3A_29], %or3A {strides = array<i32>} : memref<2048x512xi32, #tpu.memory_space<vmem>>, vector<2048x512xi32>,
    %get3A_31 = arith.constant 0 : index
    %get3A_32 = arith.constant 0 : index
    %get3A_33 = vector.load %arg1[%get3A_31, %get3A_32] : memref<1024x8xf32, #tpu.memory_space<vmem>>, vector<1024x8xf32>
    %dot_general3A = arith.constant dense<0.000000e+00> : vector<2048x8xf32>
    %dot_general3A_34 = tpu.matmul %get3A_1, %get3A_33, %dot_general3A {dimension_numbers = #tpu.dot_dimension_numbers<[1], [0], [0], [1], [0, 0, 1, 1], [], []>, transpose_lhs_hint = false} : vector<2048x1024xf32>, vector<1024x8xf32>, vector<2048x8xf32> -> vector<2048x8xf32>
    %get3A_35 = arith.constant 0 : index
    %get3A_36 = arith.constant 0 : index
    %get3A_37 = vector.load %arg2[%get3A_35, %get3A_36] : memref<1x8xf32, #tpu.memory_space<vmem>>, vector<1x8xf32>
    %add3A_38 = vector.broadcast %get3A_37 : vector<1x8xf32> to vector<2048x8xf32>
    %add3A_39 = arith.addf %dot_general3A_34, %add3A_38 : vector<2048x8xf32>
    %get3A_40 = arith.constant 0 : index
    %get3A_41 = arith.constant 0 : index
    %get3A_42 = vector.load %arg3[%get3A_40, %get3A_41] : memref<2048x8xf32, #tpu.memory_space<vmem>>, vector<2048x8xf32>
    %add3A_43 = arith.addf %add3A_39, %get3A_42 : vector<2048x8xf32>
    %broadcast_in_dim3A = arith.constant 0xFF800000 : f32
    %broadcast_in_dim3A_44 = vector.broadcast %broadcast_in_dim3A : f32 to vector<2048x8xf32>
    %concatenate3A = tpu.concatenate %add3A_43, %broadcast_in_dim3A_44 in 1 : vector<2048x8xf32>, vector<2048x8xf32> -> vector<2048x16xf32>
    %iota3A = tpu.iota {dimensions = array<i32: 1>} : vector<2048x16xi32>
    %reduce_max3A = arith.constant dense<0xFF800000> : vector<2048xf32>
    %reduce_max3A_45 = vector.multi_reduction <maximumf>, %concatenate3A, %reduce_max3A [1] : vector<2048x16xf32> to vector<2048xf32>
    %broadcast_in_dim3A_46 = vector.shape_cast %reduce_max3A_45 : vector<2048xf32> to vector<2048x1xf32>
    %eq3A = vector.broadcast %broadcast_in_dim3A_46 : vector<2048x1xf32> to vector<2048x16xf32>
    %eq3A_47 = arith.cmpf oeq, %concatenate3A, %eq3A : vector<2048x16xf32>
    %jit3A = arith.constant 16 : i32
    %broadcast_in_dim3A_48 = vector.broadcast %jit3A : i32 to vector<2048x16xi32>
    %select_n3A = arith.select %eq3A_47, %iota3A, %broadcast_in_dim3A_48 : vector<2048x16xi1>, vector<2048x16xi32>
    %reduce_min3A = arith.constant dense<2147483647> : vector<2048xi32>
    %reduce_min3A_49 = vector.multi_reduction <minsi>, %select_n3A, %reduce_min3A [1] : vector<2048x16xi32> to vector<2048xi32>
    %broadcast_in_dim3A_50 = vector.shape_cast %reduce_min3A_49 : vector<2048xi32> to vector<2048x1xi32>
    %eq3A_51 = vector.broadcast %broadcast_in_dim3A_50 : vector<2048x1xi32> to vector<2048x16xi32>
    %eq3A_52 = arith.cmpi eq, %iota3A, %eq3A_51 : vector<2048x16xi32>
    %jit3A_53 = arith.constant 0xFF800000 : f32
    %broadcast_in_dim3A_54 = vector.broadcast %jit3A_53 : f32 to vector<2048x16xf32>
    %select_n3A_55 = arith.select %eq3A_52, %broadcast_in_dim3A_54, %concatenate3A : vector<2048x16xi1>, vector<2048x16xf32>
    %reduce_max3A_56 = arith.constant dense<0xFF800000> : vector<2048xf32>
    %reduce_max3A_57 = vector.multi_reduction <maximumf>, %select_n3A_55, %reduce_max3A_56 [1] : vector<2048x16xf32> to vector<2048xf32>
    %broadcast_in_dim3A_58 = vector.shape_cast %reduce_max3A_57 : vector<2048xf32> to vector<2048x1xf32>
    %eq3A_59 = vector.broadcast %broadcast_in_dim3A_58 : vector<2048x1xf32> to vector<2048x16xf32>
    %eq3A_60 = arith.cmpf oeq, %select_n3A_55, %eq3A_59 : vector<2048x16xf32>
    %jit3A_61 = arith.constant 16 : i32
    %broadcast_in_dim3A_62 = vector.broadcast %jit3A_61 : i32 to vector<2048x16xi32>
    %select_n3A_63 = arith.select %eq3A_60, %iota3A, %broadcast_in_dim3A_62 : vector<2048x16xi1>, vector<2048x16xi32>
    %reduce_min3A_64 = arith.constant dense<2147483647> : vector<2048xi32>
    %reduce_min3A_65 = vector.multi_reduction <minsi>, %select_n3A_63, %reduce_min3A_64 [1] : vector<2048x16xi32> to vector<2048xi32>
    %broadcast_in_dim3A_66 = vector.shape_cast %reduce_min3A_65 : vector<2048xi32> to vector<2048x1xi32>
    %eq3A_67 = vector.broadcast %broadcast_in_dim3A_66 : vector<2048x1xi32> to vector<2048x16xi32>
    %eq3A_68 = arith.cmpi eq, %iota3A, %eq3A_67 : vector<2048x16xi32>
    %sub3A = arith.subf %broadcast_in_dim3A_58, %broadcast_in_dim3A_46 : vector<2048x1xf32>
    %exp3A = math.exp %sub3A : vector<2048x1xf32>
    %add3A_69 = arith.constant 1.000000e+00 : f32
    %add3A_70 = vector.broadcast %add3A_69 : f32 to vector<2048x1xf32>
    %add3A_71 = arith.addf %add3A_70, %exp3A : vector<2048x1xf32>
    %get3A_72 = arith.constant 1 : index
    %get3A_73 = memref.load %arg4[%get3A_72] : memref<2xf32, #tpu.memory_space<smem>>
    %div3A = vector.broadcast %get3A_73 : f32 to vector<2048x1xf32>
    %div3A_74 = arith.divf %div3A, %add3A_71 : vector<2048x1xf32>
    %get3A_75 = arith.constant 1 : index
    %get3A_76 = memref.load %arg4[%get3A_75] : memref<2xf32, #tpu.memory_space<smem>>
    %mul3A = vector.broadcast %get3A_76 : f32 to vector<2048x1xf32>
    %mul3A_77 = arith.mulf %mul3A, %exp3A : vector<2048x1xf32>
    %div3A_78 = arith.divf %mul3A_77, %add3A_71 : vector<2048x1xf32>
    %eq3A_79 = arith.constant 0 : i32
    %eq3A_80 = vector.broadcast %eq3A_79 : i32 to vector<2048x16xi32>
    %eq3A_81 = arith.cmpi eq, %iota3A, %eq3A_80 : vector<2048x16xi32>
    %convert_element_type3A = arith.sitofp %broadcast_in_dim3A_50 : vector<2048x1xi32> to vector<2048x1xf32>
    %jit3A_82 = arith.constant 0.000000e+00 : f32
    %broadcast_in_dim3A_83 = vector.shape_cast %convert_element_type3A : vector<2048x1xf32> to vector<2048x1xf32>
    %broadcast_in_dim3A_84 = vector.broadcast %broadcast_in_dim3A_83 : vector<2048x1xf32> to vector<2048x16xf32>
    %broadcast_in_dim3A_85 = vector.broadcast %jit3A_82 : f32 to vector<2048x16xf32>
    %select_n3A_86 = arith.select %eq3A_81, %broadcast_in_dim3A_84, %broadcast_in_dim3A_85 : vector<2048x16xi1>, vector<2048x16xf32>
    %eq3A_87 = arith.constant 1 : i32
    %eq3A_88 = vector.broadcast %eq3A_87 : i32 to vector<2048x16xi32>
    %eq3A_89 = arith.cmpi eq, %iota3A, %eq3A_88 : vector<2048x16xi32>
    %convert_element_type3A_90 = arith.sitofp %broadcast_in_dim3A_66 : vector<2048x1xi32> to vector<2048x1xf32>
    %jit3A_91 = arith.constant 0.000000e+00 : f32
    %broadcast_in_dim3A_92 = vector.shape_cast %convert_element_type3A_90 : vector<2048x1xf32> to vector<2048x1xf32>
    %broadcast_in_dim3A_93 = vector.broadcast %broadcast_in_dim3A_92 : vector<2048x1xf32> to vector<2048x16xf32>
    %broadcast_in_dim3A_94 = vector.broadcast %jit3A_91 : f32 to vector<2048x16xf32>
    %select_n3A_95 = arith.select %eq3A_89, %broadcast_in_dim3A_93, %broadcast_in_dim3A_94 : vector<2048x16xi1>, vector<2048x16xf32>
    %add3A_96 = arith.addf %select_n3A_86, %select_n3A_95 : vector<2048x16xf32>
    %eq3A_97 = arith.constant 2 : i32
    %eq3A_98 = vector.broadcast %eq3A_97 : i32 to vector<2048x16xi32>
    %eq3A_99 = arith.cmpi eq, %iota3A, %eq3A_98 : vector<2048x16xi32>
    %jit3A_100 = arith.constant 0.000000e+00 : f32
    %broadcast_in_dim3A_101 = vector.shape_cast %div3A_74 : vector<2048x1xf32> to vector<2048x1xf32>
    %broadcast_in_dim3A_102 = vector.broadcast %broadcast_in_dim3A_101 : vector<2048x1xf32> to vector<2048x16xf32>
    %broadcast_in_dim3A_103 = vector.broadcast %jit3A_100 : f32 to vector<2048x16xf32>
    %select_n3A_104 = arith.select %eq3A_99, %broadcast_in_dim3A_102, %broadcast_in_dim3A_103 : vector<2048x16xi1>, vector<2048x16xf32>
    %add3A_105 = arith.addf %add3A_96, %select_n3A_104 : vector<2048x16xf32>
    %eq3A_106 = arith.constant 3 : i32
    %eq3A_107 = vector.broadcast %eq3A_106 : i32 to vector<2048x16xi32>
    %eq3A_108 = arith.cmpi eq, %iota3A, %eq3A_107 : vector<2048x16xi32>
    %jit3A_109 = arith.constant 0.000000e+00 : f32
    %broadcast_in_dim3A_110 = vector.shape_cast %div3A_78 : vector<2048x1xf32> to vector<2048x1xf32>
    %broadcast_in_dim3A_111 = vector.broadcast %broadcast_in_dim3A_110 : vector<2048x1xf32> to vector<2048x16xf32>
    %broadcast_in_dim3A_112 = vector.broadcast %jit3A_109 : f32 to vector<2048x16xf32>
    %select_n3A_113 = arith.select %eq3A_108, %broadcast_in_dim3A_111, %broadcast_in_dim3A_112 : vector<2048x16xi1>, vector<2048x16xf32>
    %add3A_114 = arith.addf %add3A_105, %select_n3A_113 : vector<2048x16xf32>
    %swap3A_115 = arith.constant 0 : index
    %swap3A_116 = arith.constant 0 : index
    %swap3A_117 = vector.load %arg5[%swap3A_115, %swap3A_116] : memref<2048x16xf32, #tpu.memory_space<vmem>>, vector<2048x16xf32>
    tpu.vector_store %arg5[%swap3A_115, %swap3A_116], %add3A_114 {strides = array<i32>} : memref<2048x16xf32, #tpu.memory_space<vmem>>, vector<2048x16xf32>,
    %convert_element_type3A_118 = arith.extui %eq3A_52 : vector<2048x16xi1> to vector<2048x16xi32>
    %convert_element_type3A_119 = arith.sitofp %convert_element_type3A_118 : vector<2048x16xi32> to vector<2048x16xf32>
    %convert_element_type3A_120 = arith.extui %eq3A_68 : vector<2048x16xi1> to vector<2048x16xi32>
    %convert_element_type3A_121 = arith.sitofp %convert_element_type3A_120 : vector<2048x16xi32> to vector<2048x16xf32>
    %add3A_122 = arith.addf %convert_element_type3A_119, %convert_element_type3A_121 : vector<2048x16xf32>
    %iota3A_123 = tpu.iota {dimensions = array<i32: 0>} : vector<32x2048xi32>
    %iota3A_124 = tpu.iota {dimensions = array<i32: 1>} : vector<32x2048xi32>
    %jit3A_125 = arith.constant 64 : i32
    %div3A_126 = vector.broadcast %jit3A_125 : i32 to vector<32x2048xi32>
    %div3A_127 = arith.divsi %iota3A_124, %div3A_126 : vector<32x2048xi32>
    %sign3A = arith.constant 0 : i32
    %sign3A_128 = vector.broadcast %sign3A : i32 to vector<32x2048xi32>
    %sign3A_129 = arith.cmpi sgt, %iota3A_124, %sign3A_128 : vector<32x2048xi32>
    %sign3A_130 = arith.extui %sign3A_129 : vector<32x2048xi1> to vector<32x2048xi32>
    %sign3A_131 = arith.constant 0 : i32
    %sign3A_132 = vector.broadcast %sign3A_131 : i32 to vector<32x2048xi32>
    %sign3A_133 = arith.cmpi slt, %iota3A_124, %sign3A_132 : vector<32x2048xi32>
    %sign3A_134 = arith.extui %sign3A_133 : vector<32x2048xi1> to vector<32x2048xi32>
    %sign3A_135 = arith.subi %sign3A_130, %sign3A_134 : vector<32x2048xi32>
    %sign3A_136 = arith.constant 0 : i32
    %sign3A_137 = arith.cmpi sgt, %jit3A_125, %sign3A_136 : i32
    %sign3A_138 = arith.extui %sign3A_137 : i1 to i32
    %sign3A_139 = arith.constant 0 : i32
    %sign3A_140 = arith.cmpi slt, %jit3A_125, %sign3A_139 : i32
    %sign3A_141 = arith.extui %sign3A_140 : i1 to i32
    %sign3A_142 = arith.subi %sign3A_138, %sign3A_141 : i32
    %ne3A = vector.broadcast %sign3A_142 : i32 to vector<32x2048xi32>
    %ne3A_143 = arith.cmpi ne, %sign3A_135, %ne3A : vector<32x2048xi32>
    %rem3A = vector.broadcast %jit3A_125 : i32 to vector<32x2048xi32>
    %rem3A_144 = arith.remsi %iota3A_124, %rem3A : vector<32x2048xi32>
    %ne3A_145 = arith.constant 0 : i32
    %ne3A_146 = vector.broadcast %ne3A_145 : i32 to vector<32x2048xi32>
    %ne3A_147 = arith.cmpi ne, %rem3A_144, %ne3A_146 : vector<32x2048xi32>
    %and3A_148 = arith.andi %ne3A_143, %ne3A_147 : vector<32x2048xi1>
    %sub3A_149 = arith.constant 1 : i32
    %sub3A_150 = vector.broadcast %sub3A_149 : i32 to vector<32x2048xi32>
    %sub3A_151 = arith.subi %div3A_127, %sub3A_150 : vector<32x2048xi32>
    %select_n3A_152 = arith.select %and3A_148, %sub3A_151, %div3A_127 : vector<32x2048xi1>, vector<32x2048xi32>
    %eq3A_153 = arith.cmpi eq, %select_n3A_152, %iota3A_123 : vector<32x2048xi32>
    %convert_element_type3A_154 = arith.extui %eq3A_153 : vector<32x2048xi1> to vector<32x2048xi32>
    %convert_element_type3A_155 = arith.sitofp %convert_element_type3A_154 : vector<32x2048xi32> to vector<32x2048xf32>
    %dot_general3A_156 = arith.constant dense<0.000000e+00> : vector<32x16xf32>
    %dot_general3A_157 = tpu.matmul %convert_element_type3A_155, %add3A_122, %dot_general3A_156 {dimension_numbers = #tpu.dot_dimension_numbers<[1], [0], [0], [1], [0, 0, 1, 1], [], []>, transpose_lhs_hint = false} : vector<32x2048xf32>, vector<2048x16xf32>, vector<32x16xf32> -> vector<32x16xf32>
    %reduce_sum3A = arith.constant dense<0.000000e+00> : vector<16xf32>
    %reduce_sum3A_158 = vector.multi_reduction <add>, %dot_general3A_157, %reduce_sum3A [0] : vector<32x16xf32> to vector<16xf32>
    %broadcast_in_dim3A_159 = vector.shape_cast %reduce_sum3A_158 : vector<16xf32> to vector<1x16xf32>
    %add3A_160 = arith.constant 5.110000e+02 : f32
    %add3A_161 = vector.broadcast %add3A_160 : f32 to vector<1x16xf32>
    %add3A_162 = arith.addf %broadcast_in_dim3A_159, %add3A_161 : vector<1x16xf32>
    %mul3A_163 = arith.constant 0.001953125 : f32
    %mul3A_164 = vector.broadcast %mul3A_163 : f32 to vector<1x16xf32>
    %mul3A_165 = arith.mulf %add3A_162, %mul3A_164 : vector<1x16xf32>
    %floor3A = math.floor %mul3A_165 : vector<1x16xf32>
    %iota3A_166 = tpu.iota {dimensions = array<i32: 0>} : vector<16x16xi32>
    %iota3A_167 = tpu.iota {dimensions = array<i32: 1>} : vector<16x16xi32>
    %le3A = arith.cmpi sle, %iota3A_166, %iota3A_167 : vector<16x16xi32>
    %convert_element_type3A_168 = arith.extui %le3A : vector<16x16xi1> to vector<16x16xi32>
    %convert_element_type3A_169 = arith.sitofp %convert_element_type3A_168 : vector<16x16xi32> to vector<16x16xf32>
    %dot_general3A_170 = arith.constant dense<0.000000e+00> : vector<1x16xf32>
    %dot_general3A_171 = tpu.matmul %floor3A, %convert_element_type3A_169, %dot_general3A_170 {dimension_numbers = #tpu.dot_dimension_numbers<[1], [0], [0], [1], [0, 0, 1, 1], [], []>, transpose_lhs_hint = false} : vector<1x16xf32>, vector<16x16xf32>, vector<1x16xf32> -> vector<1x16xf32>
    %sub3A_172 = arith.subf %dot_general3A_171, %floor3A : vector<1x16xf32>
    %mul3A_173 = arith.constant 5.120000e+02 : f32
    %mul3A_174 = vector.broadcast %mul3A_173 : f32 to vector<1x16xf32>
    %mul3A_175 = arith.mulf %mul3A_174, %sub3A_172 : vector<1x16xf32>
    %slice3A_176 = vector.extract_strided_slice %dot_general3A_171 {offsets = [0, 7], sizes = [1, 1], strides = [1, 1]} : vector<1x16xf32> to vector<1x1xf32>
    %convert_element_type3A_177 = arith.fptosi %slice3A_176 : vector<1x1xf32> to vector<1x1xi32>
    %swap3A_178 = arith.constant 0 : index
    %swap3A_179 = arith.constant 0 : index
    %swap3A_180 = vector.load %arg8[%swap3A_178, %swap3A_179] : memref<1x1xi32, #tpu.memory_space<vmem>>, vector<1x1xi32>
    tpu.vector_store %arg8[%swap3A_178, %swap3A_179], %convert_element_type3A_177 {strides = array<i32>} : memref<1x1xi32, #tpu.memory_space<vmem>>, vector<1x1xi32>,
    %iota3A_181 = tpu.iota {dimensions = array<i32: 0>} : vector<32x32xi32>
    %iota3A_182 = tpu.iota {dimensions = array<i32: 1>} : vector<32x32xi32>
    %lt3A = arith.cmpi slt, %iota3A_182, %iota3A_181 : vector<32x32xi32>
    %convert_element_type3A_183 = arith.extui %lt3A : vector<32x32xi1> to vector<32x32xi32>
    %convert_element_type3A_184 = arith.sitofp %convert_element_type3A_183 : vector<32x32xi32> to vector<32x32xf32>
    %dot_general3A_185 = arith.constant dense<0.000000e+00> : vector<32x16xf32>
    %dot_general3A_186 = tpu.matmul %convert_element_type3A_184, %dot_general3A_157, %dot_general3A_185 {dimension_numbers = #tpu.dot_dimension_numbers<[1], [0], [0], [1], [0, 0, 1, 1], [], []>, transpose_lhs_hint = false} : vector<32x32xf32>, vector<32x16xf32>, vector<32x16xf32> -> vector<32x16xf32>
    %add3A_187 = vector.broadcast %mul3A_175 : vector<1x16xf32> to vector<32x16xf32>
    %add3A_188 = arith.addf %dot_general3A_186, %add3A_187 : vector<32x16xf32>
    %convert_element_type3A_189 = arith.fptosi %add3A_188 : vector<32x16xf32> to vector<32x16xi32>
    %swap3A_190 = arith.constant 0 : index
    %swap3A_191 = arith.constant 0 : index
    %swap3A_192 = vector.load %arg6[%swap3A_190, %swap3A_191] : memref<32x16xi32, #tpu.memory_space<vmem>>, vector<32x16xi32>
    tpu.vector_store %arg6[%swap3A_190, %swap3A_191], %convert_element_type3A_189 {strides = array<i32>} : memref<32x16xi32, #tpu.memory_space<vmem>>, vector<32x16xi32>,
    %iota3A_193 = tpu.iota {dimensions = array<i32: 0>} : vector<16x16xi32>
    %convert_element_type3A_194 = arith.sitofp %iota3A_193 : vector<16x16xi32> to vector<16x16xf32>
    %slice3A_195 = vector.extract_strided_slice %iota3A {offsets = [0, 0], sizes = [16, 16], strides = [1, 1]} : vector<2048x16xi32> to vector<16x16xi32>
    %lt3A_196 = arith.constant 8 : i32
    %lt3A_197 = vector.broadcast %lt3A_196 : i32 to vector<16x16xi32>
    %lt3A_198 = arith.cmpi slt, %slice3A_195, %lt3A_197 : vector<16x16xi32>
    %le3A_199 = vector.broadcast %dot_general3A_171 : vector<1x16xf32> to vector<16x16xf32>
    %le3A_200 = arith.cmpf ole, %le3A_199, %convert_element_type3A_194 : vector<16x16xf32>
    %convert_element_type3A_201 = arith.extui %le3A_200 : vector<16x16xi1> to vector<16x16xi32>
    %convert_element_type3A_202 = arith.sitofp %convert_element_type3A_201 : vector<16x16xi32> to vector<16x16xf32>
    %jit3A_203 = arith.constant 0.000000e+00 : f32
    %broadcast_in_dim3A_204 = vector.broadcast %jit3A_203 : f32 to vector<16x16xf32>
    %select_n3A_205 = arith.select %lt3A_198, %convert_element_type3A_202, %broadcast_in_dim3A_204 : vector<16x16xi1>, vector<16x16xf32>
    %reduce_sum3A_206 = arith.constant dense<0.000000e+00> : vector<16xf32>
    %reduce_sum3A_207 = vector.multi_reduction <add>, %select_n3A_205, %reduce_sum3A_206 [1] : vector<16x16xf32> to vector<16xf32>
    %broadcast_in_dim3A_208 = vector.shape_cast %reduce_sum3A_207 : vector<16xf32> to vector<16x1xf32>
    %min3A = arith.constant 7.000000e+00 : f32
    %min3A_209 = vector.broadcast %min3A : f32 to vector<16x1xf32>
    %min3A_210 = arith.minimumf %broadcast_in_dim3A_208, %min3A_209 : vector<16x1xf32>
    %convert_element_type3A_211 = arith.fptosi %min3A_210 : vector<16x1xf32> to vector<16x1xi32>
    %swap3A_212 = arith.constant 0 : index
    %swap3A_213 = arith.constant 0 : index
    %swap3A_214 = vector.load %arg7[%swap3A_212, %swap3A_213] : memref<16x1xi32, #tpu.memory_space<vmem>>, vector<16x1xi32>
    tpu.vector_store %arg7[%swap3A_212, %swap3A_213], %convert_element_type3A_211 {strides = array<i32>} : memref<16x1xi32, #tpu.memory_space<vmem>>, vector<16x1xi32>,
    return
  }
}

module attributes {stable_mosaic.version = 14 : i64} {
  func.func @_shared_body(%arg0: i32, %arg1: memref<2xf32, #tpu.memory_space<smem>>, %arg2: memref<512x512xi32, #tpu.memory_space<vmem>>, %arg3: memref<1024x1024xf32, #tpu.memory_space<vmem>>, %arg4: memref<1x1024xf32, #tpu.memory_space<vmem>>, %arg5: memref<1024x1024xf32, #tpu.memory_space<vmem>>, %arg6: memref<1x1024xf32, #tpu.memory_space<vmem>>, %arg7: memref<512x512xi32, #tpu.memory_space<vmem>>) attributes {dimension_semantics = [#tpu.dimension_semantics<arbitrary>], iteration_bounds = array<i64: 4>, scalar_prefetch = 1 : i64, scratch_operands = 0 : i64, tpu.core_type = #tpu.core_type<tc>, window_params = [{transform_indices = @transform_0, window_bounds = array<i64: 512, 512>}, {pipeline_mode = #tpu.pipeline_mode<synchronous>, transform_indices = @transform_1, window_bounds = array<i64: 1024, 1024>}, {pipeline_mode = #tpu.pipeline_mode<synchronous>, transform_indices = @transform_2, window_bounds = array<i64: 1, 1024>}, {pipeline_mode = #tpu.pipeline_mode<synchronous>, transform_indices = @transform_3, window_bounds = array<i64: 1024, 1024>}, {pipeline_mode = #tpu.pipeline_mode<synchronous>, transform_indices = @transform_4, window_bounds = array<i64: 1, 1024>}, {transform_indices = @transform_5, window_bounds = array<i64: 512, 512>}]} {
    %get3A = arith.constant 0 : index
    %get3A_0 = arith.constant 0 : index
    %get3A_1 = vector.load %arg2[%get3A, %get3A_0] : memref<512x512xi32, #tpu.memory_space<vmem>>, vector<512x512xi32>
    %shift_left3A = arith.constant 16 : i32
    %shift_left3A_2 = vector.broadcast %shift_left3A : i32 to vector<512x512xi32>
    %shift_left3A_3 = arith.shli %get3A_1, %shift_left3A_2 : vector<512x512xi32>
    %bitcast_convert_type3A = tpu.bitcast %shift_left3A_3 : vector<512x512xi32> -> vector<512x512xf32>
    %and3A = arith.constant -65536 : i32
    %and3A_4 = vector.broadcast %and3A : i32 to vector<512x512xi32>
    %and3A_5 = arith.andi %get3A_1, %and3A_4 : vector<512x512xi32>
    %bitcast_convert_type3A_6 = tpu.bitcast %and3A_5 : vector<512x512xi32> -> vector<512x512xf32>
    %concatenate3A = tpu.concatenate %bitcast_convert_type3A, %bitcast_convert_type3A_6 in 1 : vector<512x512xf32>, vector<512x512xf32> -> vector<512x1024xf32>
    %get3A_7 = arith.constant 0 : index
    %get3A_8 = arith.constant 0 : index
    %get3A_9 = vector.load %arg3[%get3A_7, %get3A_8] : memref<1024x1024xf32, #tpu.memory_space<vmem>>, vector<1024x1024xf32>
    %dot_general3A = arith.constant dense<0.000000e+00> : vector<512x1024xf32>
    %dot_general3A_10 = tpu.matmul %concatenate3A, %get3A_9, %dot_general3A {dimension_numbers = #tpu.dot_dimension_numbers<[1], [0], [0], [1], [0, 0, 1, 1], [], []>, transpose_lhs_hint = false} : vector<512x1024xf32>, vector<1024x1024xf32>, vector<512x1024xf32> -> vector<512x1024xf32>
    %get3A_11 = arith.constant 0 : index
    %get3A_12 = arith.constant 0 : index
    %get3A_13 = vector.load %arg4[%get3A_11, %get3A_12] : memref<1x1024xf32, #tpu.memory_space<vmem>>, vector<1x1024xf32>
    %add3A = vector.broadcast %get3A_13 : vector<1x1024xf32> to vector<512x1024xf32>
    %add3A_14 = arith.addf %dot_general3A_10, %add3A : vector<512x1024xf32>
    %gt3A = arith.constant 0.000000e+00 : f32
    %gt3A_15 = vector.broadcast %gt3A : f32 to vector<512x1024xf32>
    %gt3A_16 = arith.cmpf ogt, %add3A_14, %gt3A_15 : vector<512x1024xf32>
    %mul3A = arith.constant 0.00999999977 : f32
    %mul3A_17 = vector.broadcast %mul3A : f32 to vector<512x1024xf32>
    %mul3A_18 = arith.mulf %mul3A_17, %add3A_14 : vector<512x1024xf32>
    %select_n3A = arith.select %gt3A_16, %add3A_14, %mul3A_18 : vector<512x1024xi1>, vector<512x1024xf32>
    %get3A_19 = arith.constant 0 : index
    %get3A_20 = arith.constant 0 : index
    %get3A_21 = vector.load %arg5[%get3A_19, %get3A_20] : memref<1024x1024xf32, #tpu.memory_space<vmem>>, vector<1024x1024xf32>
    %dot_general3A_22 = arith.constant dense<0.000000e+00> : vector<512x1024xf32>
    %dot_general3A_23 = tpu.matmul %select_n3A, %get3A_21, %dot_general3A_22 {dimension_numbers = #tpu.dot_dimension_numbers<[1], [0], [0], [1], [0, 0, 1, 1], [], []>, transpose_lhs_hint = false} : vector<512x1024xf32>, vector<1024x1024xf32>, vector<512x1024xf32> -> vector<512x1024xf32>
    %get3A_24 = arith.constant 0 : index
    %get3A_25 = arith.constant 0 : index
    %get3A_26 = vector.load %arg6[%get3A_24, %get3A_25] : memref<1x1024xf32, #tpu.memory_space<vmem>>, vector<1x1024xf32>
    %add3A_27 = vector.broadcast %get3A_26 : vector<1x1024xf32> to vector<512x1024xf32>
    %add3A_28 = arith.addf %dot_general3A_23, %add3A_27 : vector<512x1024xf32>
    %get3A_29 = arith.constant 0 : index
    %get3A_30 = memref.load %arg1[%get3A_29] : memref<2xf32, #tpu.memory_space<smem>>
    %mul3A_31 = vector.broadcast %get3A_30 : f32 to vector<512x1024xf32>
    %mul3A_32 = arith.mulf %mul3A_31, %add3A_28 : vector<512x1024xf32>
    %bitcast_convert_type3A_33 = tpu.bitcast %mul3A_32 : vector<512x1024xf32> -> vector<512x1024xi32>
    %slice3A = vector.extract_strided_slice %bitcast_convert_type3A_33 {offsets = [0, 0], sizes = [512, 512], strides = [1, 1]} : vector<512x1024xi32> to vector<512x512xi32>
    %add3A_34 = arith.constant 32767 : i32
    %add3A_35 = vector.broadcast %add3A_34 : i32 to vector<512x512xi32>
    %add3A_36 = arith.addi %slice3A, %add3A_35 : vector<512x512xi32>
    %shift_right_arithmetic3A = arith.constant 16 : i32
    %shift_right_arithmetic3A_37 = vector.broadcast %shift_right_arithmetic3A : i32 to vector<512x512xi32>
    %shift_right_arithmetic3A_38 = arith.shrsi %slice3A, %shift_right_arithmetic3A_37 : vector<512x512xi32>
    %and3A_39 = arith.constant 1 : i32
    %and3A_40 = vector.broadcast %and3A_39 : i32 to vector<512x512xi32>
    %and3A_41 = arith.andi %shift_right_arithmetic3A_38, %and3A_40 : vector<512x512xi32>
    %add3A_42 = arith.addi %add3A_36, %and3A_41 : vector<512x512xi32>
    %shift_right_arithmetic3A_43 = arith.constant 16 : i32
    %shift_right_arithmetic3A_44 = vector.broadcast %shift_right_arithmetic3A_43 : i32 to vector<512x512xi32>
    %shift_right_arithmetic3A_45 = arith.shrsi %add3A_42, %shift_right_arithmetic3A_44 : vector<512x512xi32>
    %and3A_46 = arith.constant 65535 : i32
    %and3A_47 = vector.broadcast %and3A_46 : i32 to vector<512x512xi32>
    %and3A_48 = arith.andi %shift_right_arithmetic3A_45, %and3A_47 : vector<512x512xi32>
    %slice3A_49 = vector.extract_strided_slice %bitcast_convert_type3A_33 {offsets = [0, 512], sizes = [512, 512], strides = [1, 1]} : vector<512x1024xi32> to vector<512x512xi32>
    %add3A_50 = arith.constant 32767 : i32
    %add3A_51 = vector.broadcast %add3A_50 : i32 to vector<512x512xi32>
    %add3A_52 = arith.addi %slice3A_49, %add3A_51 : vector<512x512xi32>
    %shift_right_arithmetic3A_53 = arith.constant 16 : i32
    %shift_right_arithmetic3A_54 = vector.broadcast %shift_right_arithmetic3A_53 : i32 to vector<512x512xi32>
    %shift_right_arithmetic3A_55 = arith.shrsi %slice3A_49, %shift_right_arithmetic3A_54 : vector<512x512xi32>
    %and3A_56 = arith.constant 1 : i32
    %and3A_57 = vector.broadcast %and3A_56 : i32 to vector<512x512xi32>
    %and3A_58 = arith.andi %shift_right_arithmetic3A_55, %and3A_57 : vector<512x512xi32>
    %add3A_59 = arith.addi %add3A_52, %and3A_58 : vector<512x512xi32>
    %and3A_60 = arith.constant -65536 : i32
    %and3A_61 = vector.broadcast %and3A_60 : i32 to vector<512x512xi32>
    %and3A_62 = arith.andi %add3A_59, %and3A_61 : vector<512x512xi32>
    %or3A = arith.ori %and3A_48, %and3A_62 : vector<512x512xi32>
    %swap3A = arith.constant 0 : index
    %swap3A_63 = arith.constant 0 : index
    %swap3A_64 = vector.load %arg7[%swap3A, %swap3A_63] : memref<512x512xi32, #tpu.memory_space<vmem>>, vector<512x512xi32>
    tpu.vector_store %arg7[%swap3A, %swap3A_63], %or3A {strides = array<i32>} : memref<512x512xi32, #tpu.memory_space<vmem>>, vector<512x512xi32>,
    return
  }
  func.func @transform_0(%arg0: i32, %arg1: memref<2xf32, #tpu.memory_space<smem>>) -> (i32, i32) {
    %c0_i32 = arith.constant 0 : i32
    %c0_i32_0 = arith.constant 0 : i32
    return %arg0, %c0_i32 : i32, i32
  }
  func.func @transform_1(%arg0: i32, %arg1: memref<2xf32, #tpu.memory_space<smem>>) -> (i32, i32) {
    %c0_i32 = arith.constant 0 : i32
    %c0_i32_0 = arith.constant 0 : i32
    %c0_i32_1 = arith.constant 0 : i32
    return %c0_i32, %c0_i32_0 : i32, i32
  }
  func.func @transform_2(%arg0: i32, %arg1: memref<2xf32, #tpu.memory_space<smem>>) -> (i32, i32) {
    %c0_i32 = arith.constant 0 : i32
    %c0_i32_0 = arith.constant 0 : i32
    %c0_i32_1 = arith.constant 0 : i32
    return %c0_i32, %c0_i32_0 : i32, i32
  }
  func.func @transform_3(%arg0: i32, %arg1: memref<2xf32, #tpu.memory_space<smem>>) -> (i32, i32) {
    %c0_i32 = arith.constant 0 : i32
    %c0_i32_0 = arith.constant 0 : i32
    %c0_i32_1 = arith.constant 0 : i32
    return %c0_i32, %c0_i32_0 : i32, i32
  }
  func.func @transform_4(%arg0: i32, %arg1: memref<2xf32, #tpu.memory_space<smem>>) -> (i32, i32) {
    %c0_i32 = arith.constant 0 : i32
    %c0_i32_0 = arith.constant 0 : i32
    %c0_i32_1 = arith.constant 0 : i32
    return %c0_i32, %c0_i32_0 : i32, i32
  }
  func.func @transform_5(%arg0: i32, %arg1: memref<2xf32, #tpu.memory_space<smem>>) -> (i32, i32) {
    %c0_i32 = arith.constant 0 : i32
    %c0_i32_0 = arith.constant 0 : i32
    return %arg0, %c0_i32 : i32, i32
  }
}

module attributes {stable_mosaic.version = 14 : i64} {
  func.func @_experts_body(%arg0: i32, %arg1: memref<16xi32, #tpu.memory_space<smem>>, %arg2: memref<1xi32, #tpu.memory_space<smem>>, %arg3: memref<512x512xi32, #tpu.memory_space<vmem>>, %arg4: memref<1x1024x1024xf32, #tpu.memory_space<vmem>>, %arg5: memref<1x1x1024xf32, #tpu.memory_space<vmem>>, %arg6: memref<1x1024x1024xf32, #tpu.memory_space<vmem>>, %arg7: memref<1x1x1024xf32, #tpu.memory_space<vmem>>, %arg8: memref<512x512xi32, #tpu.memory_space<vmem>>) attributes {dimension_semantics = [#tpu.dimension_semantics<arbitrary>], iteration_bounds = array<i64: 15>, scalar_prefetch = 2 : i64, scratch_operands = 0 : i64, tpu.core_type = #tpu.core_type<tc>, window_params = [{transform_indices = @transform_0, window_bounds = array<i64: 512, 512>}, {transform_indices = @transform_1, window_bounds = array<i64: 1, 1024, 1024>}, {transform_indices = @transform_2, window_bounds = array<i64: 1, 1, 1024>}, {transform_indices = @transform_3, window_bounds = array<i64: 1, 1024, 1024>}, {transform_indices = @transform_4, window_bounds = array<i64: 1, 1, 1024>}, {transform_indices = @transform_5, window_bounds = array<i64: 512, 512>}]} {
    %get3A = arith.constant 0 : index
    %get3A_0 = memref.load %arg2[%get3A] : memref<1xi32, #tpu.memory_space<smem>>
    %lt3A = arith.cmpi slt, %arg0, %get3A_0 : i32
    %convert_element_type3A = arith.extui %lt3A : i1 to i32
    %cond3A = arith.constant 0 : i32
    %cond3A_1 = arith.cmpi ne, %convert_element_type3A, %cond3A : i32
    scf.if %cond3A_1 {
      %get3A_2 = arith.constant 0 : index
      %get3A_3 = arith.constant 0 : index
      %get3A_4 = vector.load %arg3[%get3A_2, %get3A_3] : memref<512x512xi32, #tpu.memory_space<vmem>>, vector<512x512xi32>
      %shift_left3A = arith.constant 16 : i32
      %shift_left3A_5 = vector.broadcast %shift_left3A : i32 to vector<512x512xi32>
      %shift_left3A_6 = arith.shli %get3A_4, %shift_left3A_5 : vector<512x512xi32>
      %bitcast_convert_type3A = tpu.bitcast %shift_left3A_6 : vector<512x512xi32> -> vector<512x512xf32>
      %and3A = arith.constant -65536 : i32
      %and3A_7 = vector.broadcast %and3A : i32 to vector<512x512xi32>
      %and3A_8 = arith.andi %get3A_4, %and3A_7 : vector<512x512xi32>
      %bitcast_convert_type3A_9 = tpu.bitcast %and3A_8 : vector<512x512xi32> -> vector<512x512xf32>
      %concatenate3A = tpu.concatenate %bitcast_convert_type3A, %bitcast_convert_type3A_9 in 1 : vector<512x512xf32>, vector<512x512xf32> -> vector<512x1024xf32>
      %get3A_10 = arith.constant 0 : index
      %get3A_11 = arith.constant 0 : index
      %get3A_12 = arith.constant 0 : index
      %get3A_13 = vector.load %arg4[%get3A_10, %get3A_11, %get3A_12] : memref<1x1024x1024xf32, #tpu.memory_space<vmem>>, vector<1x1024x1024xf32>
      %get3A_14 = vector.shape_cast %get3A_13 : vector<1x1024x1024xf32> to vector<1024x1024xf32>
      %dot_general3A = arith.constant dense<0.000000e+00> : vector<512x1024xf32>
      %dot_general3A_15 = tpu.matmul %concatenate3A, %get3A_14, %dot_general3A {dimension_numbers = #tpu.dot_dimension_numbers<[1], [0], [0], [1], [0, 0, 1, 1], [], []>, transpose_lhs_hint = false} : vector<512x1024xf32>, vector<1024x1024xf32>, vector<512x1024xf32> -> vector<512x1024xf32>
      %get3A_16 = arith.constant 0 : index
      %get3A_17 = arith.constant 0 : index
      %get3A_18 = arith.constant 0 : index
      %get3A_19 = vector.load %arg5[%get3A_16, %get3A_17, %get3A_18] : memref<1x1x1024xf32, #tpu.memory_space<vmem>>, vector<1x1x1024xf32>
      %get3A_20 = vector.shape_cast %get3A_19 : vector<1x1x1024xf32> to vector<1x1024xf32>
      %add3A = vector.broadcast %get3A_20 : vector<1x1024xf32> to vector<512x1024xf32>
      %add3A_21 = arith.addf %dot_general3A_15, %add3A : vector<512x1024xf32>
      %gt3A = arith.constant 0.000000e+00 : f32
      %gt3A_22 = vector.broadcast %gt3A : f32 to vector<512x1024xf32>
      %gt3A_23 = arith.cmpf ogt, %add3A_21, %gt3A_22 : vector<512x1024xf32>
      %mul3A = arith.constant 0.00999999977 : f32
      %mul3A_24 = vector.broadcast %mul3A : f32 to vector<512x1024xf32>
      %mul3A_25 = arith.mulf %mul3A_24, %add3A_21 : vector<512x1024xf32>
      %select_n3A = arith.select %gt3A_23, %add3A_21, %mul3A_25 : vector<512x1024xi1>, vector<512x1024xf32>
      %get3A_26 = arith.constant 0 : index
      %get3A_27 = arith.constant 0 : index
      %get3A_28 = arith.constant 0 : index
      %get3A_29 = vector.load %arg6[%get3A_26, %get3A_27, %get3A_28] : memref<1x1024x1024xf32, #tpu.memory_space<vmem>>, vector<1x1024x1024xf32>
      %get3A_30 = vector.shape_cast %get3A_29 : vector<1x1024x1024xf32> to vector<1024x1024xf32>
      %dot_general3A_31 = arith.constant dense<0.000000e+00> : vector<512x1024xf32>
      %dot_general3A_32 = tpu.matmul %select_n3A, %get3A_30, %dot_general3A_31 {dimension_numbers = #tpu.dot_dimension_numbers<[1], [0], [0], [1], [0, 0, 1, 1], [], []>, transpose_lhs_hint = false} : vector<512x1024xf32>, vector<1024x1024xf32>, vector<512x1024xf32> -> vector<512x1024xf32>
      %get3A_33 = arith.constant 0 : index
      %get3A_34 = arith.constant 0 : index
      %get3A_35 = arith.constant 0 : index
      %get3A_36 = vector.load %arg7[%get3A_33, %get3A_34, %get3A_35] : memref<1x1x1024xf32, #tpu.memory_space<vmem>>, vector<1x1x1024xf32>
      %get3A_37 = vector.shape_cast %get3A_36 : vector<1x1x1024xf32> to vector<1x1024xf32>
      %add3A_38 = vector.broadcast %get3A_37 : vector<1x1024xf32> to vector<512x1024xf32>
      %add3A_39 = arith.addf %dot_general3A_32, %add3A_38 : vector<512x1024xf32>
      %bitcast_convert_type3A_40 = tpu.bitcast %add3A_39 : vector<512x1024xf32> -> vector<512x1024xi32>
      %slice3A = vector.extract_strided_slice %bitcast_convert_type3A_40 {offsets = [0, 0], sizes = [512, 512], strides = [1, 1]} : vector<512x1024xi32> to vector<512x512xi32>
      %add3A_41 = arith.constant 32767 : i32
      %add3A_42 = vector.broadcast %add3A_41 : i32 to vector<512x512xi32>
      %add3A_43 = arith.addi %slice3A, %add3A_42 : vector<512x512xi32>
      %shift_right_arithmetic3A = arith.constant 16 : i32
      %shift_right_arithmetic3A_44 = vector.broadcast %shift_right_arithmetic3A : i32 to vector<512x512xi32>
      %shift_right_arithmetic3A_45 = arith.shrsi %slice3A, %shift_right_arithmetic3A_44 : vector<512x512xi32>
      %and3A_46 = arith.constant 1 : i32
      %and3A_47 = vector.broadcast %and3A_46 : i32 to vector<512x512xi32>
      %and3A_48 = arith.andi %shift_right_arithmetic3A_45, %and3A_47 : vector<512x512xi32>
      %add3A_49 = arith.addi %add3A_43, %and3A_48 : vector<512x512xi32>
      %shift_right_arithmetic3A_50 = arith.constant 16 : i32
      %shift_right_arithmetic3A_51 = vector.broadcast %shift_right_arithmetic3A_50 : i32 to vector<512x512xi32>
      %shift_right_arithmetic3A_52 = arith.shrsi %add3A_49, %shift_right_arithmetic3A_51 : vector<512x512xi32>
      %and3A_53 = arith.constant 65535 : i32
      %and3A_54 = vector.broadcast %and3A_53 : i32 to vector<512x512xi32>
      %and3A_55 = arith.andi %shift_right_arithmetic3A_52, %and3A_54 : vector<512x512xi32>
      %slice3A_56 = vector.extract_strided_slice %bitcast_convert_type3A_40 {offsets = [0, 512], sizes = [512, 512], strides = [1, 1]} : vector<512x1024xi32> to vector<512x512xi32>
      %add3A_57 = arith.constant 32767 : i32
      %add3A_58 = vector.broadcast %add3A_57 : i32 to vector<512x512xi32>
      %add3A_59 = arith.addi %slice3A_56, %add3A_58 : vector<512x512xi32>
      %shift_right_arithmetic3A_60 = arith.constant 16 : i32
      %shift_right_arithmetic3A_61 = vector.broadcast %shift_right_arithmetic3A_60 : i32 to vector<512x512xi32>
      %shift_right_arithmetic3A_62 = arith.shrsi %slice3A_56, %shift_right_arithmetic3A_61 : vector<512x512xi32>
      %and3A_63 = arith.constant 1 : i32
      %and3A_64 = vector.broadcast %and3A_63 : i32 to vector<512x512xi32>
      %and3A_65 = arith.andi %shift_right_arithmetic3A_62, %and3A_64 : vector<512x512xi32>
      %add3A_66 = arith.addi %add3A_59, %and3A_65 : vector<512x512xi32>
      %and3A_67 = arith.constant -65536 : i32
      %and3A_68 = vector.broadcast %and3A_67 : i32 to vector<512x512xi32>
      %and3A_69 = arith.andi %add3A_66, %and3A_68 : vector<512x512xi32>
      %or3A = arith.ori %and3A_55, %and3A_69 : vector<512x512xi32>
      %swap3A = arith.constant 0 : index
      %swap3A_70 = arith.constant 0 : index
      %swap3A_71 = vector.load %arg8[%swap3A, %swap3A_70] : memref<512x512xi32, #tpu.memory_space<vmem>>, vector<512x512xi32>
      tpu.vector_store %arg8[%swap3A, %swap3A_70], %or3A {strides = array<i32>} : memref<512x512xi32, #tpu.memory_space<vmem>>, vector<512x512xi32>,
    } else {
    }
    return
  }
  func.func @transform_0(%arg0: i32, %arg1: memref<16xi32, #tpu.memory_space<smem>>, %arg2: memref<1xi32, #tpu.memory_space<smem>>) -> (i32, i32) {
    %c0_i32 = arith.constant 0 : i32
    %c0_i32_0 = arith.constant 0 : i32
    return %arg0, %c0_i32 : i32, i32
  }
  func.func @transform_1(%arg0: i32, %arg1: memref<16xi32, #tpu.memory_space<smem>>, %arg2: memref<1xi32, #tpu.memory_space<smem>>) -> (i32, i32, i32) {
    %min3A = arith.constant 15 : i32
    %min3A_0 = arith.minsi %arg0, %min3A : i32
    %get3A = arith.index_cast %min3A_0 : i32 to index
    %get3A_1 = memref.load %arg1[%get3A] : memref<16xi32, #tpu.memory_space<smem>>
    %c0_i32 = arith.constant 0 : i32
    %c0_i32_2 = arith.constant 0 : i32
    %c0_i32_3 = arith.constant 0 : i32
    return %get3A_1, %c0_i32, %c0_i32_2 : i32, i32, i32
  }
  func.func @transform_2(%arg0: i32, %arg1: memref<16xi32, #tpu.memory_space<smem>>, %arg2: memref<1xi32, #tpu.memory_space<smem>>) -> (i32, i32, i32) {
    %min3A = arith.constant 15 : i32
    %min3A_0 = arith.minsi %arg0, %min3A : i32
    %get3A = arith.index_cast %min3A_0 : i32 to index
    %get3A_1 = memref.load %arg1[%get3A] : memref<16xi32, #tpu.memory_space<smem>>
    %c0_i32 = arith.constant 0 : i32
    %c0_i32_2 = arith.constant 0 : i32
    %c0_i32_3 = arith.constant 0 : i32
    return %get3A_1, %c0_i32, %c0_i32_2 : i32, i32, i32
  }
  func.func @transform_3(%arg0: i32, %arg1: memref<16xi32, #tpu.memory_space<smem>>, %arg2: memref<1xi32, #tpu.memory_space<smem>>) -> (i32, i32, i32) {
    %min3A = arith.constant 15 : i32
    %min3A_0 = arith.minsi %arg0, %min3A : i32
    %get3A = arith.index_cast %min3A_0 : i32 to index
    %get3A_1 = memref.load %arg1[%get3A] : memref<16xi32, #tpu.memory_space<smem>>
    %c0_i32 = arith.constant 0 : i32
    %c0_i32_2 = arith.constant 0 : i32
    %c0_i32_3 = arith.constant 0 : i32
    return %get3A_1, %c0_i32, %c0_i32_2 : i32, i32, i32
  }
  func.func @transform_4(%arg0: i32, %arg1: memref<16xi32, #tpu.memory_space<smem>>, %arg2: memref<1xi32, #tpu.memory_space<smem>>) -> (i32, i32, i32) {
    %min3A = arith.constant 15 : i32
    %min3A_0 = arith.minsi %arg0, %min3A : i32
    %get3A = arith.index_cast %min3A_0 : i32 to index
    %get3A_1 = memref.load %arg1[%get3A] : memref<16xi32, #tpu.memory_space<smem>>
    %c0_i32 = arith.constant 0 : i32
    %c0_i32_2 = arith.constant 0 : i32
    %c0_i32_3 = arith.constant 0 : i32
    return %get3A_1, %c0_i32, %c0_i32_2 : i32, i32, i32
  }
  func.func @transform_5(%arg0: i32, %arg1: memref<16xi32, #tpu.memory_space<smem>>, %arg2: memref<1xi32, #tpu.memory_space<smem>>) -> (i32, i32) {
    %c0_i32 = arith.constant 0 : i32
    %c0_i32_0 = arith.constant 0 : i32
    return %arg0, %c0_i32 : i32, i32
  }
}

module attributes {stable_mosaic.version = 14 : i64} {
  func.func @_final_body(%arg0: i32, %arg1: memref<512x1xf32, #tpu.memory_space<vmem>>, %arg2: memref<512x1xf32, #tpu.memory_space<vmem>>, %arg3: memref<512x512xi32, #tpu.memory_space<vmem>>, %arg4: memref<512x512xi32, #tpu.memory_space<vmem>>, %arg5: memref<512x512xi32, #tpu.memory_space<vmem>>, %arg6: memref<512x1024xf32, #tpu.memory_space<vmem>>) attributes {dimension_semantics = [#tpu.dimension_semantics<arbitrary>], iteration_bounds = array<i64: 4>, scalar_prefetch = 0 : i64, scratch_operands = 0 : i64, tpu.core_type = #tpu.core_type<tc>, window_params = [{transform_indices = @transform_0, window_bounds = array<i64: 512, 1>}, {transform_indices = @transform_1, window_bounds = array<i64: 512, 1>}, {transform_indices = @transform_2, window_bounds = array<i64: 512, 512>}, {transform_indices = @transform_3, window_bounds = array<i64: 512, 512>}, {transform_indices = @transform_4, window_bounds = array<i64: 512, 512>}, {transform_indices = @transform_5, window_bounds = array<i64: 512, 1024>}]} {
    %get3A = arith.constant 0 : index
    %get3A_0 = arith.constant 0 : index
    %get3A_1 = vector.load %arg1[%get3A, %get3A_0] : memref<512x1xf32, #tpu.memory_space<vmem>>, vector<512x1xf32>
    %get3A_2 = arith.constant 0 : index
    %get3A_3 = arith.constant 0 : index
    %get3A_4 = vector.load %arg3[%get3A_2, %get3A_3] : memref<512x512xi32, #tpu.memory_space<vmem>>, vector<512x512xi32>
    %shift_left3A = arith.constant 16 : i32
    %shift_left3A_5 = vector.broadcast %shift_left3A : i32 to vector<512x512xi32>
    %shift_left3A_6 = arith.shli %get3A_4, %shift_left3A_5 : vector<512x512xi32>
    %bitcast_convert_type3A = tpu.bitcast %shift_left3A_6 : vector<512x512xi32> -> vector<512x512xf32>
    %and3A = arith.constant -65536 : i32
    %and3A_7 = vector.broadcast %and3A : i32 to vector<512x512xi32>
    %and3A_8 = arith.andi %get3A_4, %and3A_7 : vector<512x512xi32>
    %bitcast_convert_type3A_9 = tpu.bitcast %and3A_8 : vector<512x512xi32> -> vector<512x512xf32>
    %concatenate3A = tpu.concatenate %bitcast_convert_type3A, %bitcast_convert_type3A_9 in 1 : vector<512x512xf32>, vector<512x512xf32> -> vector<512x1024xf32>
    %mul3A = vector.broadcast %get3A_1 : vector<512x1xf32> to vector<512x1024xf32>
    %mul3A_10 = arith.mulf %mul3A, %concatenate3A : vector<512x1024xf32>
    %get3A_11 = arith.constant 0 : index
    %get3A_12 = arith.constant 0 : index
    %get3A_13 = vector.load %arg2[%get3A_11, %get3A_12] : memref<512x1xf32, #tpu.memory_space<vmem>>, vector<512x1xf32>
    %get3A_14 = arith.constant 0 : index
    %get3A_15 = arith.constant 0 : index
    %get3A_16 = vector.load %arg4[%get3A_14, %get3A_15] : memref<512x512xi32, #tpu.memory_space<vmem>>, vector<512x512xi32>
    %shift_left3A_17 = arith.constant 16 : i32
    %shift_left3A_18 = vector.broadcast %shift_left3A_17 : i32 to vector<512x512xi32>
    %shift_left3A_19 = arith.shli %get3A_16, %shift_left3A_18 : vector<512x512xi32>
    %bitcast_convert_type3A_20 = tpu.bitcast %shift_left3A_19 : vector<512x512xi32> -> vector<512x512xf32>
    %and3A_21 = arith.constant -65536 : i32
    %and3A_22 = vector.broadcast %and3A_21 : i32 to vector<512x512xi32>
    %and3A_23 = arith.andi %get3A_16, %and3A_22 : vector<512x512xi32>
    %bitcast_convert_type3A_24 = tpu.bitcast %and3A_23 : vector<512x512xi32> -> vector<512x512xf32>
    %concatenate3A_25 = tpu.concatenate %bitcast_convert_type3A_20, %bitcast_convert_type3A_24 in 1 : vector<512x512xf32>, vector<512x512xf32> -> vector<512x1024xf32>
    %mul3A_26 = vector.broadcast %get3A_13 : vector<512x1xf32> to vector<512x1024xf32>
    %mul3A_27 = arith.mulf %mul3A_26, %concatenate3A_25 : vector<512x1024xf32>
    %add3A = arith.addf %mul3A_10, %mul3A_27 : vector<512x1024xf32>
    %get3A_28 = arith.constant 0 : index
    %get3A_29 = arith.constant 0 : index
    %get3A_30 = vector.load %arg5[%get3A_28, %get3A_29] : memref<512x512xi32, #tpu.memory_space<vmem>>, vector<512x512xi32>
    %shift_left3A_31 = arith.constant 16 : i32
    %shift_left3A_32 = vector.broadcast %shift_left3A_31 : i32 to vector<512x512xi32>
    %shift_left3A_33 = arith.shli %get3A_30, %shift_left3A_32 : vector<512x512xi32>
    %bitcast_convert_type3A_34 = tpu.bitcast %shift_left3A_33 : vector<512x512xi32> -> vector<512x512xf32>
    %and3A_35 = arith.constant -65536 : i32
    %and3A_36 = vector.broadcast %and3A_35 : i32 to vector<512x512xi32>
    %and3A_37 = arith.andi %get3A_30, %and3A_36 : vector<512x512xi32>
    %bitcast_convert_type3A_38 = tpu.bitcast %and3A_37 : vector<512x512xi32> -> vector<512x512xf32>
    %concatenate3A_39 = tpu.concatenate %bitcast_convert_type3A_34, %bitcast_convert_type3A_38 in 1 : vector<512x512xf32>, vector<512x512xf32> -> vector<512x1024xf32>
    %add3A_40 = arith.addf %add3A, %concatenate3A_39 : vector<512x1024xf32>
    %swap3A = arith.constant 0 : index
    %swap3A_41 = arith.constant 0 : index
    %swap3A_42 = vector.load %arg6[%swap3A, %swap3A_41] : memref<512x1024xf32, #tpu.memory_space<vmem>>, vector<512x1024xf32>
    tpu.vector_store %arg6[%swap3A, %swap3A_41], %add3A_40 {strides = array<i32>} : memref<512x1024xf32, #tpu.memory_space<vmem>>, vector<512x1024xf32>,
    return
  }
  func.func @transform_0(%arg0: i32) -> (i32, i32) {
    %c0_i32 = arith.constant 0 : i32
    %c0_i32_0 = arith.constant 0 : i32
    return %arg0, %c0_i32 : i32, i32
  }
  func.func @transform_1(%arg0: i32) -> (i32, i32) {
    %c0_i32 = arith.constant 0 : i32
    %c0_i32_0 = arith.constant 0 : i32
    return %arg0, %c0_i32 : i32, i32
  }
  func.func @transform_2(%arg0: i32) -> (i32, i32) {
    %c0_i32 = arith.constant 0 : i32
    %c0_i32_0 = arith.constant 0 : i32
    return %arg0, %c0_i32 : i32, i32
  }
  func.func @transform_3(%arg0: i32) -> (i32, i32) {
    %c0_i32 = arith.constant 0 : i32
    %c0_i32_0 = arith.constant 0 : i32
    return %arg0, %c0_i32 : i32, i32
  }
  func.func @transform_4(%arg0: i32) -> (i32, i32) {
    %c0_i32 = arith.constant 0 : i32
    %c0_i32_0 = arith.constant 0 : i32
    return %arg0, %c0_i32 : i32, i32
  }
  func.func @transform_5(%arg0: i32) -> (i32, i32) {
    %c0_i32 = arith.constant 0 : i32
    %c0_i32_0 = arith.constant 0 : i32
    return %arg0, %c0_i32 : i32, i32
  }
}

</mosaic_0001>

<sc_bundles>
// kernel: kernel.11.cloned.1.call-start
scs
__scs_entry_jumppad:
0x0: {  	(pc) =	sbr.rel $0x88, $3  }
0x1: {  	(tag) =	ssettag $0x0;
	lr =	simm.s32 $0x1  }
0x2: {  	[smem:$0x3F93] =	sst lr;
	_ =	strace $0xD0000000  }
0x3: {  	_ = 	snop  }
0x4: {  	_ = 	snop  }
0x5: {  	_ = 	snop  }
0x6: {  	_ = 	snop  }
0x7: {  	_ = 	snop  }
__scs_overlays_trampoline_lowered:
0x8: {  	[smem:$0x3FA2] =	sst s0  }
0x9: {  	[smem:$0x3FA3] =	sst s1  }
0xa: {  	[smem:$0x3FA4] =	sst s2  }
0xb: {  	[smem:$0x3FA5] =	sst s3  }
0xc: {  	[smem:$0x3FA6] =	sst s4  }
0xd: {  	[smem:$0x3FA7] =	sst s5  }
0xe: {  	[smem:$0x3FA8] =	sst s6  }
0xf: {  	[smem:$0x3FA9] =	sst s7  }
0x10: {  	[smem:$0x3FAA] =	sst s8  }
0x11: {  	[smem:$0x3FAB] =	sst s9;
	s0 =	simm.s32 @!p0 $0x0  }
0x12: {  	s1 =	sld [smem:$0x3F91];
	s0 =	simm.s32 @p0 $0x1  }
0x13: {  	[smem:$0x3FAC] =	sst s0;
	s0 =	simm.s32 @!p1 $0x0  }
0x14: {  	s2 =	sld [smem:$0x3F90];
	s0 =	simm.s32 @p1 $0x1  }
0x15: {  	[smem:$0x3FAD] =	sst s0;
	s0 =	simm.s32 @!p2 $0x0  }
0x16: {  	s3 =	sld [smem:$0x3FDB];
	s0 =	simm.s32 @p2 $0x1  }
0x17: {  	s4 =	simm.s32 $0x1BF5;
	[smem:$0x3FAF] =	sst s0  }
0x18: {  	s0 =	sld [smem:$0x3F92];
	_ =	swait.ge [sflag:s4], $0x0  }
0x19: {  	s7 =	sld [smem:$0x3F93]  }
0x1a: {  	s8 =	sadd.s32 $0xFFFFE003, lr  }
0x1b: {  	s9 =	sadd.s32 $0xFFFFFEF7, lr;
	s5 =	simm.s32 $0xFFFFFFFF;
	p2 =	slt.u32 s8, $0xFFFFF086  }
0x1c: {  	p1 =	slt.u32 s9, $0xF7A;
	s5 =	simm.s32 @!p2 $0x0  }
0x1d: {  	s5 =	simm.s32 @p1 $0x1;
	p0 =	seq.s32 s7, s2  }
0x1e: {  	s7 =	smul.u32 @!p0 $0xF7A, s2;
	p2 =	seq.s32 @!p0 s5, $0x0  }
0x1f: {  	s9 =	smul.u32 $0xF7A, s1;
	s8 =	simm.s32 @!p0 $0x1BF5;
	p2 =	por !p2, p0  }
0x20: {  	[sflag:s8] =	ssyncset.s32 @!p0 $0xFFFFF086;
	s6 =	sadd.s32 @!p0 s3, s7;
	s7 =	simm.s32 @!p0 $0x108  }
0x21: {  	s3 =	sadd.s32 s3, s9;
	s6 =	sadd.s32 @!p0 $0x88, s6;
	s7 =	simm.s32 @p2 $0x1082  }
0x22: {  	[simem:s7], [sflag:s8] =	dma.local @!p0 [hbm:s6], $0xF7A  }
0x23: {  	s9 =	sor.u32 $0xD0000000, s2;
	s6 =	simm.s32 $0x108;
	_ =	swait.ge @!p0 [sflag:s8], $0x0  }
0x24: {  	s3 =	sadd.s32 $0x88, s3;
	s6 =	simm.s32 @!p1 $0x1082;
	[sflag:s4] =	ssyncset.s32 $0xFFFFF086  }
0x25: {  	[simem:s6], [sflag:s4] =	dma.local [hbm:s3], $0xF7A  }
0x26: {  	[smem:$0x3F93] =	sst s1;
	(tag) =	ssettag s2;
	_ =	strace s9  }
0x27: {  	s1 =	sld [smem:$0x3FA3]  }
0x28: {  	s2 =	sld [smem:$0x3FA4]  }
0x29: {  	s4 =	sld [smem:$0x3FA6]  }
0x2a: {  	p0 =	seq.s32 s5, $0x0;
	s5 =	sld [smem:$0x3FA7]  }
0x2b: {  	s6 =	sld [smem:$0x3FA8]  }
0x2c: {  	s7 =	sld [smem:$0x3FA9]  }
0x2d: {  	s3 =	simm.s32 $0x108;
	s8 =	sld [smem:$0x3FAA]  }
0x2e: {  	s3 =	simm.s32 @!p0 $0x1082;
	s9 =	sld [smem:$0x3FAB]  }
0x2f: {  	lr =	sadd.s32 s0, s3;
	s0 =	sld [smem:$0x3FA2]  }
0x30: {  	s3 =	sld [smem:$0x3FA5]  }
0x31: {  	[smem:$0x3FAE] =	sst s10  }
0x32: {  	s10 =	sld [smem:$0x3FAC];
	_ =	sdelay $0x3  }
0x33: {  	p0 =	seq.s32 s10, $0x1;
	s10 =	sld [smem:$0x3FAE];
	_ =	sdelay $0x3  }
0x34: {  	[smem:$0x3FAE] =	sst s10  }
0x35: {  	s10 =	sld [smem:$0x3FAD];
	_ =	sdelay $0x3  }
0x36: {  	p1 =	seq.s32 s10, $0x1;
	s10 =	sld [smem:$0x3FAE];
	_ =	sdelay $0x3  }
0x37: {  	[smem:$0x3FAE] =	sst s10  }
0x38: {  	s10 =	sld [smem:$0x3FAF]  }
0x39: {  	_ = 	snop;
	(pc) =	sbr.ind lr, $3  }
0x3a: {  	_ = 	snop  }
0x3b: {  	_ = 	snop  }
0x3c: {  	p2 =	seq.s32 s10, $0x1;
	s10 =	sld [smem:$0x3FAE]  }
0x3d: {  	_ =	shalt  }
0x3e: {  	_ =	shalt  }
0x3f: {  	_ =	shalt  }
0x40: {  	_ =	shalt  }
0x41: {  	_ =	shalt  }
0x42: {  	_ =	shalt  }
0x43: {  	_ =	shalt  }
0x44: {  	_ =	shalt  }
0x45: {  	_ =	shalt  }
0x46: {  	_ =	shalt  }
0x47: {  	_ =	shalt  }
0x48: {  	_ =	shalt  }
0x49: {  	_ =	shalt  }
0x4a: {  	_ =	shalt  }
0x4b: {  	_ =	shalt  }
0x4c: {  	_ =	shalt  }
0x4d: {  	_ =	shalt  }
0x4e: {  	_ =	shalt  }
0x4f: {  	_ =	shalt  }
0x50: {  	_ =	shalt  }
0x51: {  	_ =	shalt  }
0x52: {  	_ =	shalt  }
0x53: {  	_ =	shalt  }
0x54: {  	_ =	shalt  }
0x55: {  	_ =	shalt  }
0x56: {  	_ =	shalt  }
0x57: {  	_ =	shalt  }
0x58: {  	_ =	shalt  }
0x59: {  	_ =	shalt  }
0x5a: {  	_ =	shalt  }
0x5b: {  	_ =	shalt  }
0x5c: {  	_ =	shalt  }
0x5d: {  	_ =	shalt  }
0x5e: {  	_ =	shalt  }
0x5f: {  	_ =	shalt  }
0x60: {  	_ =	shalt  }
0x61: {  	_ =	shalt  }
0x62: {  	_ =	shalt  }
0x63: {  	_ =	shalt  }
0x64: {  	_ =	shalt  }
0x65: {  	_ =	shalt  }
0x66: {  	_ =	shalt  }
0x67: {  	_ =	shalt  }
0x68: {  	_ =	shalt  }
0x69: {  	_ =	shalt  }
0x6a: {  	_ =	shalt  }
0x6b: {  	_ =	shalt  }
0x6c: {  	_ =	shalt  }
0x6d: {  	_ =	shalt  }
0x6e: {  	_ =	shalt  }
0x6f: {  	_ =	shalt  }
0x70: {  	_ =	shalt  }
0x71: {  	_ =	shalt  }
0x72: {  	_ =	shalt  }
0x73: {  	_ =	shalt  }
0x74: {  	_ =	shalt  }
0x75: {  	_ =	shalt  }
0x76: {  	_ =	shalt  }
0x77: {  	_ =	shalt  }
0x78: {  	_ =	shalt  }
0x79: {  	_ =	shalt  }
0x7a: {  	_ =	shalt  }
0x7b: {  	_ =	shalt  }
0x7c: {  	_ =	shalt  }
0x7d: {  	_ =	shalt  }
0x7e: {  	_ =	shalt  }
0x7f: {  	_ =	shalt  }
0x80: {  	_ =	shalt  }
0x81: {  	_ =	shalt  }
0x82: {  	_ =	shalt  }
0x83: {  	_ =	shalt  }
0x84: {  	_ =	shalt  }
0x85: {  	_ =	shalt  }
0x86: {  	_ =	shalt  }
0x87: {  	_ =	shalt  }
.Lfunc_end0:
.L_simem_size_0:
called_computation.1_lowered:
.L_overlay_start_0:
0x88: {  	s2 =	sld [smem:$0x3FD9]  }
0x89: {  	s3 =	sld [smem:$0x3FFE];
	_ =	sdelay $0x1  }
0x8a: {  	s1 =	srdreg.scid  }
0x8b: {  	s0 =	sand.u32 $0x1, s1  }
0x8c: {  	s16 =	sshll.u32 s0, $0xA;
	s2 =	sadd.s32 s3, s2  }
0x8d: {  	s2 =	sadd.s32 s2, s16  }
0x8e: {  	[smem:$0x3FBA] =	sst s2  }
0x8f: {  	_ = 	snop  }
0x90: {  	(tm) =	ssettm $0x1  }
0x91: {  	s17 =	sld [smem:$0x3FFB];
	_ =	sdelay $0x3  }
0x92: {  	_ =	strace s17  }
0x93: {  	s2 =	sld [smem:$0x3FFC];
	_ =	sdelay $0x3  }
0x94: {  	_ =	strace s2  }
0x95: {  	s2 =	sld [smem:$0x3FFD];
	_ =	sdelay $0x3  }
0x96: {  	_ =	strace s2  }
0x97: {  	_ =	strace $0x8FFFFFFF  }
0x98: {  	s18 =	sld [smem:$0x3FDB];
	_ =	sdelay $0x1  }
0x99: {  	s19 =	simm.s32 $_scs_section_size  }
0x9a: {  	s4 =	simm.s32 $_size__tile_overlayer_lowered;
	s5 =	simm.s32 $_tile_overlayer_lowered  }
0x9b: {  	s22 =	simm.s32 $0x1BFF;
	s21 =	sshll.u32 s5, $0x1;
	s2 =	sadd.s32 s19, s18  }
0x9c: {  	s6 =	simm.s32 $0x0;
	s20 =	sshll.u32 s4, $0x1;
	s4 =	sadd.s32 s21, s2  }
0x9d: {  	[timem:s6], [sflag:s22] =	dma.local [hbm:s4], s20  }
0x9e: {  	_ =	swait.ge [sflag:s22], s20  }
0x9f: {  	s3 =	ssub.s32 $0x0, s20;
	[sflag:s22] =	ssyncset.done $0x0  }
0xa0: {  	[sflag:s22] =	ssyncadd.s32 s3;
	_ =	sdelay $0x1  }
0xa1: {  	s23 =	simm.s32 $0x1B8B  }
0xa2: {  	_ =	swait.ge [sflag:s23], $0x1  }
0xa3: {  	[sflag:s23] =	ssyncset.done $0x0  }
0xa4: {  	s25 =	simm.s32 $0x1B8E;
	s24 =	sld [smem:$0x3FFE];
	[sflag:s23] =	ssyncadd.s32 $0xFFFFFFFF  }
0xa5: {  	s26 =	simm.s32 $execute0_lowered;
	[smem:$0x3FD2] =	sst s25  }
0xa6: {  	s4 =	sshll.u32 s26, $0x1;
	_ =	strace $0x80000049;
	[dreg:$0x1] =	wrdreg $0xFFFFFFFF  }
0xa7: {  	s28 =	simm.s32 $_size_execute0_lowered;
	s2 =	sadd.s32 s2, s4;
	[dreg:$0x0] =	wrdreg $0x0  }
0xa8: {  	s4 =	sshll.u32 s28, $0x1;
	[dreg:$0x2] =	wrdreg s2  }
0xa9: {  	[dreg:$0x3] =	wrdreg s4  }
0xaa: {  	[dreg:$0x4] =	wrdreg $0xC0  }
0xab: {  	_ =	task [dreg:s6], $0x5FFFF  }
0xac: {  	[dreg:$0x1] =	wrdreg $0xFFFFFFFF  }
0xad: {  	[dreg:$0x0] =	wrdreg $0x60  }
0xae: {  	[dreg:$0x2] =	wrdreg s24  }
0xaf: {  	[dreg:$0x3] =	wrdreg $0x9  }
0xb0: {  	_ =	task.clear_ibuf [dreg:s6], $0x4FFFF;
	_ =	strace $0x90000049  }
0xb1: {  	s29 =	simm.s32 $0x9;
	_ =	strace $0x8000004B  }
0xb2: {  	_ =	swait.ge [sflag:s29], $0x1  }
0xb3: {  	[sflag:s29] =	ssyncadd.s32 $0xFFFFFFFF  }
0xb4: {  	_ =	strace $0x9000004B  }
0xb5: {  	_ =	sfence  }
0xb6: {  	s30 =	sld [smem:$0x0];
	_ =	sdelay $0x2  }
0xb7: {  	s31 =	sshll.u32 s1, $0xD;
	s1 =	sshrl.u32 s1, $0x2  }
0xb8: {  	s3 =	sand.u32 $0x4000, s31;
	s1 =	sadd.s32 s1, s30  }
0xb9: {  	s0 =	sor.u32 s3, s0;
	s1 =	sshll.u32 s1, $0x11  }
0xba: {  	s0 =	sor.u32 s1, s0  }
0xbb: {  	s0 =	sadd.s32 $0x8F2B, s0  }
0xbc: {  	[sflag:s0] =	ssyncadd.remote.s32 $0x1  }
0xbd: {  	_ =	sfence.sel $0xFFFF  }
0xbe: {  	[dreg:$0x0] =	wrdreg $0xFFFFFFFF;
	(pc) =	sbr.abs _section_cstart, $3  }
0xbf: {  	[dreg:$0x1] =	wrdreg $0xFFFFFFFF  }
0xc0: {  	_ =	task.clear_ibuf [dreg:s6], $0x2FFFF;
	_ =	strace $0x9FFFFFFF  }
0xc1: {  	(tm) =	ssettm $0x7FFFFFFF  }
tec
execute0_lowered:
.L_overlay_start_1:
0x0: {  	(tag) =	ssettag $0x1  }
0x1: {  	s1 =	srdreg.scid  }
0x2: {  	s0 =	stileid.u32;
	s4 =	rddreg [dreg:$0x0];
	s16 =	simm.s32 $0x80  }
0x3: {  	s17 =	simm.s32 $0x900;
	s18 =	simm.s32 $0x1100;
	s19 =	simm.s32 $0x1900  }
0x4: {  	s20 =	simm.s32 $0x2100;
	s21 =	simm.s32 $0x2900;
	s1 =	sand.u32 $0x1, s1  }
0x5: {  	s23 =	simm.s32 $0x3100;
	s2 =	sshll.u32 s0, $0x7;
	s3 =	sshll.u32 s1, $0x6  }
0x6: {  	s24 =	simm.s32 $0x3900;
	s3 =	sor.u32 s3, s2;
	s2 =	simm.s32 $0x0  }
0x7: {  	s25 =	simm.s32 $0x4100;
	s26 =	simm.s32 $0x4900;
	[smem:$0x7FF] =	sst s2  }
0x8: {  	s7 =	simm.s32 $0x100;
	_ =	strace $0x8000004A;
	[dreg:$0x6] =	wrdreg s16  }
0x9: {  	s9 =	simm.s32 $0x5900;
	s10 =	simm.s32 $0x6100;
	[dreg:$0x7] =	wrdreg s17  }
0xa: {  	s11 =	simm.s32 $0x6900;
	s12 =	simm.s32 $0x7100;
	[dreg:$0x8] =	wrdreg s18  }
0xb: {  	s13 =	simm.s32 $0x7900;
	s14 =	simm.s32 $0x8100;
	[dreg:$0x9] =	wrdreg s19  }
0xc: {  	s28 =	simm.s32 $0xE900;
	s29 =	simm.s32 $0xF100;
	[dreg:$0xa] =	wrdreg s20  }
0xd: {  	s30 =	simm.s32 $0xF900;
	s1 =	ssub.s32 $0x2, s1;
	[dreg:$0xb] =	wrdreg s21  }
0xe: {  	s31 =	simm.s32 $0x1;
	s22 =	sshrl.u32 s1, $0x1;
	[dreg:$0xc] =	wrdreg s23  }
0xf: {  	s5 =	sshrl.u32 s3, $0x3;
	s3 =	sshll.u32 s3, $0x6;
	[dreg:$0xd] =	wrdreg s24  }
0x10: {  	s1 =	ssub.s32 s1, s22;
	s22 =	simm.s32 $0xC100;
	[dreg:$0xe] =	wrdreg s25  }
0x11: {  	s5 =	sadd.s32 s5, s4;
	s3 =	sadd.s32 s3, s4;
	[dreg:$0xf] =	wrdreg s26  }
0x12: {  	s16 =	simm.s32 $0x9100;
	s17 =	simm.s32 $0x9900;
	s18 =	simm.s32 $0xA100  }
0x13: {  	s19 =	simm.s32 $0xA900;
	s20 =	simm.s32 $0xB100;
	s6 =	sadd.s32 $0x7A600, s5  }
0x14: {  	s21 =	simm.s32 $0xB900;
	s5 =	sadd.s32 $0x7A800, s5;
	[dreg:$0x2] =	wrdreg s6  }
0x15: {  	s23 =	simm.s32 $0xC900;
	s15 =	sadd.s32 $0x7AA00, s3;
	[dreg:$0x3] =	wrdreg s5  }
0x16: {  	s24 =	simm.s32 $0xD100;
	s3 =	sadd.s32 $0x9AA00, s3;
	[dreg:$0x4] =	wrdreg s15  }
0x17: {  	v2 =	vlaneseq.u32;
	s25 =	simm.s32 $0xD900;
	s26 =	simm.s32 $0xE100;
	[dreg:$0x5] =	wrdreg s3  }
0x18: {  	vm0 =	vmmov $0xffff;
	v1 =	vshrl.u32 v2, $0x3;
	s3 =	sadd.s32 $0x1E00, s4;
	s4 =	sadd.s32 $0x1F00, s4;
	s5 =	smax.u32 s1, $0x1  }
0x19: {  	v0 =	vand.u32 $0x7, v2;
	v2 =	vor.u32 $0x8, v2;
	v1 =	vmul.u32 $0x8, v1;
	s6 =	simm.s32 $0x3;
	s15 =	simm.s32 $0x8900;
	s1 =	simm.s32 $0x2  }
.LBB2_1:
0x1a: {  	s0 =	rddreg [dreg:$0x2]  }
0x1b: {  	[tilespmem:s2], [sflag:$0x3] =	stream.linear.gather [hbm4b:s0+s2], $0x40, $0x38;
	[tilespmem:$0x10100] =	vst v63  }
0x1c: {  	_ =	swait.ge [sflag:s6], $0x40  }
0x1d: {  	s0 =	rddreg [dreg:$0x3];
	[sflag:s6] =	ssyncset.done $0x0  }
0x1e: {  	s8 =	rddreg [dreg:$0x6];
	[sflag:s6] =	ssyncadd.s32 $0xFFFFFFC0  }
0x1f: {  	[tilespmem:s8], [sflag:$0x3] =	stream.linear.gather [hbm4b:s0+s2], $0x40, $0x38;
	[tilespmem:$0x10100] =	vst v63  }
0x20: {  	_ =	swait.ge [sflag:s6], $0x40  }
0x21: {  	[sflag:s6] =	ssyncset.done $0x0  }
0x22: {  	[sflag:s6] =	ssyncadd.s32 $0xFFFFFFC0  }
0x23: {  	v3 =	vld [tilespmem:$0x0];
	_ =	sdelay $0x4  }
0x24: {  	v4 =	vshll.u32 v3, $0x2  }
0x25: {  	v3 =	vand.u32 $0x7, v3;
	v4 =	vand.u32 $0xFFFFFFE0, v4  }
0x26: {  	v3 =	vor.u32 v3, v4  }
0x27: {  	v4 =	vperm.xlane v3, v0;
	_ =	sdelay $0x1  }
0x28: {  	v4 =	vadd.s32 v1, v4;
	_ =	sdelay $0x1  }
0x29: {  	v3 =	vperm.xlane v3, v2;
	_ =	sdelay $0x1  }
0x2a: {  	v3 =	vadd.s32 v1, v3  }
0x2b: {  	[tilespmem:s7], [sflag:$0x1] =	stream.indirect_vreg.gather [hbm4b:s3+s2], $0x80, v4, vm0, $0xb8;
	[tilespmem:$0x10100] =	vst v63  }
0x2c: {  	s0 =	rddreg [dreg:$0x7]  }
0x2d: {  	[tilespmem:s0], [sflag:$0x1] =	stream.indirect_vreg.gather [hbm4b:s4+s2], $0x80, v4, vm0, $0xb8;
	[tilespmem:$0x10100] =	vst v63  }
0x2e: {  	s8 =	rddreg [dreg:$0x8]  }
0x2f: {  	[tilespmem:s8], [sflag:$0x1] =	stream.indirect_vreg.gather [hbm4b:s3+s2], $0x80, v3, vm0, $0xb8;
	[tilespmem:$0x10100] =	vst v63  }
0x30: {  	s0 =	rddreg [dreg:$0x9]  }
0x31: {  	[tilespmem:s0], [sflag:$0x1] =	stream.indirect_vreg.gather [hbm4b:s4+s2], $0x80, v3, vm0, $0xb8;
	[tilespmem:$0x10100] =	vst v63  }
0x32: {  	v3 =	vld [tilespmem:$0x10];
	_ =	sdelay $0x4  }
0x33: {  	v57 =	vshll.u32 v3, $0x2  }
0x34: {  	v3 =	vand.u32 $0x7, v3;
	v4 =	vand.u32 $0xFFFFFFE0, v57  }
0x35: {  	v3 =	vor.u32 v3, v4  }
0x36: {  	v4 =	vperm.xlane v3, v0;
	_ =	sdelay $0x1  }
0x37: {  	v4 =	vadd.s32 v1, v4;
	_ =	sdelay $0x1  }
0x38: {  	v3 =	vperm.xlane v3, v2;
	_ =	sdelay $0x1  }
0x39: {  	s0 =	rddreg [dreg:$0xa];
	v3 =	vadd.s32 v1, v3  }
0x3a: {  	[tilespmem:s0], [sflag:$0x1] =	stream.indirect_vreg.gather [hbm4b:s3+s2], $0x80, v4, vm0, $0xb8;
	[tilespmem:$0x10100] =	vst v63  }
0x3b: {  	s8 =	rddreg [dreg:$0xb]  }
0x3c: {  	[tilespmem:s8], [sflag:$0x1] =	stream.indirect_vreg.gather [hbm4b:s4+s2], $0x80, v4, vm0, $0xb8;
	[tilespmem:$0x10100] =	vst v63  }
0x3d: {  	s0 =	rddreg [dreg:$0xc]  }
0x3e: {  	[tilespmem:s0], [sflag:$0x1] =	stream.indirect_vreg.gather [hbm4b:s3+s2], $0x80, v3, vm0, $0xb8;
	[tilespmem:$0x10100] =	vst v63  }
0x3f: {  	s8 =	rddreg [dreg:$0xd]  }
0x40: {  	[tilespmem:s8], [sflag:$0x1] =	stream.indirect_vreg.gather [hbm4b:s4+s2], $0x80, v3, vm0, $0xb8;
	[tilespmem:$0x10100] =	vst v63  }
0x41: {  	v3 =	vld [tilespmem:$0x20];
	_ =	sdelay $0x4  }
0x42: {  	v58 =	vshll.u32 v3, $0x2  }
0x43: {  	v3 =	vand.u32 $0x7, v3;
	v4 =	vand.u32 $0xFFFFFFE0, v58  }
0x44: {  	v3 =	vor.u32 v3, v4  }
0x45: {  	v4 =	vperm.xlane v3, v0;
	_ =	sdelay $0x1  }
0x46: {  	v4 =	vadd.s32 v1, v4;
	_ =	sdelay $0x1  }
0x47: {  	v3 =	vperm.xlane v3, v2;
	_ =	sdelay $0x1  }
0x48: {  	s0 =	rddreg [dreg:$0xe];
	v3 =	vadd.s32 v1, v3  }
0x49: {  	[tilespmem:s0], [sflag:$0x1] =	stream.indirect_vreg.gather [hbm4b:s3+s2], $0x80, v4, vm0, $0xb8;
	[tilespmem:$0x10100] =	vst v63  }
0x4a: {  	s8 =	rddreg [dreg:$0xf]  }
0x4b: {  	[tilespmem:s8], [sflag:$0x1] =	stream.indirect_vreg.gather [hbm4b:s4+s2], $0x80, v4, vm0, $0xb8;
	[tilespmem:$0x10100] =	vst v63  }
0x4c: {  	s8 =	simm.s32 $0x5100  }
0x4d: {  	[tilespmem:s8], [sflag:$0x1] =	stream.indirect_vreg.gather [hbm4b:s3+s2], $0x80, v3, vm0, $0xb8;
	[tilespmem:$0x10100] =	vst v63  }
0x4e: {  	_ = 	snop  }
0x4f: {  	[tilespmem:s9], [sflag:$0x1] =	stream.indirect_vreg.gather [hbm4b:s4+s2], $0x80, v3, vm0, $0xb8;
	[tilespmem:$0x10100] =	vst v63  }
0x50: {  	v3 =	vld [tilespmem:$0x30];
	_ =	sdelay $0x4  }
0x51: {  	v59 =	vshll.u32 v3, $0x2  }
0x52: {  	v3 =	vand.u32 $0x7, v3;
	v4 =	vand.u32 $0xFFFFFFE0, v59  }
0x53: {  	v3 =	vor.u32 v3, v4  }
0x54: {  	v4 =	vperm.xlane v3, v0;
	_ =	sdelay $0x1  }
0x55: {  	v4 =	vadd.s32 v1, v4;
	_ =	sdelay $0x1  }
0x56: {  	v3 =	vperm.xlane v3, v2;
	_ =	sdelay $0x1  }
0x57: {  	v3 =	vadd.s32 v1, v3  }
0x58: {  	[tilespmem:s10], [sflag:$0x1] =	stream.indirect_vreg.gather [hbm4b:s3+s2], $0x80, v4, vm0, $0xb8;
	[tilespmem:$0x10100] =	vst v63  }
0x59: {  	_ = 	snop  }
0x5a: {  	[tilespmem:s11], [sflag:$0x1] =	stream.indirect_vreg.gather [hbm4b:s4+s2], $0x80, v4, vm0, $0xb8;
	[tilespmem:$0x10100] =	vst v63  }
0x5b: {  	_ = 	snop  }
0x5c: {  	[tilespmem:s12], [sflag:$0x1] =	stream.indirect_vreg.gather [hbm4b:s3+s2], $0x80, v3, vm0, $0xb8;
	[tilespmem:$0x10100] =	vst v63  }
0x5d: {  	_ = 	snop  }
0x5e: {  	[tilespmem:s13], [sflag:$0x1] =	stream.indirect_vreg.gather [hbm4b:s4+s2], $0x80, v3, vm0, $0xb8;
	[tilespmem:$0x10100] =	vst v63  }
0x5f: {  	v3 =	vld [tilespmem:$0x80];
	_ =	sdelay $0x4  }
0x60: {  	v60 =	vshll.u32 v3, $0x2  }
0x61: {  	v3 =	vand.u32 $0x7, v3;
	v4 =	vand.u32 $0xFFFFFFE0, v60  }
0x62: {  	v3 =	vor.u32 v3, v4  }
0x63: {  	v4 =	vperm.xlane v3, v0;
	_ =	sdelay $0x1  }
0x64: {  	v4 =	vadd.s32 v1, v4;
	_ =	sdelay $0x1  }
0x65: {  	v3 =	vperm.xlane v3, v2;
	_ =	sdelay $0x1  }
0x66: {  	v3 =	vadd.s32 v1, v3  }
0x67: {  	[tilespmem:s14], [sflag:$0x2] =	stream.indirect_vreg.gather [hbm4b:s3+s2], $0x80, v4, vm0, $0xb8;
	[tilespmem:$0x10100] =	vst v63  }
0x68: {  	_ = 	snop  }
0x69: {  	[tilespmem:s15], [sflag:$0x2] =	stream.indirect_vreg.gather [hbm4b:s4+s2], $0x80, v4, vm0, $0xb8;
	[tilespmem:$0x10100] =	vst v63  }
0x6a: {  	_ = 	snop  }
0x6b: {  	[tilespmem:s16], [sflag:$0x2] =	stream.indirect_vreg.gather [hbm4b:s3+s2], $0x80, v3, vm0, $0xb8;
	[tilespmem:$0x10100] =	vst v63  }
0x6c: {  	_ = 	snop  }
0x6d: {  	[tilespmem:s17], [sflag:$0x2] =	stream.indirect_vreg.gather [hbm4b:s4+s2], $0x80, v3, vm0, $0xb8;
	[tilespmem:$0x10100] =	vst v63  }
0x6e: {  	v3 =	vld [tilespmem:$0x90];
	_ =	sdelay $0x4  }
0x6f: {  	v61 =	vshll.u32 v3, $0x2  }
0x70: {  	v3 =	vand.u32 $0x7, v3;
	v4 =	vand.u32 $0xFFFFFFE0, v61  }
0x71: {  	v3 =	vor.u32 v3, v4  }
0x72: {  	v4 =	vperm.xlane v3, v0;
	_ =	sdelay $0x1  }
0x73: {  	v4 =	vadd.s32 v1, v4;
	_ =	sdelay $0x1  }
0x74: {  	v3 =	vperm.xlane v3, v2;
	_ =	sdelay $0x1  }
0x75: {  	v3 =	vadd.s32 v1, v3  }
0x76: {  	[tilespmem:s18], [sflag:$0x2] =	stream.indirect_vreg.gather [hbm4b:s3+s2], $0x80, v4, vm0, $0xb8;
	[tilespmem:$0x10100] =	vst v63  }
0x77: {  	_ = 	snop  }
0x78: {  	[tilespmem:s19], [sflag:$0x2] =	stream.indirect_vreg.gather [hbm4b:s4+s2], $0x80, v4, vm0, $0xb8;
	[tilespmem:$0x10100] =	vst v63  }
0x79: {  	_ = 	snop  }
0x7a: {  	[tilespmem:s20], [sflag:$0x2] =	stream.indirect_vreg.gather [hbm4b:s3+s2], $0x80, v3, vm0, $0xb8;
	[tilespmem:$0x10100] =	vst v63  }
0x7b: {  	_ = 	snop  }
0x7c: {  	[tilespmem:s21], [sflag:$0x2] =	stream.indirect_vreg.gather [hbm4b:s4+s2], $0x80, v3, vm0, $0xb8;
	[tilespmem:$0x10100] =	vst v63  }
0x7d: {  	v3 =	vld [tilespmem:$0xA0];
	_ =	sdelay $0x4  }
0x7e: {  	v62 =	vshll.u32 v3, $0x2  }
0x7f: {  	v3 =	vand.u32 $0x7, v3;
	v4 =	vand.u32 $0xFFFFFFE0, v62  }
0x80: {  	v3 =	vor.u32 v3, v4  }
0x81: {  	v4 =	vperm.xlane v3, v0;
	_ =	sdelay $0x1  }
0x82: {  	v4 =	vadd.s32 v1, v4;
	_ =	sdelay $0x1  }
0x83: {  	v3 =	vperm.xlane v3, v2;
	_ =	sdelay $0x1  }
0x84: {  	v3 =	vadd.s32 v1, v3  }
0x85: {  	[tilespmem:s22], [sflag:$0x2] =	stream.indirect_vreg.gather [hbm4b:s3+s2], $0x80, v4, vm0, $0xb8;
	[tilespmem:$0x10100] =	vst v63  }
0x86: {  	_ = 	snop  }
0x87: {  	[tilespmem:s23], [sflag:$0x2] =	stream.indirect_vreg.gather [hbm4b:s4+s2], $0x80, v4, vm0, $0xb8;
	[tilespmem:$0x10100] =	vst v63  }
0x88: {  	_ = 	snop  }
0x89: {  	[tilespmem:s24], [sflag:$0x2] =	stream.indirect_vreg.gather [hbm4b:s3+s2], $0x80, v3, vm0, $0xb8;
	[tilespmem:$0x10100] =	vst v63  }
0x8a: {  	_ = 	snop  }
0x8b: {  	[tilespmem:s25], [sflag:$0x2] =	stream.indirect_vreg.gather [hbm4b:s4+s2], $0x80, v3, vm0, $0xb8;
	[tilespmem:$0x10100] =	vst v63  }
0x8c: {  	v3 =	vld [tilespmem:$0xB0];
	_ =	sdelay $0x4  }
0x8d: {  	v63 =	vshll.u32 v3, $0x2  }
0x8e: {  	v3 =	vand.u32 $0x7, v3;
	v4 =	vand.u32 $0xFFFFFFE0, v63  }
0x8f: {  	v3 =	vor.u32 v3, v4  }
0x90: {  	v4 =	vperm.xlane v3, v0;
	_ =	sdelay $0x1  }
0x91: {  	v4 =	vadd.s32 v1, v4;
	_ =	sdelay $0x1  }
0x92: {  	v3 =	vperm.xlane v3, v2;
	_ =	sdelay $0x1  }
0x93: {  	v3 =	vadd.s32 v1, v3  }
0x94: {  	[tilespmem:s26], [sflag:$0x2] =	stream.indirect_vreg.gather [hbm4b:s3+s2], $0x80, v4, vm0, $0xb8;
	[tilespmem:$0x10100] =	vst v63  }
0x95: {  	_ = 	snop  }
0x96: {  	[tilespmem:s28], [sflag:$0x2] =	stream.indirect_vreg.gather [hbm4b:s4+s2], $0x80, v4, vm0, $0xb8;
	[tilespmem:$0x10100] =	vst v63  }
0x97: {  	_ = 	snop  }
0x98: {  	[tilespmem:s29], [sflag:$0x2] =	stream.indirect_vreg.gather [hbm4b:s3+s2], $0x80, v3, vm0, $0xb8;
	[tilespmem:$0x10100] =	vst v63  }
0x99: {  	_ = 	snop  }
0x9a: {  	[tilespmem:s30], [sflag:$0x2] =	stream.indirect_vreg.gather [hbm4b:s4+s2], $0x80, v3, vm0, $0xb8;
	[tilespmem:$0x10100] =	vst v63  }
0x9b: {  	_ =	swait.ge [sflag:s31], $0x8000  }
0x9c: {  	[sflag:s31] =	ssyncset.done $0x0  }
0x9d: {  	s8 =	rddreg [dreg:$0x4];
	[sflag:s31] =	ssyncadd.s32 $0xFFFF8000  }
0x9e: {  	[hbm4b:s8+s2] =	stream.linear.scatter [tilespmem:s7], [sflag:$0x3], $0x8000, $0x38;
	[tilespmem:$0x10100] =	vst v63  }
0x9f: {  	_ =	swait.ge [sflag:s6], $0x8000  }
0xa0: {  	[sflag:s6] =	ssyncset.done $0x0  }
0xa1: {  	[sflag:s6] =	ssyncadd.s32 $0xFFFF8000  }
0xa2: {  	_ =	swait.ge [sflag:s1], $0x8000  }
0xa3: {  	p0 =	sne.s32 s5, $0x1;
	[sflag:s1] =	ssyncset.done $0x0  }
.Ltmp0:
0xa4: {  	s8 =	rddreg [dreg:$0x5];
	[sflag:s1] =	ssyncadd.s32 $0xFFFF8000;
	(pc) =	sbr.rel @p0 .LBB2_1-.Ltmp0, $4  }
0xa5: {  	[hbm4b:s8+s2] =	stream.linear.scatter [tilespmem:s14], [sflag:$0x3], $0x8000, $0x38;
	[tilespmem:$0x10100] =	vst v63  }
0xa6: {  	_ =	swait.ge [sflag:s6], $0x8000  }
0xa7: {  	[sflag:s6] =	ssyncset.done $0x0  }
0xa8: {  	s5 =	sadd.s32 $0xFFFFFFFF, s5;
	[sflag:s6] =	ssyncadd.s32 $0xFFFF8000  }
0xa9: {  	_ =	sfence.sel $0x180000  }
0xaa: {  	[bflag:$0x0] =	sbarrier.arrive $0xFFFF  }
0xab: {  	_ =	strace $0x9000004A  }
0xac: {  	s0 =	stileid.u32;
	[bflag:$0x2] =	sbarrier.arrive $0xFFFF  }
0xad: {  	p0 =	sne.s32 s0, $0x0;
	s0 =	rddreg [dreg:$0x1]  }
0xae: {  	s0 =	sadd.s32 @!p0 $0x100000, s0  }
0xaf: {  	[sflag:s0] =	ssyncadd.tile.s32 @!p0 $0x1;
	_ =	shalt  }
.Lfunc_end2:
_tile_overlayer_lowered:
.L_overlay_start_2:
0xb0: {  	(tag) =	ssettag $0x2  }
0xb1: {  	s0 =	rddreg [dreg:$0x0];
	s2 =	stileid.u32  }
0xb2: {  	s1 =	rddreg [dreg:$0x1];
	p0 =	sne.s32 s2, $0x0  }
0xb3: {  	s3 =	rddreg [dreg:$0x2];
	[bflag:$0x3] =	sbarrier.arrive $0xFFFF;
	s2 =	simm.s32 @!p0 $0x1C03  }
0xb4: {  	[timem:s3], [sflag:s2] =	dma.local @!p0 [hbm:s0], s1  }
0xb5: {  	s0 =	simm.s32 @!p0 $0x3  }
0xb6: {  	_ =	swait.ge @!p0 [sflag:s0], s1  }
0xb7: {  	s1 =	ssub.s32 @!p0 $0x0, s1;
	[sflag:s0] =	ssyncset.done @!p0 $0x0  }
0xb8: {  	[sflag:s0] =	ssyncadd.s32 @!p0 s1  }
0xb9: {  	[bflag:$0x3] =	sbarrier.arrive $0xFFFF  }
0xba: {  	_ =	shalt  }

// kernel: kernel.8.cloned.1.call-start
scs
__scs_entry_jumppad:
0x0: {  	(pc) =	sbr.rel $0x88, $3  }
0x1: {  	(tag) =	ssettag $0x0;
	lr =	simm.s32 $0x1  }
0x2: {  	[smem:$0x3F93] =	sst lr;
	_ =	strace $0xD0000000  }
0x3: {  	_ = 	snop  }
0x4: {  	_ = 	snop  }
0x5: {  	_ = 	snop  }
0x6: {  	_ = 	snop  }
0x7: {  	_ = 	snop  }
__scs_overlays_trampoline_lowered:
0x8: {  	[smem:$0x3FA2] =	sst s0  }
0x9: {  	[smem:$0x3FA3] =	sst s1  }
0xa: {  	[smem:$0x3FA4] =	sst s2  }
0xb: {  	[smem:$0x3FA5] =	sst s3  }
0xc: {  	[smem:$0x3FA6] =	sst s4  }
0xd: {  	[smem:$0x3FA7] =	sst s5  }
0xe: {  	[smem:$0x3FA8] =	sst s6  }
0xf: {  	[smem:$0x3FA9] =	sst s7  }
0x10: {  	[smem:$0x3FAA] =	sst s8  }
0x11: {  	[smem:$0x3FAB] =	sst s9;
	s0 =	simm.s32 @!p0 $0x0  }
0x12: {  	s1 =	sld [smem:$0x3F91];
	s0 =	simm.s32 @p0 $0x1  }
0x13: {  	[smem:$0x3FAC] =	sst s0;
	s0 =	simm.s32 @!p1 $0x0  }
0x14: {  	s2 =	sld [smem:$0x3F90];
	s0 =	simm.s32 @p1 $0x1  }
0x15: {  	[smem:$0x3FAD] =	sst s0;
	s0 =	simm.s32 @!p2 $0x0  }
0x16: {  	s3 =	sld [smem:$0x3FDB];
	s0 =	simm.s32 @p2 $0x1  }
0x17: {  	s4 =	simm.s32 $0x1BF5;
	[smem:$0x3FAF] =	sst s0  }
0x18: {  	s0 =	sld [smem:$0x3F92];
	_ =	swait.ge [sflag:s4], $0x0  }
0x19: {  	s7 =	sld [smem:$0x3F93]  }
0x1a: {  	s8 =	sadd.s32 $0xFFFFE003, lr  }
0x1b: {  	s9 =	sadd.s32 $0xFFFFFEF7, lr;
	s5 =	simm.s32 $0xFFFFFFFF;
	p2 =	slt.u32 s8, $0xFFFFF086  }
0x1c: {  	p1 =	slt.u32 s9, $0xF7A;
	s5 =	simm.s32 @!p2 $0x0  }
0x1d: {  	s5 =	simm.s32 @p1 $0x1;
	p0 =	seq.s32 s7, s2  }
0x1e: {  	s7 =	smul.u32 @!p0 $0xF7A, s2;
	p2 =	seq.s32 @!p0 s5, $0x0  }
0x1f: {  	s9 =	smul.u32 $0xF7A, s1;
	s8 =	simm.s32 @!p0 $0x1BF5;
	p2 =	por !p2, p0  }
0x20: {  	[sflag:s8] =	ssyncset.s32 @!p0 $0xFFFFF086;
	s6 =	sadd.s32 @!p0 s3, s7;
	s7 =	simm.s32 @!p0 $0x108  }
0x21: {  	s3 =	sadd.s32 s3, s9;
	s6 =	sadd.s32 @!p0 $0x88, s6;
	s7 =	simm.s32 @p2 $0x1082  }
0x22: {  	[simem:s7], [sflag:s8] =	dma.local @!p0 [hbm:s6], $0xF7A  }
0x23: {  	s9 =	sor.u32 $0xD0000000, s2;
	s6 =	simm.s32 $0x108;
	_ =	swait.ge @!p0 [sflag:s8], $0x0  }
0x24: {  	s3 =	sadd.s32 $0x88, s3;
	s6 =	simm.s32 @!p1 $0x1082;
	[sflag:s4] =	ssyncset.s32 $0xFFFFF086  }
0x25: {  	[simem:s6], [sflag:s4] =	dma.local [hbm:s3], $0xF7A  }
0x26: {  	[smem:$0x3F93] =	sst s1;
	(tag) =	ssettag s2;
	_ =	strace s9  }
0x27: {  	s1 =	sld [smem:$0x3FA3]  }
0x28: {  	s2 =	sld [smem:$0x3FA4]  }
0x29: {  	s4 =	sld [smem:$0x3FA6]  }
0x2a: {  	p0 =	seq.s32 s5, $0x0;
	s5 =	sld [smem:$0x3FA7]  }
0x2b: {  	s6 =	sld [smem:$0x3FA8]  }
0x2c: {  	s7 =	sld [smem:$0x3FA9]  }
0x2d: {  	s3 =	simm.s32 $0x108;
	s8 =	sld [smem:$0x3FAA]  }
0x2e: {  	s3 =	simm.s32 @!p0 $0x1082;
	s9 =	sld [smem:$0x3FAB]  }
0x2f: {  	lr =	sadd.s32 s0, s3;
	s0 =	sld [smem:$0x3FA2]  }
0x30: {  	s3 =	sld [smem:$0x3FA5]  }
0x31: {  	[smem:$0x3FAE] =	sst s10  }
0x32: {  	s10 =	sld [smem:$0x3FAC];
	_ =	sdelay $0x3  }
0x33: {  	p0 =	seq.s32 s10, $0x1;
	s10 =	sld [smem:$0x3FAE];
	_ =	sdelay $0x3  }
0x34: {  	[smem:$0x3FAE] =	sst s10  }
0x35: {  	s10 =	sld [smem:$0x3FAD];
	_ =	sdelay $0x3  }
0x36: {  	p1 =	seq.s32 s10, $0x1;
	s10 =	sld [smem:$0x3FAE];
	_ =	sdelay $0x3  }
0x37: {  	[smem:$0x3FAE] =	sst s10  }
0x38: {  	s10 =	sld [smem:$0x3FAF]  }
0x39: {  	_ = 	snop;
	(pc) =	sbr.ind lr, $3  }
0x3a: {  	_ = 	snop  }
0x3b: {  	_ = 	snop  }
0x3c: {  	p2 =	seq.s32 s10, $0x1;
	s10 =	sld [smem:$0x3FAE]  }
0x3d: {  	_ =	shalt  }
0x3e: {  	_ =	shalt  }
0x3f: {  	_ =	shalt  }
0x40: {  	_ =	shalt  }
0x41: {  	_ =	shalt  }
0x42: {  	_ =	shalt  }
0x43: {  	_ =	shalt  }
0x44: {  	_ =	shalt  }
0x45: {  	_ =	shalt  }
0x46: {  	_ =	shalt  }
0x47: {  	_ =	shalt  }
0x48: {  	_ =	shalt  }
0x49: {  	_ =	shalt  }
0x4a: {  	_ =	shalt  }
0x4b: {  	_ =	shalt  }
0x4c: {  	_ =	shalt  }
0x4d: {  	_ =	shalt  }
0x4e: {  	_ =	shalt  }
0x4f: {  	_ =	shalt  }
0x50: {  	_ =	shalt  }
0x51: {  	_ =	shalt  }
0x52: {  	_ =	shalt  }
0x53: {  	_ =	shalt  }
0x54: {  	_ =	shalt  }
0x55: {  	_ =	shalt  }
0x56: {  	_ =	shalt  }
0x57: {  	_ =	shalt  }
0x58: {  	_ =	shalt  }
0x59: {  	_ =	shalt  }
0x5a: {  	_ =	shalt  }
0x5b: {  	_ =	shalt  }
0x5c: {  	_ =	shalt  }
0x5d: {  	_ =	shalt  }
0x5e: {  	_ =	shalt  }
0x5f: {  	_ =	shalt  }
0x60: {  	_ =	shalt  }
0x61: {  	_ =	shalt  }
0x62: {  	_ =	shalt  }
0x63: {  	_ =	shalt  }
0x64: {  	_ =	shalt  }
0x65: {  	_ =	shalt  }
0x66: {  	_ =	shalt  }
0x67: {  	_ =	shalt  }
0x68: {  	_ =	shalt  }
0x69: {  	_ =	shalt  }
0x6a: {  	_ =	shalt  }
0x6b: {  	_ =	shalt  }
0x6c: {  	_ =	shalt  }
0x6d: {  	_ =	shalt  }
0x6e: {  	_ =	shalt  }
0x6f: {  	_ =	shalt  }
0x70: {  	_ =	shalt  }
0x71: {  	_ =	shalt  }
0x72: {  	_ =	shalt  }
0x73: {  	_ =	shalt  }
0x74: {  	_ =	shalt  }
0x75: {  	_ =	shalt  }
0x76: {  	_ =	shalt  }
0x77: {  	_ =	shalt  }
0x78: {  	_ =	shalt  }
0x79: {  	_ =	shalt  }
0x7a: {  	_ =	shalt  }
0x7b: {  	_ =	shalt  }
0x7c: {  	_ =	shalt  }
0x7d: {  	_ =	shalt  }
0x7e: {  	_ =	shalt  }
0x7f: {  	_ =	shalt  }
0x80: {  	_ =	shalt  }
0x81: {  	_ =	shalt  }
0x82: {  	_ =	shalt  }
0x83: {  	_ =	shalt  }
0x84: {  	_ =	shalt  }
0x85: {  	_ =	shalt  }
0x86: {  	_ =	shalt  }
0x87: {  	_ =	shalt  }
.Lfunc_end0:
.L_simem_size_0:
called_computation_lowered:
.L_overlay_start_0:
0x88: {  	s2 =	sld [smem:$0x3FD9]  }
0x89: {  	s3 =	sld [smem:$0x3FFE];
	_ =	sdelay $0x1  }
0x8a: {  	s1 =	srdreg.scid  }
0x8b: {  	s0 =	sand.u32 $0x1, s1  }
0x8c: {  	s17 =	sshll.u32 s0, $0xA;
	s2 =	sadd.s32 s3, s2  }
0x8d: {  	s2 =	sadd.s32 s2, s17  }
0x8e: {  	[smem:$0x3FBA] =	sst s2  }
0x8f: {  	_ = 	snop  }
0x90: {  	s2 =	sld [smem:$0x3FD0];
	(tm) =	ssettm $0x1  }
0x91: {  	s18 =	sld [smem:$0x3FFB];
	_ =	sdelay $0x3  }
0x92: {  	_ =	strace s18  }
0x93: {  	s3 =	sld [smem:$0x3FFC];
	_ =	sdelay $0x3  }
0x94: {  	_ =	strace s3  }
0x95: {  	s3 =	sld [smem:$0x3FFD];
	_ =	sdelay $0x3  }
0x96: {  	_ =	strace s3  }
0x97: {  	_ =	strace $0x8FFFFFFF  }
0x98: {  	s19 =	sld [smem:$0x3FDB];
	_ =	sdelay $0x1  }
0x99: {  	s4 =	simm.s32 $_scs_section_size  }
0x9a: {  	s5 =	simm.s32 $_size__tile_overlayer_lowered;
	s6 =	simm.s32 $_tile_overlayer_lowered  }
0x9b: {  	s22 =	simm.s32 $0x1BFF;
	s21 =	sshll.u32 s6, $0x1;
	s3 =	sadd.s32 s4, s19  }
0x9c: {  	s7 =	simm.s32 $0x0;
	s20 =	sshll.u32 s5, $0x1;
	s5 =	sadd.s32 s21, s3  }
0x9d: {  	[timem:s7], [sflag:s22] =	dma.local [hbm:s5], s20  }
0x9e: {  	_ =	swait.ge [sflag:s22], s20  }
0x9f: {  	s4 =	ssub.s32 $0x0, s20;
	[sflag:s22] =	ssyncset.done $0x0  }
0xa0: {  	[sflag:s22] =	ssyncadd.s32 s4;
	_ =	sdelay $0x1  }
0xa1: {  	s23 =	simm.s32 $0x1B8B  }
0xa2: {  	_ =	swait.ge [sflag:s23], $0x1  }
0xa3: {  	[sflag:s23] =	ssyncset.done $0x0  }
0xa4: {  	s25 =	simm.s32 $0x1B8E;
	s24 =	sld [smem:$0x3FFE];
	[sflag:s23] =	ssyncadd.s32 $0xFFFFFFFF  }
0xa5: {  	s26 =	simm.s32 $execute0_lowered;
	[smem:$0x3FD2] =	sst s25  }
0xa6: {  	s5 =	sshll.u32 s26, $0x1;
	_ =	strace $0x80000046;
	[dreg:$0x1] =	wrdreg $0xFFFFFFFF  }
0xa7: {  	s28 =	simm.s32 $_size_execute0_lowered;
	s3 =	sadd.s32 s3, s5;
	[dreg:$0x0] =	wrdreg $0x0  }
0xa8: {  	s5 =	sshll.u32 s28, $0x1;
	[dreg:$0x2] =	wrdreg s3  }
0xa9: {  	[dreg:$0x3] =	wrdreg s5  }
0xaa: {  	[dreg:$0x4] =	wrdreg $0xC0  }
0xab: {  	_ =	task [dreg:s7], $0x5FFFF  }
0xac: {  	[dreg:$0x1] =	wrdreg $0xFFFFFFFF  }
0xad: {  	[dreg:$0x0] =	wrdreg $0x60  }
0xae: {  	[dreg:$0x2] =	wrdreg s2  }
0xaf: {  	[dreg:$0x3] =	wrdreg s24  }
0xb0: {  	[dreg:$0x4] =	wrdreg $0x9  }
0xb1: {  	_ =	task.clear_ibuf [dreg:s7], $0x5FFFF;
	_ =	strace $0x90000046  }
0xb2: {  	s29 =	simm.s32 $0x9;
	_ =	strace $0x80000048  }
0xb3: {  	_ =	swait.ge [sflag:s29], $0x1  }
0xb4: {  	[sflag:s29] =	ssyncadd.s32 $0xFFFFFFFF  }
0xb5: {  	_ =	strace $0x90000048  }
0xb6: {  	_ =	sfence  }
0xb7: {  	s30 =	sld [smem:$0x0];
	_ =	sdelay $0x2  }
0xb8: {  	s31 =	sshll.u32 s1, $0xD;
	s1 =	sshrl.u32 s1, $0x2  }
0xb9: {  	s3 =	sand.u32 $0x4000, s31;
	s1 =	sadd.s32 s1, s30  }
0xba: {  	s0 =	sor.u32 s3, s0;
	s1 =	sshll.u32 s1, $0x11  }
0xbb: {  	s0 =	sor.u32 s1, s0  }
0xbc: {  	s0 =	sadd.s32 $0x8F2B, s0  }
0xbd: {  	[sflag:s0] =	ssyncadd.remote.s32 $0x1  }
0xbe: {  	_ =	sfence.sel $0xFFFF  }
0xbf: {  	[dreg:$0x0] =	wrdreg $0xFFFFFFFF;
	(pc) =	sbr.abs _section_cstart, $3  }
0xc0: {  	[dreg:$0x1] =	wrdreg $0xFFFFFFFF  }
0xc1: {  	_ =	task.clear_ibuf [dreg:s7], $0x2FFFF;
	_ =	strace $0x9FFFFFFF  }
0xc2: {  	(tm) =	ssettm $0x7FFFFFFF  }
0xc3: {  	_ =	shalt  }
tec
execute0_lowered:
.L_overlay_start_1:
0x0: {  	(tag) =	ssettag $0x1  }
0x1: {  	s3 =	rddreg [dreg:$0x0];
	s1 =	srdreg.scid  }
0x2: {  	s0 =	stileid.u32;
	s4 =	rddreg [dreg:$0x1];
	s2 =	simm.s32 $0x0  }
0x3: {  	s26 =	simm.s32 $0x8000;
	s28 =	simm.s32 $0x8080;
	s29 =	simm.s32 $0x8100  }
0x4: {  	s30 =	simm.s32 $0x8180;
	s31 =	simm.s32 $0x8200;
	s9 =	simm.s32 $0x1800  }
0x5: {  	s10 =	simm.s32 $0x2000;
	s11 =	simm.s32 $0x2800;
	s12 =	simm.s32 $0x3000  }
0x6: {  	s13 =	simm.s32 $0x3800;
	s5 =	sand.u32 $0x1, s1;
	s1 =	rddreg [dreg:$0x2]  }
0x7: {  	s14 =	simm.s32 $0x4000;
	s15 =	simm.s32 $0x4800;
	[smem:$0x7FF] =	sst s2  }
0x8: {  	s16 =	simm.s32 $0x5000;
	_ =	strace $0x80000047;
	[dreg:$0x9] =	wrdreg s26  }
0x9: {  	s17 =	simm.s32 $0x5800;
	s18 =	simm.s32 $0x6000;
	[dreg:$0xa] =	wrdreg s28  }
0xa: {  	s19 =	simm.s32 $0x6800;
	s6 =	sshll.u32 s0, $0x1;
	[dreg:$0xb] =	wrdreg s29  }
0xb: {  	s20 =	simm.s32 $0x7000;
	s6 =	sor.u32 s5, s6;
	[dreg:$0xc] =	wrdreg s30  }
0xc: {  	s5 =	ssub.s32 $0x2, s5;
	[dreg:$0xd] =	wrdreg s31;
	s7 =	sshll.u32 s6, $0x3  }
0xd: {  	s8 =	sshll.u32 s6, $0xC;
	s6 =	sshll.u32 s6, $0x4;
	s25 =	sshrl.u32 s5, $0x1  }
0xe: {  	s7 =	sadd.s32 s7, s4;
	s3 =	sadd.s32 s3, s8;
	s6 =	sadd.s32 s6, s4  }
0xf: {  	s5 =	ssub.s32 s5, s25;
	[dreg:$0x3] =	wrdreg s3;
	s21 =	sadd.s32 $0x2400, s7  }
0x10: {  	s8 =	simm.s32 $0x1000;
	s22 =	sadd.s32 $0x2200, s7;
	[dreg:$0x4] =	wrdreg s21  }
0x11: {  	s6 =	sadd.s32 $0x2000, s6;
	s3 =	sadd.s32 $0x2600, s4;
	[dreg:$0x5] =	wrdreg s22  }
0x12: {  	v0 =	vimm.s32 $0x0;
	s23 =	sadd.s32 $0x7A600, s7;
	s24 =	sadd.s32 $0x7A800, s7;
	[dreg:$0x6] =	wrdreg s6  }
0x13: {  	vm0 =	vmmov $0x1;
	v1 =	vimm.s32 $0x0;
	v3 =	vlaneseq.u32;
	s4 =	sadd.s32 $0x2700, s4;
	s5 =	smax.u32 s5, $0x1;
	[dreg:$0x7] =	wrdreg s23  }
0x14: {  	vm1 =	vmmov $0xffff;
	v1 =	vsel vm0, $0xFFFFFFFF, v1;
	v2 =	vshrl.u32 v3, $0x3;
	s7 =	simm.s32 $0x800;
	[dreg:$0x8] =	wrdreg s24;
	s6 =	simm.s32 $0x3  }
0x15: {  	[tilespmem:$0x1FFF0] =	vst v1;
	v1 =	vand.u32 $0x7, v3;
	v2 =	vmul.u32 $0x8, v2;
	v3 =	vor.u32 $0x8, v3;
	s21 =	simm.s32 $0x7800;
	s22 =	simm.s32 $0x1;
	s23 =	simm.s32 $0x2  }
.LBB2_1:
0x16: {  	s24 =	rddreg [dreg:$0x3]  }
0x17: {  	[tilespmem:s2], [sflag:$0x3] =	stream.linear.gather [hbm4b:s24+s2], $0x8000, $0x38;
	[tilespmem:$0x8280] =	vst v63  }
0x18: {  	_ =	swait.ge [sflag:s6], $0x8000  }
0x19: {  	s26 =	rddreg [dreg:$0x4];
	[sflag:s6] =	ssyncset.done $0x0  }
0x1a: {  	s25 =	rddreg [dreg:$0x9];
	[sflag:s6] =	ssyncadd.s32 $0xFFFF8000  }
0x1b: {  	[tilespmem:s25], [sflag:$0x3] =	stream.linear.gather [hbm4b:s26+s2], $0x40, $0x38;
	[tilespmem:$0x8280] =	vst v63  }
0x1c: {  	_ =	swait.ge [sflag:s6], $0x40  }
0x1d: {  	s28 =	rddreg [dreg:$0x5];
	[sflag:s6] =	ssyncset.done $0x0  }
0x1e: {  	s29 =	rddreg [dreg:$0xa];
	[sflag:s6] =	ssyncadd.s32 $0xFFFFFFC0  }
0x1f: {  	[tilespmem:s29], [sflag:$0x3] =	stream.linear.gather [hbm4b:s28+s2], $0x40, $0x38;
	[tilespmem:$0x8280] =	vst v63  }
0x20: {  	_ =	swait.ge [sflag:s6], $0x40  }
0x21: {  	s30 =	rddreg [dreg:$0x6];
	[sflag:s6] =	ssyncset.done $0x0  }
0x22: {  	s31 =	rddreg [dreg:$0xb];
	[sflag:s6] =	ssyncadd.s32 $0xFFFFFFC0  }
0x23: {  	[tilespmem:s31], [sflag:$0x3] =	stream.linear.gather [hbm4b:s30+s2], $0x80, $0x38;
	[tilespmem:$0x8280] =	vst v63  }
0x24: {  	_ =	swait.ge [sflag:s6], $0x80  }
0x25: {  	[sflag:s6] =	ssyncset.done $0x0  }
0x26: {  	v6 =	vld [tilespmem:$0x1FFF0];
	[sflag:s6] =	ssyncadd.s32 $0xFFFFFF80  }
0x27: {  	v4 =	vld [tilespmem:$0x8100]  }
0x28: {  	v5 =	vld [tilespmem:$0x8000];
	_ =	sdelay $0x3  }
0x29: {  	vm0 =	vnez.u8 v6  }
0x2a: {  	v6 =	vnsel vm0, $0x0, v4;
	vm0 =	veq.s32 v5, $0x0;
	v5 =	vld [tilespmem:$0x8010];
	_ =	sdelay $0x1  }
0x2b: {  	(xrf0) =	vadd.scan.msk.s32 $0xffff, v6;
	v50 =	vsel vm0, $0x1, v0  }
0x2c: {  	(xrf0) =	vadd.scan.msk.s32 $0xffff, v50;
	_ =	sdelay $0x1  }
0x2d: {  	vm2 =	veq.s32 v5, $0x0  }
0x2e: {  	v5 =	vsel vm2, $0x1, v0;
	_ =	sdelay $0x1  }
0x2f: {  	v51, _, _ =	vpop (xrf0);
	(xrf0) =	vadd.scan.msk.s32 $0xffff, v5  }
0x30: {  	(v2sf) =	vpush v51, $0xF;
	v5, _, _ =	vpop (xrf0)  }
0x31: {  	(v2sf) =	vpush v5, $0xF;
	_ =	sdelay $0x3  }
0x32: {  	v7, _, _ =	vpop (xrf0)  }
0x33: {  	(v2sf) =	vpush v7, $0xF;
	_ =	sdelay $0x5  }
0x34: {  	[tilespmem:$0x8180] =	vst v0  }
0x35: {  	[tilespmem:$0x8200] =	vst v0  }
0x36: {  	[tilespmem:$0x8190] =	vst v0;
	v8 =	vld [tilespmem:$0x8180];
	v6 =	vbroadcast v51, $0xF  }
0x37: {  	[tilespmem:$0x8210] =	vst v0;
	v10 =	vld [tilespmem:$0x8190];
	v9 =	vsel vm0, $0xFFFFFFFF, v0;
	s25 =	spop (v2sf)  }
0x38: {  	[tilespmem:$0x81A0] =	vst v0;
	v52 =	vsel vm2, $0xFFFFFFFF, v0;
	v6 =	vadd.s32 v9, v6;
	s26 =	spop (v2sf)  }
0x39: {  	[tilespmem:$0x8220] =	vst v0;
	v5 =	vadd.s32 v5, v6;
	v53 =	vadd.s32 v52, v7;
	s24 =	sadd.s32 s25, s26  }
0x3a: {  	[tilespmem:$0x81B0] =	vst v0;
	v5 =	vnsel vm0, $0x0, v5;
	v6 =	vadd.s32 s24, v53  }
0x3b: {  	[tilespmem:$0x8230] =	vst v0;
	v5 =	vadd.s32 v8, v5;
	v6 =	vnsel vm2, $0x0, v6  }
0x3c: {  	[tilespmem:$0x8180] =	vst v5;
	v5 =	vadd.s32 v10, v6  }
0x3d: {  	s28 =	spop (v2sf);
	[tilespmem:$0x8190] =	vst v5  }
0x3e: {  	v5 =	vld [tilespmem:$0x8020];
	_ =	sdelay $0x3  }
0x3f: {  	v54 =	vld [tilespmem:$0x8030]  }
0x40: {  	vm3 =	veq.s32 v5, $0x0;
	v5 =	vld [tilespmem:$0x8080]  }
0x41: {  	v56 =	vld [tilespmem:$0x8090]  }
0x42: {  	v58 =	vld [tilespmem:$0x80A0];
	v55 =	vsel vm3, $0x1, v0  }
0x43: {  	v59 =	vld [tilespmem:$0x80B0];
	(xrf0) =	vadd.scan.msk.s32 $0xffff, v55  }
0x44: {  	v62 =	vld [tilespmem:$0x8000];
	vm2 =	veq.s32 v54, $0x0  }
0x45: {  	v21 =	vld [tilespmem:$0x8010];
	v57 =	vsel vm2, $0x1, v0;
	vm10 =	veq.s32 v5, $0x0  }
0x46: {  	v24 =	vld [tilespmem:$0x8020];
	(xrf0) =	vadd.scan.msk.s32 $0xffff, v57;
	v5 =	vsel vm10, $0x1, v0  }
0x47: {  	v26 =	vld [tilespmem:$0x8030]  }
0x48: {  	v43 =	vld [tilespmem:$0x80B0];
	vm7 =	veq.s32 v56, $0x0;
	(xrf0) =	vadd.scan.msk.s32 $0xffff, v5  }
0x49: {  	vm4 =	vcmask $0x308;
	v6 =	vsel vm7, $0x1, v0;
	v5, _, _ =	vpop (xrf0)  }
0x4a: {  	v23 =	vsel vm4, $0x0, v4;
	vm0 =	veq.s32 v58, $0x0;
	(xrf0) =	vadd.scan.msk.s32 $0xffff, v6;
	(v2sf) =	vpush v5, $0xF  }
0x4b: {  	vm9 =	veq.s32 v59, $0x0;
	vm6 =	veq.s32 v62, $0x1;
	v60 =	vsel vm0, $0x1, v0  }
0x4c: {  	vm8 =	veq.s32 v21, $0x1;
	vm5 =	veq.s32 v24, $0x1;
	vm4 =	veq.s32 v26, $0x1;
	v54 =	vld [tilespmem:$0x8020];
	v61, _, _ =	vpop (xrf0);
	(xrf0) =	vadd.scan.msk.s32 $0xffff, v60  }
0x4d: {  	vm13 =	veq.s32 v43, $0x1;
	v59 =	vld [tilespmem:$0x8030];
	v22 =	vsel vm9, $0x1, v0;
	(v2sf) =	vpush v61, $0xF  }
0x4e: {  	v62 =	vld [tilespmem:$0x8080];
	v25 =	vsel vm6, $0x1, v0;
	v7 =	vsel vm8, $0x1, v0;
	v13 =	vsel vm3, $0xFFFFFFFF, v0;
	v63, _, _ =	vpop (xrf0)  }
0x4f: {  	v28 =	vsel vm5, $0x1, v0;
	v30 =	vsel vm2, $0xFFFFFFFF, v0;
	(xrf0) =	vadd.scan.msk.s32 $0xffff, v22;
	(v2sf) =	vpush v63, $0xF  }
0x50: {  	v29 =	vld [tilespmem:$0x8080];
	v10 =	vsel vm4, $0x1, v0;
	v35 =	vsel vm7, $0xFFFFFFFF, v0;
	v42 =	vsel vm0, $0xFFFFFFFF, v0;
	(xrf0) =	vadd.scan.msk.s32 $0xffff, v23;
	v11, _, _ =	vpop (xrf0)  }
0x51: {  	v14 =	vld [tilespmem:$0x81A0];
	v44 =	vsel vm9, $0xFFFFFFFF, v0;
	v52 =	vsel vm8, $0xFFFFFFFF, v0;
	(v2sf) =	vpush v11, $0xF  }
0x52: {  	v58 =	vsel vm5, $0xFFFFFFFF, v0;
	v24 =	vsel vm4, $0xFFFFFFFF, v0;
	vm14 =	veq.s32 v54, $0x2;
	v12, _, _ =	vpop (xrf0);
	(xrf0) =	vadd.scan.msk.s32 $0xffff, v25  }
0x53: {  	s24 =	sadd.s32 s24, s28;
	vm12 =	veq.s32 v59, $0x2;
	vm11 =	veq.s32 v62, $0x2;
	v5 =	vadd.s32 v13, v5;
	(xrf0) =	vadd.scan.msk.s32 $0xffff, v7  }
0x54: {  	v32 =	vsel vm10, $0xFFFFFFFF, v0;
	v5 =	vadd.s32 s24, v5;
	(v2sf) =	vpush v12, $0xF  }
0x55: {  	v5 =	vnsel vm3, $0x0, v5;
	vm3 =	veq.s32 v29, $0x1;
	v29 =	vsel vm14, $0x1, v0;
	v27, _, _ =	vpop (xrf0);
	(xrf0) =	vadd.scan.msk.s32 $0xffff, v28  }
0x56: {  	v43 =	vld [tilespmem:$0x80B0];
	v5 =	vadd.s32 v14, v5;
	v33 =	vsel vm3, $0x1, v0;
	v9 =	vadd.s32 v32, v63;
	v15, _, _ =	vpop (xrf0)  }
0x57: {  	v50 =	vld [tilespmem:$0x8180];
	[tilespmem:$0x81A0] =	vst v5;
	v5 =	vsel vm6, $0xFFFFFFFF, v0;
	(v2sf) =	vpush v15, $0xF;
	v15 =	vbroadcast v15, $0xF  }
0x58: {  	v17 =	vld [tilespmem:$0x8090];
	v32 =	vsel vm3, $0xFFFFFFFF, v0;
	v36 =	vadd.s32 v35, v11;
	v7 =	vadd.s32 v30, v61;
	v16, _, _ =	vpop (xrf0)  }
0x59: {  	v31 =	vld [tilespmem:$0x81B0];
	v12 =	vadd.s32 v42, v12;
	(xrf0) =	vadd.scan.msk.s32 $0xffff, v10;
	v5 =	vadd.s32 v5, v15;
	v19, _, _ =	vpop (xrf0);
	s29 =	spop (v2sf);
	(v2sf) =	vpush v16, $0xF  }
0x5a: {  	v18 =	vld [tilespmem:$0x8200];
	v6 =	vadd.s32 v44, v27;
	v5 =	vadd.s32 v16, v5;
	v14 =	vadd.s32 v52, v19  }
0x5b: {  	v46 =	vld [tilespmem:$0x8000];
	v21, _, _ =	vpop (xrf0);
	v5 =	vnsel vm6, $0x0, v5;
	vm6 =	veq.s32 v43, $0x2;
	s24 =	sadd.s32 s24, s29;
	(v2sf) =	vpush v19, $0xF  }
0x5c: {  	v34 =	vld [tilespmem:$0x80A0];
	v5 =	vadd.s32 v50, v5;
	v61 =	vadd.s32 v58, v21;
	s30 =	spop (v2sf);
	v7 =	vadd.s32 s24, v7  }
0x5d: {  	v59 =	vsel vm6, $0x1, v0;
	s24 =	sadd.s32 s24, s30;
	(v2sf) =	vpush v21, $0xF;
	v7 =	vnsel vm2, $0x0, v7  }
0x5e: {  	(xrf0) =	vadd.scan.msk.s32 $0xffff, v33;
	v9 =	vadd.s32 s24, v9;
	vm2 =	veq.s32 v17, $0x1;
	v17 =	vsel vm13, $0x1, v0;
	s31 =	spop (v2sf)  }
0x5f: {  	v45, _, _ =	vpop (xrf0);
	v38 =	vsel vm2, $0x1, v0;
	v7 =	vadd.s32 v31, v7;
	v39 =	vnsel vm10, $0x0, v9;
	s24 =	sadd.s32 s24, s31  }
0x60: {  	v20 =	vld [tilespmem:$0x8210];
	vm10 =	veq.s32 v46, $0x2;
	v26 =	vadd.s32 v24, v45;
	v40 =	vadd.s32 s24, v36;
	s26 =	spop (v2sf)  }
0x61: {  	v37 =	vld [tilespmem:$0x8220];
	(xrf0) =	vadd.scan.msk.s32 $0xffff, v38;
	v8 =	vadd.s32 v18, v39;
	v9 =	vnsel vm7, $0x0, v40;
	s24 =	sadd.s32 s24, s26;
	vm7 =	veq.s32 v34, $0x1  }
0x62: {  	v48 =	vld [tilespmem:$0x8010];
	v53 =	vsel vm10, $0x1, v0;
	v13 =	vsel vm7, $0x1, v0;
	v12 =	vadd.s32 s24, v12  }
0x63: {  	v41 =	vld [tilespmem:$0x8230];
	s28 =	spop (v2sf);
	(v2sf) =	vpush v45, $0xF;
	(xrf0) =	vadd.scan.msk.s32 $0xffff, v13;
	v12 =	vnsel vm0, $0x0, v12;
	vm0 =	vcmask $0x70C  }
0x64: {  	v47, _, _ =	vpop (xrf0);
	v38 =	vsel vm2, $0xFFFFFFFF, v0;
	v54 =	vsel vm10, $0xFFFFFFFF, v0;
	s25 =	sadd.s32 s24, s28;
	(xrf0) =	vadd.scan.msk.s32 $0xffff, v17;
	v51 =	vsel vm0, $0x0, v4  }
0x65: {  	v9 =	vadd.s32 v20, v9;
	(v2sf) =	vpush v47, $0xF;
	v6 =	vadd.s32 s25, v6;
	(xrf0) =	vadd.scan.msk.s32 $0xffff, v51  }
0x66: {  	v34 =	vsel vm12, $0x1, v0;
	[tilespmem:$0x8210] =	vst v9;
	v9 =	vadd.s32 v32, v47;
	v6 =	vnsel vm9, $0x0, v6  }
0x67: {  	v11 =	vadd.s32 v37, v12;
	s29 =	spop (v2sf);
	vm9 =	veq.s32 v48, $0x2;
	v37 =	vsel vm11, $0x1, v0;
	v49, _, _ =	vpop (xrf0)  }
0x68: {  	v22 =	vld [tilespmem:$0x8190];
	vm0 =	vcmask $0xB10;
	v6 =	vadd.s32 v41, v6;
	(v2sf) =	vpush v49, $0xF;
	(xrf0) =	vadd.scan.msk.s32 $0xffff, v53;
	s30 =	spop (v2sf)  }
0x69: {  	v57 =	vld [tilespmem:$0x81A0];
	[tilespmem:$0x8180] =	vst v5;
	v56 =	vsel vm9, $0x1, v0;
	v41 =	vsel vm7, $0xFFFFFFFF, v0;
	v10 =	vadd.s32 v38, v49;
	v55, _, _ =	vpop (xrf0);
	s24 =	sadd.s32 s29, s30  }
0x6a: {  	v48 =	vld [tilespmem:$0x8000];
	v49 =	vsel vm13, $0xFFFFFFFF, v0;
	(xrf0) =	vadd.scan.msk.s32 $0xffff, v56;
	(v2sf) =	vpush v55, $0xF;
	s31 =	spop (v2sf);
	v25, _, _ =	vpop (xrf0);
	v14 =	vadd.s32 s24, v14  }
0x6b: {  	v31 =	vld [tilespmem:$0x8090];
	[tilespmem:$0x81B0] =	vst v7;
	v13 =	vadd.s32 v41, v55;
	s24 =	sadd.s32 s24, s31;
	v28, _, _ =	vpop (xrf0);
	v5 =	vadd.s32 v49, v25;
	v14 =	vnsel vm8, $0x0, v14  }
0x6c: {  	v27 =	vld [tilespmem:$0x81B0];
	s26 =	spop (v2sf);
	v63 =	vadd.s32 s24, v61;
	(v2sf) =	vpush v28, $0xF;
	v52 =	vbroadcast v28, $0xF  }
0x6d: {  	[tilespmem:$0x8200] =	vst v8;
	s24 =	sadd.s32 s24, s26;
	v61 =	vsel vm0, $0x0, v4;
	v28 =	vsel vm9, $0xFFFFFFFF, v0;
	vm0 =	vcmask $0xF14  }
0x6e: {  	(xrf0) =	vadd.scan.msk.s32 $0xffff, v29;
	v29 =	vld [tilespmem:$0x8030];
	v30, _, _ =	vpop (xrf0);
	v60 =	vadd.s32 v22, v14;
	v7 =	vnsel vm5, $0x0, v63;
	v8 =	vadd.s32 s24, v26  }
0x6f: {  	v35 =	vld [tilespmem:$0x80A0];
	(v2sf) =	vpush v30, $0xF;
	vm5 =	veq.s32 v48, $0x3;
	v7 =	vadd.s32 v57, v7  }
0x70: {  	v36 =	vld [tilespmem:$0x8200];
	v8 =	vnsel vm4, $0x0, v8;
	vm4 =	veq.s32 v31, $0x2;
	v56 =	vadd.s32 v54, v52;
	v33, _, _ =	vpop (xrf0);
	(xrf0) =	vadd.scan.msk.s32 $0xffff, v34  }
0x71: {  	v39 =	vld [tilespmem:$0x8210];
	v8 =	vadd.s32 v27, v8;
	v23 =	vsel vm4, $0x1, v0;
	[tilespmem:$0x81A0] =	vst v7;
	v7 =	vadd.s32 v30, v56  }
0x72: {  	v57 =	vld [tilespmem:$0x8180];
	v27 =	vsel vm5, $0x1, v0;
	v30 =	vsel vm14, $0xFFFFFFFF, v0;
	s28 =	spop (v2sf);
	(v2sf) =	vpush v33, $0xF  }
0x73: {  	v53 =	vld [tilespmem:$0x8010];
	vm15 =	veq.s32 v29, $0x3;
	v29 =	vsel vm0, $0x0, v4;
	vm0 =	vcmask $0x1318;
	(xrf0) =	vadd.scan.msk.s32 $0xffff, v37;
	s24 =	sadd.s32 s24, s28  }
0x74: {  	[tilespmem:$0x8220] =	vst v11;
	v42, _, _ =	vpop (xrf0);
	v31 =	vadd.s32 v28, v33;
	v7 =	vnsel vm10, $0x0, v7;
	s29 =	spop (v2sf);
	v9 =	vadd.s32 s24, v9  }
0x75: {  	(v2sf) =	vpush v42, $0xF;
	(xrf0) =	vadd.scan.msk.s32 $0xffff, v23;
	s24 =	sadd.s32 s24, s29;
	v9 =	vnsel vm3, $0x0, v9;
	vm3 =	veq.s32 v35, $0x2  }
0x76: {  	v40 =	vld [tilespmem:$0x8220];
	[tilespmem:$0x8230] =	vst v6;
	v18 =	vadd.s32 v30, v42;
	v10 =	vadd.s32 s24, v10;
	v46 =	vsel vm3, $0x1, v0  }
0x77: {  	v42 =	vsel vm15, $0x1, v0;
	v7 =	vadd.s32 v57, v7;
	v44 =	vnsel vm2, $0x0, v10;
	s30 =	spop (v2sf);
	v47, _, _ =	vpop (xrf0);
	(xrf0) =	vadd.scan.msk.s32 $0xffff, v46  }
0x78: {  	v9 =	vadd.s32 v36, v9;
	vm2 =	veq.s32 v53, $0x3;
	v6 =	vadd.s32 v39, v44;
	s24 =	sadd.s32 s24, s30;
	(xrf0) =	vadd.scan.msk.s32 $0xffff, v59  }
0x79: {  	v50 =	vld [tilespmem:$0x8230];
	v24 =	vsel vm2, $0x1, v0;
	v44 =	vsel vm11, $0xFFFFFFFF, v0;
	v51, _, _ =	vpop (xrf0);
	v45 =	vadd.s32 s24, v13;
	(xrf0) =	vadd.scan.msk.s32 $0xffff, v61  }
0x7a: {  	v55 =	vld [tilespmem:$0x8020];
	[tilespmem:$0x8190] =	vst v60;
	v46 =	vadd.s32 v44, v51;
	v10 =	vnsel vm7, $0x0, v45;
	s31 =	spop (v2sf);
	(v2sf) =	vpush v47, $0xF  }
0x7b: {  	v58, _, _ =	vpop (xrf0);
	(xrf0) =	vadd.scan.msk.s32 $0xffff, v27;
	v27 =	vsel vm5, $0xFFFFFFFF, v0;
	v10 =	vadd.s32 v40, v10;
	(v2sf) =	vpush v51, $0xF  }
0x7c: {  	(xrf0) =	vadd.scan.msk.s32 $0xffff, v24;
	v40 =	vsel vm12, $0xFFFFFFFF, v0;
	v24 =	vld [tilespmem:$0x8010];
	s24 =	sadd.s32 s24, s31;
	v51 =	vsel vm4, $0xFFFFFFFF, v0;
	(v2sf) =	vpush v58, $0xF  }
0x7d: {  	v37 =	vld [tilespmem:$0x8090];
	[tilespmem:$0x8200] =	vst v9;
	v9 =	vadd.s32 v40, v47;
	v5 =	vadd.s32 s24, v5;
	s25 =	spop (v2sf);
	v63, _, _ =	vpop (xrf0);
	v12 =	vadd.s32 v51, v58  }
0x7e: {  	v60 =	vld [tilespmem:$0x8190];
	v58 =	vsel vm6, $0xFFFFFFFF, v0;
	v5 =	vnsel vm13, $0x0, v5;
	s26 =	spop (v2sf);
	(v2sf) =	vpush v63, $0xF;
	v36, _, _ =	vpop (xrf0)  }
0x7f: {  	v33 =	vld [tilespmem:$0x8080];
	vm13 =	veq.s32 v55, $0x3;
	v55 =	vsel vm3, $0xFFFFFFFF, v0;
	v5 =	vadd.s32 v50, v5;
	s24 =	sadd.s32 s25, s26;
	v39, _, _ =	vpop (xrf0)  }
0x80: {  	v32 =	vsel vm13, $0x1, v0;
	v15 =	vadd.s32 s24, v31;
	v25 =	vbroadcast v39, $0xF  }
0x81: {  	v62 =	vld [tilespmem:$0x81A0];
	(xrf0) =	vadd.scan.msk.s32 $0xffff, v32;
	v32 =	vsel vm2, $0xFFFFFFFF, v0;
	vm10 =	veq.s32 v24, $0x4;
	s28 =	spop (v2sf);
	v34 =	vnsel vm9, $0x0, v15  }
0x82: {  	[tilespmem:$0x81B0] =	vst v8;
	v50 =	vld [tilespmem:$0x80A0];
	v41, _, _ =	vpop (xrf0);
	(v2sf) =	vpush v39, $0xF;
	vm9 =	veq.s32 v37, $0x3;
	v15 =	vadd.s32 v55, v63;
	s25 =	sadd.s32 s24, s28  }
0x83: {  	v43 =	vld [tilespmem:$0x81B0];
	[tilespmem:$0x8180] =	vst v7;
	v38 =	vadd.s32 v60, v34;
	(v2sf) =	vpush v41, $0xF;
	v18 =	vadd.s32 s25, v18  }
0x84: {  	v28 =	vld [tilespmem:$0x8180];
	(xrf0) =	vadd.scan.msk.s32 $0xffff, v42;
	v48, _, _ =	vpop (xrf0);
	v52 =	vsel vm9, $0x1, v0;
	v35 =	vnsel vm14, $0x0, v18;
	vm14 =	veq.s32 v33, $0x3  }
0x85: {  	s29 =	spop (v2sf);
	v7 =	vadd.s32 v27, v25;
	v34 =	vld [tilespmem:$0x8020];
	(v2sf) =	vpush v48, $0xF;
	[tilespmem:$0x8190] =	vst v38;
	v19 =	vsel vm14, $0x1, v0  }
0x86: {  	s24 =	sadd.s32 s25, s29;
	v7 =	vadd.s32 v41, v7;
	v38 =	vsel vm13, $0xFFFFFFFF, v0;
	v41 =	vsel vm15, $0xFFFFFFFF, v0;
	(xrf0) =	vadd.scan.msk.s32 $0xffff, v19  }
0x87: {  	v45 =	vadd.s32 s24, v9;
	vm7 =	veq.s32 v50, $0x3;
	v7 =	vnsel vm5, $0x0, v7  }
0x88: {  	v57 =	vld [tilespmem:$0x80B0];
	[tilespmem:$0x8210] =	vst v6;
	v11 =	vadd.s32 v62, v35;
	v6 =	vnsel vm12, $0x0, v45;
	v59 =	vsel vm7, $0x1, v0  }
0x89: {  	v60 =	vld [tilespmem:$0x8000];
	v35 =	vadd.s32 v32, v48;
	v7 =	vadd.s32 v28, v7;
	v49, _, _ =	vpop (xrf0);
	v6 =	vadd.s32 v43, v6;
	(xrf0) =	vadd.scan.msk.s32 $0xffff, v52;
	s30 =	spop (v2sf)  }
0x8a: {  	v47 =	vld [tilespmem:$0x8200];
	[tilespmem:$0x8220] =	vst v10;
	v56, _, _ =	vpop (xrf0);
	v10 =	vadd.s32 v38, v49;
	vm5 =	veq.s32 v34, $0x4;
	(v2sf) =	vpush v49, $0xF;
	s24 =	sadd.s32 s24, s30;
	s31 =	spop (v2sf)  }
0x8b: {  	v52 =	vsel vm14, $0xFFFFFFFF, v0;
	v9 =	vadd.s32 s24, v46;
	s24 =	sadd.s32 s24, s31;
	s26 =	spop (v2sf);
	(v2sf) =	vpush v56, $0xF  }
0x8c: {  	[tilespmem:$0x8230] =	vst v5;
	v39 =	vld [tilespmem:$0x8030];
	v45 =	vadd.s32 v41, v56;
	v13 =	vsel vm5, $0x1, v0;
	v62, _, _ =	vpop (xrf0);
	v12 =	vadd.s32 s24, v12;
	s24 =	sadd.s32 s24, s26  }
0x8d: {  	v53 =	vld [tilespmem:$0x8210];
	(xrf0) =	vadd.scan.msk.s32 $0xffff, v59;
	v9 =	vnsel vm11, $0x0, v9;
	(v2sf) =	vpush v62, $0xF;
	v5 =	vadd.s32 s24, v15  }
0x8e: {  	v54 =	vld [tilespmem:$0x8220];
	vm11 =	veq.s32 v60, $0x4;
	v5 =	vnsel vm3, $0x0, v5;
	vm3 =	veq.s32 v57, $0x3  }
0x8f: {  	v61 =	vld [tilespmem:$0x8230];
	[tilespmem:$0x81A0] =	vst v11;
	v63, _, _ =	vpop (xrf0);
	v60 =	vsel vm9, $0xFFFFFFFF, v0;
	v9 =	vadd.s32 v47, v9;
	v23 =	vsel vm3, $0x1, v0  }
0x90: {  	s28 =	spop (v2sf);
	v12 =	vnsel vm4, $0x0, v12;
	v15 =	vadd.s32 v58, v36;
	(v2sf) =	vpush v63, $0xF;
	(xrf0) =	vadd.scan.msk.s32 $0xffff, v23  }
0x91: {  	v42 =	vld [tilespmem:$0x8080];
	s24 =	sadd.s32 s24, s28;
	v31 =	vsel vm11, $0x1, v0;
	v36 =	vsel vm10, $0x1, v0;
	vm4 =	veq.s32 v39, $0x4;
	(xrf0) =	vadd.scan.msk.s32 $0xffff, v29  }
0x92: {  	v30 =	vld [tilespmem:$0x8190];
	v38 =	vsel vm11, $0xFFFFFFFF, v0;
	v12 =	vadd.s32 v53, v12;
	v15 =	vadd.s32 s24, v15;
	s29 =	spop (v2sf);
	(xrf0) =	vadd.scan.msk.s32 $0xffff, v31  }
0x93: {  	v44 =	vld [tilespmem:$0x81A0];
	v33, _, _ =	vpop (xrf0);
	v56 =	vsel vm4, $0x1, v0;
	v5 =	vadd.s32 v54, v5;
	v26 =	vnsel vm6, $0x0, v15;
	s30 =	spop (v2sf)  }
0x94: {  	(v2sf) =	vpush v33, $0xF;
	v8 =	vadd.s32 v61, v26;
	[tilespmem:$0x8220] =	vst v5;
	v61 =	vsel vm7, $0xFFFFFFFF, v0;
	s24 =	sadd.s32 s29, s30;
	s31 =	spop (v2sf)  }
0x95: {  	v5 =	vadd.s32 v52, v62;
	v62 =	vadd.s32 v61, v33;
	v33 =	vld [tilespmem:$0x8010];
	v37 =	vadd.s32 s24, v35;
	s24 =	sadd.s32 s24, s31;
	(xrf0) =	vadd.scan.msk.s32 $0xffff, v36  }
0x96: {  	v51 =	vld [tilespmem:$0x8090];
	v40 =	vnsel vm2, $0x0, v37;
	v43 =	vadd.s32 s24, v10;
	vm2 =	veq.s32 v42, $0x4;
	v46, _, _ =	vpop (xrf0)  }
0x97: {  	[tilespmem:$0x81B0] =	vst v6;
	v42 =	vld [tilespmem:$0x8020];
	v11 =	vadd.s32 v30, v40;
	v6 =	vnsel vm13, $0x0, v43;
	v58 =	vsel vm2, $0x1, v0;
	v49, _, _ =	vpop (xrf0)  }
0x98: {  	[tilespmem:$0x8180] =	vst v7;
	v10 =	vadd.s32 v44, v6;
	v6 =	vadd.s32 v60, v63;
	v63 =	vld [tilespmem:$0x80B0];
	(v2sf) =	vpush v49, $0xF;
	v50, _, _ =	vpop (xrf0)  }
0x99: {  	v30 =	vsel vm3, $0xFFFFFFFF, v0;
	v40 =	vsel vm0, $0x0, v4;
	(xrf0) =	vadd.scan.msk.s32 $0xffff, v13;
	s26 =	spop (v2sf);
	(v2sf) =	vpush v50, $0xF  }
0x9a: {  	v28 =	vld [tilespmem:$0x8000];
	[tilespmem:$0x8200] =	vst v9;
	v60 =	vsel vm4, $0xFFFFFFFF, v0;
	vm12 =	veq.s32 v33, $0x5;
	v7 =	vadd.s32 v30, v46;
	s24 =	sadd.s32 s24, s26;
	s28 =	spop (v2sf)  }
0x9b: {  	v48 =	vld [tilespmem:$0x81B0];
	[tilespmem:$0x8210] =	vst v12;
	v46 =	vsel vm12, $0x1, v0;
	v35 =	vbroadcast v49, $0xF;
	v55, _, _ =	vpop (xrf0);
	v47 =	vadd.s32 s24, v45;
	s24 =	sadd.s32 s24, s28  }
0x9c: {  	v30 =	vld [tilespmem:$0x80B0];
	(xrf0) =	vadd.scan.msk.s32 $0xffff, v56;
	vm6 =	veq.s32 v42, $0x5;
	(v2sf) =	vpush v55, $0xF;
	v5 =	vadd.s32 s24, v5  }
0x9d: {  	v59 =	vld [tilespmem:$0x80A0];
	[tilespmem:$0x8230] =	vst v8;
	vm13 =	veq.s32 v63, $0x4;
	v5 =	vnsel vm14, $0x0, v5;
	vm14 =	veq.s32 v51, $0x4  }
0x9e: {  	v53 =	vld [tilespmem:$0x8200];
	(xrf0) =	vadd.scan.msk.s32 $0xffff, v58;
	v8 =	vadd.s32 v38, v35;
	v45 =	vsel vm10, $0xFFFFFFFF, v0;
	s29 =	spop (v2sf);
	v20 =	vsel vm14, $0x1, v0  }
0x9f: {  	v54 =	vld [tilespmem:$0x8210];
	v9 =	vnsel vm15, $0x0, v47;
	v37 =	vsel vm13, $0x1, v0;
	v8 =	vadd.s32 v50, v8;
	s24 =	sadd.s32 s24, s29;
	s30 =	spop (v2sf);
	v26, _, _ =	vpop (xrf0);
	(xrf0) =	vadd.scan.msk.s32 $0xffff, v20  }
0xa0: {  	v63 =	vld [tilespmem:$0x80A0];
	v9 =	vadd.s32 v48, v9;
	v44 =	vnsel vm11, $0x0, v8;
	v48 =	vadd.s32 v45, v55;
	s25 =	sadd.s32 s24, s30  }
0xa1: {  	v35 =	vld [tilespmem:$0x8000];
	vm15 =	veq.s32 v30, $0x5;
	v51 =	vsel vm5, $0xFFFFFFFF, v0;
	v25 =	vadd.s32 s25, v62  }
0xa2: {  	v57 =	vld [tilespmem:$0x8220];
	(v2sf) =	vpush v26, $0xF;
	v29, _, _ =	vpop (xrf0);
	v27 =	vnsel vm7, $0x0, v25;
	vm7 =	veq.s32 v59, $0x4  }
0xa3: {  	v34 =	vld [tilespmem:$0x8230];
	v22 =	vadd.s32 v53, v5;
	(v2sf) =	vpush v29, $0xF;
	v32 =	vsel vm7, $0x1, v0  }
0xa4: {  	v50 =	vld [tilespmem:$0x8080];
	v5 =	vadd.s32 s24, v6;
	v16 =	vadd.s32 v51, v26;
	v51 =	vsel vm6, $0xFFFFFFFF, v0;
	v31, _, _ =	vpop (xrf0);
	(xrf0) =	vadd.scan.msk.s32 $0xffff, v32  }
0xa5: {  	v36 =	vld [tilespmem:$0x8180];
	v5 =	vnsel vm9, $0x0, v5;
	vm9 =	veq.s32 v28, $0x5;
	(v2sf) =	vpush v31, $0xF;
	(xrf0) =	vadd.scan.msk.s32 $0xffff, v37;
	v39, _, _ =	vpop (xrf0)  }
0xa6: {  	[tilespmem:$0x8190] =	vst v11;
	v47 =	vld [tilespmem:$0x8030];
	s31 =	spop (v2sf);
	vm0 =	veq.s32 v63, $0x5;
	vm8 =	veq.s32 v35, $0x6;
	(v2sf) =	vpush v39, $0xF  }
0xa7: {  	s24 =	sadd.s32 s25, s31;
	v6 =	vadd.s32 v54, v5;
	v5 =	vadd.s32 v57, v27;
	v41 =	vsel vm9, $0x1, v0;
	(xrf0) =	vadd.scan.msk.s32 $0xffff, v40;
	s25 =	spop (v2sf)  }
0xa8: {  	v7 =	vadd.s32 s24, v7;
	v57 =	vsel vm6, $0x1, v0;
	v27 =	vsel vm2, $0xFFFFFFFF, v0;
	(xrf0) =	vadd.scan.msk.s32 $0xffff, v41;
	s26 =	spop (v2sf)  }
0xa9: {  	[tilespmem:$0x81A0] =	vst v10;
	v7 =	vnsel vm3, $0x0, v7;
	vm3 =	veq.s32 v50, $0x5;
	v14 =	vadd.s32 v27, v31;
	s24 =	sadd.s32 s25, s26  }
0xaa: {  	v43 =	vld [tilespmem:$0x8190];
	v27 =	vsel vm15, $0x1, v0;
	v8 =	vadd.s32 v34, v7;
	v49, _, _ =	vpop (xrf0);
	(xrf0) =	vadd.scan.msk.s32 $0xffff, v46;
	v10 =	vadd.s32 s24, v48  }
0xab: {  	v54 =	vld [tilespmem:$0x8090];
	v7 =	vadd.s32 v36, v44;
	v53, _, _ =	vpop (xrf0);
	(xrf0) =	vadd.scan.msk.s32 $0xffff, v57;
	v10 =	vnsel vm10, $0x0, v10;
	vm10 =	veq.s32 v47, $0x5  }
0xac: {  	v62 =	vsel vm3, $0x1, v0;
	v36 =	vsel vm7, $0xFFFFFFFF, v0;
	v23 =	vsel vm10, $0x1, v0  }
0xad: {  	v44 =	vsel vm9, $0xFFFFFFFF, v0;
	v40 =	vsel vm13, $0xFFFFFFFF, v0;
	(v2sf) =	vpush v49, $0xF;
	s28 =	spop (v2sf);
	v56, _, _ =	vpop (xrf0);
	(xrf0) =	vadd.scan.msk.s32 $0xffff, v23  }
0xae: {  	v52 =	vld [tilespmem:$0x81A0];
	v12 =	vadd.s32 v36, v49;
	v15 =	vadd.s32 v40, v53;
	s24 =	sadd.s32 s24, s28;
	(v2sf) =	vpush v56, $0xF;
	v58, _, _ =	vpop (xrf0);
	(xrf0) =	vadd.scan.msk.s32 $0xffff, v62  }
0xaf: {  	[tilespmem:$0x81B0] =	vst v9;
	v55 =	vadd.s32 s24, v16;
	v16 =	vbroadcast v56, $0xF;
	v9 =	vadd.s32 v43, v10  }
0xb0: {  	v10 =	vnsel vm5, $0x0, v55;
	(v2sf) =	vpush v58, $0xF;
	vm5 =	veq.s32 v54, $0x5;
	v61, _, _ =	vpop (xrf0)  }
0xb1: {  	v59 =	vld [tilespmem:$0x81B0];
	[tilespmem:$0x8200] =	vst v22;
	v47 =	vsel vm12, $0xFFFFFFFF, v0;
	s29 =	spop (v2sf);
	v28 =	vsel vm5, $0x1, v0;
	(v2sf) =	vpush v61, $0xF;
	v33, _, _ =	vpop (xrf0)  }
0xb2: {  	v26 =	vld [tilespmem:$0x8200];
	v43 =	vsel vm8, $0x1, v0;
	v56 =	vsel vm10, $0xFFFFFFFF, v0;
	s30 =	spop (v2sf);
	(xrf0) =	vadd.scan.msk.s32 $0xffff, v28;
	(v2sf) =	vpush v33, $0xF  }
0xb3: {  	v37 =	vld [tilespmem:$0x8010];
	v11 =	vadd.s32 v52, v10;
	v10 =	vadd.s32 v60, v29;
	v29 =	vsel vm14, $0xFFFFFFFF, v0;
	s24 =	sadd.s32 s24, s29;
	v25, _, _ =	vpop (xrf0)  }
0xb4: {  	v55 =	vld [tilespmem:$0x8090];
	v32 =	vadd.s32 v29, v39;
	v10 =	vadd.s32 s24, v10;
	s24 =	sadd.s32 s24, s30;
	s31 =	spop (v2sf);
	(v2sf) =	vpush v25, $0xF;
	v38, _, _ =	vpop (xrf0)  }
0xb5: {  	[tilespmem:$0x8210] =	vst v6;
	v48 =	vld [tilespmem:$0x8080];
	v39 =	vsel vm0, $0x1, v0;
	v31 =	vadd.s32 s24, v14;
	s26 =	spop (v2sf);
	(v2sf) =	vpush v38, $0xF  }
0xb6: {  	v63 =	vsel vm5, $0xFFFFFFFF, v0;
	(xrf0) =	vadd.scan.msk.s32 $0xffff, v39;
	v14 =	vnsel vm2, $0x0, v31;
	vm2 =	vcmask $0x171C  }
0xb7: {  	v28 =	vld [tilespmem:$0x8020];
	v53 =	vadd.s32 v51, v33;
	v10 =	vnsel vm4, $0x0, v10;
	s24 =	sadd.s32 s24, s31;
	(xrf0) =	vadd.scan.msk.s32 $0xffff, v27;
	v42 =	vsel vm2, $0x0, v4  }
0xb8: {  	v13 =	vadd.s32 v59, v10;
	v34 =	vadd.s32 s24, v32;
	vm2 =	veq.s32 v37, $0x6;
	(xrf0) =	vadd.scan.msk.s32 $0xffff, v42;
	v41, _, _ =	vpop (xrf0)  }
0xb9: {  	vm4 =	veq.s32 v55, $0x6;
	v55 =	vld [tilespmem:$0x8210];
	v19 =	vsel vm2, $0x1, v0;
	(xrf0) =	vadd.scan.msk.s32 $0xffff, v43;
	(v2sf) =	vpush v41, $0xF  }
0xba: {  	v45 =	vld [tilespmem:$0x8030];
	v10 =	vnsel vm14, $0x0, v34;
	v17 =	vadd.s32 v26, v14;
	vm14 =	veq.s32 v48, $0x6;
	(xrf0) =	vadd.scan.msk.s32 $0xffff, v19  }
0xbb: {  	v31 =	vsel vm4, $0x1, v0;
	v34 =	vsel vm15, $0xFFFFFFFF, v0;
	v57 =	vsel vm14, $0x1, v0  }
0xbc: {  	v48 =	vsel vm2, $0xFFFFFFFF, v0;
	vm11 =	veq.s32 v28, $0x6;
	v21 =	vadd.s32 v56, v25;
	s24 =	sadd.s32 s24, s26;
	v46, _, _ =	vpop (xrf0)  }
0xbd: {  	[tilespmem:$0x8180] =	vst v7;
	v49 =	vsel vm11, $0x1, v0;
	v23 =	vadd.s32 v63, v41;
	v12 =	vadd.s32 s24, v12;
	s28 =	spop (v2sf);
	v52, _, _ =	vpop (xrf0)  }
0xbe: {  	(xrf0) =	vadd.scan.msk.s32 $0xffff, v49;
	v7 =	vadd.s32 v55, v10;
	(v2sf) =	vpush v46, $0xF;
	v12 =	vnsel vm7, $0x0, v12;
	s24 =	sadd.s32 s24, s28;
	s29 =	spop (v2sf);
	v54, _, _ =	vpop (xrf0)  }
0xbf: {  	v32 =	vld [tilespmem:$0x80B0];
	vm7 =	veq.s32 v45, $0x6;
	v15 =	vadd.s32 s24, v15;
	v29, _, _ =	vpop (xrf0);
	s30 =	spop (v2sf);
	(v2sf) =	vpush v54, $0xF  }
0xc0: {  	v19 =	vsel vm7, $0x1, v0;
	v14 =	vnsel vm13, $0x0, v15;
	v30, _, _ =	vpop (xrf0);
	s31 =	spop (v2sf);
	(v2sf) =	vpush v29, $0xF  }
0xc1: {  	v15 =	vadd.s32 v44, v16;
	v16 =	vadd.s32 v47, v61;
	s24 =	sadd.s32 s29, s30;
	s26 =	spop (v2sf);
	(v2sf) =	vpush v30, $0xF  }
0xc2: {  	v59 =	vld [tilespmem:$0x80A0];
	v43 =	vadd.s32 v34, v52;
	v56 =	vsel vm7, $0xFFFFFFFF, v0;
	(xrf0) =	vadd.scan.msk.s32 $0xffff, v19;
	v50 =	vadd.s32 s24, v16;
	s24 =	sadd.s32 s24, s31  }
0xc3: {  	v15 =	vadd.s32 v58, v15;
	v58 =	vsel vm3, $0xFFFFFFFF, v0;
	(xrf0) =	vadd.scan.msk.s32 $0xffff, v57;
	v18 =	vadd.s32 s24, v53;
	s24 =	sadd.s32 s24, s26;
	s28 =	spop (v2sf)  }
0xc4: {  	vm13 =	veq.s32 v32, $0x6;
	v61 =	vadd.s32 v58, v38;
	v62, _, _ =	vpop (xrf0);
	v60 =	vadd.s32 s24, v21;
	s24 =	sadd.s32 s24, s28;
	s29 =	spop (v2sf)  }
0xc5: {  	v27 =	vbroadcast v54, $0xF;
	(v2sf) =	vpush v62, $0xF;
	v36 =	vadd.s32 s24, v61;
	s24 =	sadd.s32 s24, s29  }
0xc6: {  	v47 =	vsel vm8, $0xFFFFFFFF, v0;
	v44 =	vsel vm13, $0x1, v0;
	v37 =	vadd.s32 s24, v23  }
0xc7: {  	v39 =	vld [tilespmem:$0x8000];
	v54 =	vsel vm11, $0xFFFFFFFF, v0;
	(xrf0) =	vadd.scan.msk.s32 $0xffff, v31;
	v19 =	vnsel vm5, $0x0, v37;
	vm5 =	veq.s32 v59, $0x6  }
0xc8: {  	v33 =	vld [tilespmem:$0x8010];
	v38 =	vsel vm0, $0xFFFFFFFF, v0;
	v27 =	vadd.s32 v47, v27;
	v40, _, _ =	vpop (xrf0);
	s30 =	spop (v2sf);
	v42 =	vsel vm5, $0x1, v0  }
0xc9: {  	v51 =	vadd.s32 v48, v30;
	v16 =	vnsel vm9, $0x0, v15;
	v41, _, _ =	vpop (xrf0);
	s24 =	sadd.s32 s24, s30;
	v23 =	vadd.s32 v38, v46;
	(xrf0) =	vadd.scan.msk.s32 $0xffff, v42  }
0xca: {  	[tilespmem:$0x8230] =	vst v8;
	v8 =	vadd.s32 v54, v62;
	v15 =	vnsel vm12, $0x0, v50;
	v53 =	vld [tilespmem:$0x8080];
	v23 =	vadd.s32 s24, v23  }
0xcb: {  	[tilespmem:$0x8220] =	vst v5;
	(v2sf) =	vpush v40, $0xF;
	v46 =	vld [tilespmem:$0x8020];
	v6 =	vnsel vm0, $0x0, v23;
	vm0 =	vcmask $0x1B20  }
0xcc: {  	vm12 =	veq.s32 v39, $0x7;
	(v2sf) =	vpush v41, $0xF;
	v4 =	vsel vm0, $0x0, v4;
	(xrf0) =	vadd.scan.msk.s32 $0xffff, v44  }
0xcd: {  	v57 =	vld [tilespmem:$0x8090];
	v20 =	vnsel vm10, $0x0, v60;
	vm10 =	veq.s32 v33, $0x7;
	v45, _, _ =	vpop (xrf0);
	s31 =	spop (v2sf);
	(xrf0) =	vadd.scan.msk.s32 $0xffff, v4;
	v4 =	vsel vm12, $0x1, v0  }
0xce: {  	v50 =	vld [tilespmem:$0x8030];
	v39 =	vsel vm4, $0xFFFFFFFF, v0;
	v18 =	vnsel vm6, $0x0, v18;
	v49 =	vsel vm10, $0x1, v0;
	s24 =	sadd.s32 s24, s31;
	s26 =	spop (v2sf);
	(xrf0) =	vadd.scan.msk.s32 $0xffff, v4  }
0xcf: {  	v60 =	vld [tilespmem:$0x8220];
	vm6 =	veq.s32 v53, $0x7;
	(v2sf) =	vpush v45, $0xF;
	v23 =	vadd.s32 s24, v43;
	s28 =	spop (v2sf);
	v52, _, _ =	vpop (xrf0);
	(xrf0) =	vadd.scan.msk.s32 $0xffff, v49  }
0xd0: {  	[tilespmem:$0x8190] =	vst v9;
	v5 =	vnsel vm15, $0x0, v23;
	vm15 =	veq.s32 v46, $0x7;
	s29 =	spop (v2sf);
	(v2sf) =	vpush v52, $0xF  }
0xd1: {  	[tilespmem:$0x81A0] =	vst v11;
	v58 =	vadd.s32 v56, v40;
	v63 =	vsel vm6, $0x1, v0;
	v38 =	vld [tilespmem:$0x8190];
	v25 =	vsel vm15, $0x1, v0;
	s24 =	sadd.s32 s26, s28  }
0xd2: {  	v21 =	vnsel vm3, $0x0, v36;
	vm3 =	veq.s32 v57, $0x7;
	v59 =	vld [tilespmem:$0x80A0];
	v23 =	vadd.s32 s24, v51;
	v22, _, _ =	vpop (xrf0);
	(xrf0) =	vadd.scan.msk.s32 $0xffff, v25  }
0xd3: {  	[tilespmem:$0x81B0] =	vst v13;
	v62 =	vld [tilespmem:$0x8230];
	v37 =	vsel vm14, $0xFFFFFFFF, v0;
	v23 =	vnsel vm2, $0x0, v23;
	vm2 =	veq.s32 v50, $0x7;
	v32, _, _ =	vpop (xrf0)  }
0xd4: {  	[tilespmem:$0x8200] =	vst v17;
	v40 =	vld [tilespmem:$0x81A0];
	v47 =	vadd.s32 v60, v12;
	v26 =	vadd.s32 v37, v41;
	s24 =	sadd.s32 s24, s29;
	v61 =	vsel vm2, $0x1, v0;
	v24, _, _ =	vpop (xrf0);
	s30 =	spop (v2sf)  }
0xd5: {  	v36 =	vld [tilespmem:$0x8180];
	v41 =	vadd.s32 v39, v45;
	v43 =	vsel vm3, $0x1, v0;
	v8 =	vadd.s32 s24, v8;
	s24 =	sadd.s32 s24, s30;
	v33, _, _ =	vpop (xrf0);
	(xrf0) =	vadd.scan.msk.s32 $0xffff, v61  }
0xd6: {  	v48 =	vsel vm5, $0xFFFFFFFF, v0;
	v37 =	vsel vm10, $0xFFFFFFFF, v0;
	v44 =	vld [tilespmem:$0x81B0];
	v9 =	vadd.s32 s24, v58;
	(xrf0) =	vadd.scan.msk.s32 $0xffff, v63  }
0xd7: {  	[tilespmem:$0x8210] =	vst v7;
	v46 =	vld [tilespmem:$0x8200];
	v53 =	vadd.s32 v38, v15;
	v9 =	vnsel vm7, $0x0, v9;
	vm7 =	veq.s32 v59, $0x7  }
0xd8: {  	v38 =	vld [tilespmem:$0x80B0];
	v4 =	vadd.s32 v29, v27;
	(v2sf) =	vpush v32, $0xF;
	v42, _, _ =	vpop (xrf0);
	(xrf0) =	vadd.scan.msk.s32 $0xffff, v43;
	v45 =	vsel vm7, $0x1, v0  }
0xd9: {  	v54 =	vadd.s32 v40, v18;
	v4 =	vnsel vm8, $0x0, v4;
	(v2sf) =	vpush v24, $0xF;
	(xrf0) =	vadd.scan.msk.s32 $0xffff, v45  }
0xda: {  	[tilespmem:$0x8220] =	vst v47;
	v51 =	vadd.s32 v36, v16;
	v49 =	vadd.s32 v62, v14;
	v50 =	vld [tilespmem:$0x8210];
	s31 =	spop (v2sf);
	(v2sf) =	vpush v33, $0xF  }
0xdb: {  	v57 =	vadd.s32 v44, v20;
	v11 =	vadd.s32 v48, v52;
	[tilespmem:$0x8230] =	vst v49;
	v52 =	vld [tilespmem:$0x8220];
	s26 =	spop (v2sf);
	(v2sf) =	vpush v42, $0xF;
	v31, _, _ =	vpop (xrf0)  }
0xdc: {  	[tilespmem:$0x8190] =	vst v53;
	v8 =	vnsel vm11, $0x0, v8;
	v10 =	vadd.s32 v46, v21;
	v55 =	vld [tilespmem:$0x8230];
	v12, _, _ =	vpop (xrf0);
	(v2sf) =	vpush v31, $0xF  }
0xdd: {  	v60 =	vld [tilespmem:$0x8190];
	[tilespmem:$0x8180] =	vst v51;
	vm0 =	veq.s32 v38, $0x7;
	v47 =	vsel vm2, $0xFFFFFFFF, v0;
	(v2sf) =	vpush v12, $0xF  }
0xde: {  	[tilespmem:$0x81B0] =	vst v57;
	v16 =	vsel vm0, $0x1, v0;
	v58 =	vld [tilespmem:$0x8180];
	v61 =	vbroadcast v32, $0xF;
	s28 =	spop (v2sf);
	v59 =	vsel vm13, $0xFFFFFFFF, v0;
	v56, _, _ =	vpop (xrf0)  }
0xdf: {  	[tilespmem:$0x81A0] =	vst v54;
	v35 =	vld [tilespmem:$0x81B0];
	v32 =	vadd.s32 v50, v19;
	v20 =	vadd.s32 v59, v22;
	v22, _, _ =	vpop (xrf0);
	s29 =	spop (v2sf);
	(v2sf) =	vpush v56, $0xF  }
0xe0: {  	v62 =	vld [tilespmem:$0x81A0];
	[tilespmem:$0x8200] =	vst v10;
	s24 =	sadd.s32 s24, s31;
	v6 =	vadd.s32 v52, v6;
	v52 =	vsel vm6, $0xFFFFFFFF, v0;
	(v2sf) =	vpush v22, $0xF  }
0xe1: {  	v40 =	vld [tilespmem:$0x8200];
	v26 =	vadd.s32 s24, v26;
	v63 =	vsel vm12, $0xFFFFFFFF, v0;
	[tilespmem:$0x8210] =	vst v32;
	v5 =	vadd.s32 v55, v5  }
0xe2: {  	s24 =	sadd.s32 s24, s26;
	v39 =	vadd.s32 v37, v33;
	v55 =	vsel vm3, $0xFFFFFFFF, v0;
	v26 =	vnsel vm14, $0x0, v26;
	[tilespmem:$0x8230] =	vst v5;
	v5 =	vld [tilespmem:$0x8210]  }
0xe3: {  	[tilespmem:$0x8220] =	vst v6;
	v25 =	vadd.s32 s24, v41;
	v34 =	vadd.s32 v63, v61;
	v4 =	vadd.s32 v58, v4  }
0xe4: {  	s24 =	sadd.s32 s24, s28;
	v41 =	vsel vm15, $0xFFFFFFFF, v0;
	v43 =	vld [tilespmem:$0x8220];
	v44 =	vadd.s32 v35, v9;
	[tilespmem:$0x8180] =	vst v4;
	v4 =	vadd.s32 v60, v23  }
0xe5: {  	v25 =	vnsel vm4, $0x0, v25;
	v11 =	vadd.s32 s24, v11;
	[tilespmem:$0x8190] =	vst v4;
	v4 =	vadd.s32 v62, v8  }
0xe6: {  	v36 =	vadd.s32 v24, v34;
	v42 =	vadd.s32 v41, v42;
	v48 =	vadd.s32 v40, v26;
	[tilespmem:$0x81A0] =	vst v4;
	v4 =	vld [tilespmem:$0x8180]  }
0xe7: {  	v45 =	vld [tilespmem:$0x8230];
	[tilespmem:$0x81B0] =	vst v44;
	v11 =	vnsel vm5, $0x0, v11;
	v10 =	vnsel vm12, $0x0, v36;
	v5 =	vadd.s32 v5, v25;
	s30 =	spop (v2sf)  }
0xe8: {  	v60 =	vsel vm7, $0xFFFFFFFF, v0;
	v13 =	vadd.s32 v47, v31;
	v62 =	vsel vm0, $0xFFFFFFFF, v0;
	v49 =	vld [tilespmem:$0x8190];
	[tilespmem:$0x8210] =	vst v5;
	s24 =	sadd.s32 s24, s29;
	s31 =	spop (v2sf)  }
0xe9: {  	v5 =	vadd.s32 v43, v11;
	v53 =	vadd.s32 v52, v12;
	(xrf0) =	vadd.scan.msk.s32 $0xffff, v16;
	v50 =	vld [tilespmem:$0x81A0];
	v20 =	vadd.s32 s24, v20;
	s24 =	sadd.s32 s30, s31;
	s26 =	spop (v2sf)  }
0xea: {  	[tilespmem:$0x8200] =	vst v48;
	v51 =	vld [tilespmem:$0x81B0];
	v56 =	vadd.s32 v55, v56;
	v7 =	vadd.s32 v60, v22;
	v6 =	vadd.s32 s24, v39;
	s24 =	sadd.s32 s24, s26;
	s28 =	spop (v2sf)  }
0xeb: {  	v54 =	vld [tilespmem:$0x8200];
	[tilespmem:$0x8220] =	vst v5;
	v20 =	vnsel vm13, $0x0, v20;
	v4 =	vadd.s32 v4, v10;
	v46 =	vadd.s32 s24, v42;
	s24 =	sadd.s32 s24, s28;
	s29 =	spop (v2sf)  }
0xec: {  	v57 =	vld [tilespmem:$0x8210];
	v5 =	vadd.s32 v45, v20;
	[tilespmem:$0x8180] =	vst v4;
	v6 =	vnsel vm10, $0x0, v6;
	v13 =	vadd.s32 s24, v13;
	s24 =	sadd.s32 s24, s29;
	s30 =	spop (v2sf)  }
0xed: {  	v59 =	vld [tilespmem:$0x8220];
	[tilespmem:$0x8230] =	vst v5;
	v4 =	vadd.s32 v49, v6;
	v9 =	vnsel vm15, $0x0, v46;
	v5 =	vadd.s32 s24, v53;
	s24 =	sadd.s32 s24, s30  }
0xee: {  	v61 =	vld [tilespmem:$0x8230];
	[tilespmem:$0x8190] =	vst v4;
	v13 =	vnsel vm2, $0x0, v13;
	v4 =	vadd.s32 v50, v9;
	v58 =	vadd.s32 s24, v56;
	s31 =	spop (v2sf)  }
0xef: {  	v63, _, _ =	vpop (xrf0);
	[tilespmem:$0x81A0] =	vst v4;
	v4 =	vadd.s32 v51, v13;
	v5 =	vnsel vm6, $0x0, v5;
	v6 =	vnsel vm3, $0x0, v58;
	s24 =	sadd.s32 s24, s31;
	s26 =	spop (v2sf)  }
0xf0: {  	[tilespmem:$0x81B0] =	vst v4;
	v4 =	vadd.s32 v54, v5;
	v5 =	vadd.s32 v62, v63;
	v7 =	vadd.s32 s24, v7;
	s24 =	sadd.s32 s24, s26  }
0xf1: {  	[tilespmem:$0x8200] =	vst v4;
	v4 =	vadd.s32 v57, v6;
	v7 =	vnsel vm7, $0x0, v7;
	v5 =	vadd.s32 s24, v5  }
0xf2: {  	[tilespmem:$0x8210] =	vst v4;
	v4 =	vadd.s32 v59, v7;
	v5 =	vnsel vm0, $0x0, v5  }
0xf3: {  	s28 =	rddreg [dreg:$0x7];
	[tilespmem:$0x8220] =	vst v4;
	v4 =	vadd.s32 v61, v5  }
0xf4: {  	s29 =	rddreg [dreg:$0xc];
	[tilespmem:$0x8230] =	vst v4  }
0xf5: {  	[hbm4b:s28+s2] =	stream.linear.scatter [tilespmem:s29], [sflag:$0x3], $0x40, $0x38;
	[tilespmem:$0x8280] =	vst v63  }
0xf6: {  	_ =	swait.ge [sflag:s6], $0x40  }
0xf7: {  	s30 =	rddreg [dreg:$0x8];
	[sflag:s6] =	ssyncset.done $0x0  }
0xf8: {  	s31 =	rddreg [dreg:$0xd];
	[sflag:s6] =	ssyncadd.s32 $0xFFFFFFC0  }
0xf9: {  	[hbm4b:s30+s2] =	stream.linear.scatter [tilespmem:s31], [sflag:$0x3], $0x40, $0x38;
	[tilespmem:$0x8280] =	vst v63  }
0xfa: {  	_ =	swait.ge [sflag:s6], $0x40  }
0xfb: {  	[sflag:s6] =	ssyncset.done $0x0  }
0xfc: {  	[sflag:s6] =	ssyncadd.s32 $0xFFFFFFC0  }
0xfd: {  	v4 =	vld [tilespmem:$0x8180];
	_ =	sdelay $0x4  }
0xfe: {  	v5 =	vshll.u32 v4, $0x2  }
0xff: {  	v4 =	vand.u32 $0x7, v4;
	v5 =	vand.u32 $0xFFFFFFE0, v5  }
0x100: {  	v4 =	vor.u32 v4, v5  }
0x101: {  	v5 =	vperm.xlane v4, v1;
	_ =	sdelay $0x1  }
0x102: {  	v5 =	vadd.s32 v2, v5;
	_ =	sdelay $0x1  }
0x103: {  	v4 =	vperm.xlane v4, v3;
	_ =	sdelay $0x1  }
0x104: {  	v4 =	vadd.s32 v2, v4  }
0x105: {  	[hbm4b:s3+s2] =	stream.indirect_vreg.scatter [tilespmem:s2], [sflag:$0x1], $0x80, v5, vm1, $0xb8;
	[tilespmem:$0x8280] =	vst v63  }
0x106: {  	_ = 	snop  }
0x107: {  	[hbm4b:s4+s2] =	stream.indirect_vreg.scatter [tilespmem:s7], [sflag:$0x1], $0x80, v5, vm1, $0xb8;
	[tilespmem:$0x8280] =	vst v63  }
0x108: {  	_ = 	snop  }
0x109: {  	[hbm4b:s3+s2] =	stream.indirect_vreg.scatter [tilespmem:s8], [sflag:$0x1], $0x80, v4, vm1, $0xb8;
	[tilespmem:$0x8280] =	vst v63  }
0x10a: {  	_ = 	snop  }
0x10b: {  	[hbm4b:s4+s2] =	stream.indirect_vreg.scatter [tilespmem:s9], [sflag:$0x1], $0x80, v4, vm1, $0xb8;
	[tilespmem:$0x8280] =	vst v63  }
0x10c: {  	v4 =	vld [tilespmem:$0x8190];
	_ =	sdelay $0x4  }
0x10d: {  	v5 =	vshll.u32 v4, $0x2  }
0x10e: {  	v4 =	vand.u32 $0x7, v4;
	v5 =	vand.u32 $0xFFFFFFE0, v5  }
0x10f: {  	v4 =	vor.u32 v4, v5  }
0x110: {  	v5 =	vperm.xlane v4, v1;
	_ =	sdelay $0x1  }
0x111: {  	v5 =	vadd.s32 v2, v5;
	_ =	sdelay $0x1  }
0x112: {  	v4 =	vperm.xlane v4, v3;
	_ =	sdelay $0x1  }
0x113: {  	v4 =	vadd.s32 v2, v4  }
0x114: {  	[hbm4b:s3+s2] =	stream.indirect_vreg.scatter [tilespmem:s10], [sflag:$0x1], $0x80, v5, vm1, $0xb8;
	[tilespmem:$0x8280] =	vst v63  }
0x115: {  	_ = 	snop  }
0x116: {  	[hbm4b:s4+s2] =	stream.indirect_vreg.scatter [tilespmem:s11], [sflag:$0x1], $0x80, v5, vm1, $0xb8;
	[tilespmem:$0x8280] =	vst v63  }
0x117: {  	_ = 	snop  }
0x118: {  	[hbm4b:s3+s2] =	stream.indirect_vreg.scatter [tilespmem:s12], [sflag:$0x1], $0x80, v4, vm1, $0xb8;
	[tilespmem:$0x8280] =	vst v63  }
0x119: {  	_ = 	snop  }
0x11a: {  	[hbm4b:s4+s2] =	stream.indirect_vreg.scatter [tilespmem:s13], [sflag:$0x1], $0x80, v4, vm1, $0xb8;
	[tilespmem:$0x8280] =	vst v63  }
0x11b: {  	v4 =	vld [tilespmem:$0x81A0];
	_ =	sdelay $0x4  }
0x11c: {  	v5 =	vshll.u32 v4, $0x2  }
0x11d: {  	v4 =	vand.u32 $0x7, v4;
	v5 =	vand.u32 $0xFFFFFFE0, v5  }
0x11e: {  	v4 =	vor.u32 v4, v5  }
0x11f: {  	v5 =	vperm.xlane v4, v1;
	_ =	sdelay $0x1  }
0x120: {  	v5 =	vadd.s32 v2, v5;
	_ =	sdelay $0x1  }
0x121: {  	v4 =	vperm.xlane v4, v3;
	_ =	sdelay $0x1  }
0x122: {  	v4 =	vadd.s32 v2, v4  }
0x123: {  	[hbm4b:s3+s2] =	stream.indirect_vreg.scatter [tilespmem:s14], [sflag:$0x1], $0x80, v5, vm1, $0xb8;
	[tilespmem:$0x8280] =	vst v63  }
0x124: {  	_ = 	snop  }
0x125: {  	[hbm4b:s4+s2] =	stream.indirect_vreg.scatter [tilespmem:s15], [sflag:$0x1], $0x80, v5, vm1, $0xb8;
	[tilespmem:$0x8280] =	vst v63  }
0x126: {  	_ = 	snop  }
0x127: {  	[hbm4b:s3+s2] =	stream.indirect_vreg.scatter [tilespmem:s16], [sflag:$0x1], $0x80, v4, vm1, $0xb8;
	[tilespmem:$0x8280] =	vst v63  }
0x128: {  	_ = 	snop  }
0x129: {  	[hbm4b:s4+s2] =	stream.indirect_vreg.scatter [tilespmem:s17], [sflag:$0x1], $0x80, v4, vm1, $0xb8;
	[tilespmem:$0x8280] =	vst v63  }
0x12a: {  	v4 =	vld [tilespmem:$0x81B0];
	_ =	sdelay $0x4  }
0x12b: {  	v5 =	vshll.u32 v4, $0x2  }
0x12c: {  	v4 =	vand.u32 $0x7, v4;
	v5 =	vand.u32 $0xFFFFFFE0, v5  }
0x12d: {  	v4 =	vor.u32 v4, v5  }
0x12e: {  	v5 =	vperm.xlane v4, v1;
	_ =	sdelay $0x1  }
0x12f: {  	v5 =	vadd.s32 v2, v5;
	_ =	sdelay $0x1  }
0x130: {  	v4 =	vperm.xlane v4, v3;
	_ =	sdelay $0x1  }
0x131: {  	v4 =	vadd.s32 v2, v4  }
0x132: {  	[hbm4b:s3+s2] =	stream.indirect_vreg.scatter [tilespmem:s18], [sflag:$0x1], $0x80, v5, vm1, $0xb8;
	[tilespmem:$0x8280] =	vst v63  }
0x133: {  	_ = 	snop  }
0x134: {  	[hbm4b:s4+s2] =	stream.indirect_vreg.scatter [tilespmem:s19], [sflag:$0x1], $0x80, v5, vm1, $0xb8;
	[tilespmem:$0x8280] =	vst v63  }
0x135: {  	_ = 	snop  }
0x136: {  	[hbm4b:s3+s2] =	stream.indirect_vreg.scatter [tilespmem:s20], [sflag:$0x1], $0x80, v4, vm1, $0xb8;
	[tilespmem:$0x8280] =	vst v63  }
0x137: {  	_ = 	snop  }
0x138: {  	[hbm4b:s4+s2] =	stream.indirect_vreg.scatter [tilespmem:s21], [sflag:$0x1], $0x80, v4, vm1, $0xb8;
	[tilespmem:$0x8280] =	vst v63  }
0x139: {  	v4 =	vld [tilespmem:$0x8200];
	_ =	sdelay $0x4  }
0x13a: {  	v5 =	vshll.u32 v4, $0x2  }
0x13b: {  	v4 =	vand.u32 $0x7, v4;
	v5 =	vand.u32 $0xFFFFFFE0, v5  }
0x13c: {  	v4 =	vor.u32 v4, v5  }
0x13d: {  	v5 =	vperm.xlane v4, v1;
	_ =	sdelay $0x1  }
0x13e: {  	v5 =	vadd.s32 v2, v5;
	_ =	sdelay $0x1  }
0x13f: {  	v4 =	vperm.xlane v4, v3;
	_ =	sdelay $0x1  }
0x140: {  	v4 =	vadd.s32 v2, v4  }
0x141: {  	[hbm4b:s3+s2] =	stream.indirect_vreg.scatter [tilespmem:s2], [sflag:$0x2], $0x80, v5, vm1, $0xb8;
	[tilespmem:$0x8280] =	vst v63  }
0x142: {  	_ = 	snop  }
0x143: {  	[hbm4b:s4+s2] =	stream.indirect_vreg.scatter [tilespmem:s7], [sflag:$0x2], $0x80, v5, vm1, $0xb8;
	[tilespmem:$0x8280] =	vst v63  }
0x144: {  	_ = 	snop  }
0x145: {  	[hbm4b:s3+s2] =	stream.indirect_vreg.scatter [tilespmem:s8], [sflag:$0x2], $0x80, v4, vm1, $0xb8;
	[tilespmem:$0x8280] =	vst v63  }
0x146: {  	_ = 	snop  }
0x147: {  	[hbm4b:s4+s2] =	stream.indirect_vreg.scatter [tilespmem:s9], [sflag:$0x2], $0x80, v4, vm1, $0xb8;
	[tilespmem:$0x8280] =	vst v63  }
0x148: {  	v4 =	vld [tilespmem:$0x8210];
	_ =	sdelay $0x4  }
0x149: {  	v5 =	vshll.u32 v4, $0x2  }
0x14a: {  	v4 =	vand.u32 $0x7, v4;
	v5 =	vand.u32 $0xFFFFFFE0, v5  }
0x14b: {  	v4 =	vor.u32 v4, v5  }
0x14c: {  	v5 =	vperm.xlane v4, v1;
	_ =	sdelay $0x1  }
0x14d: {  	v5 =	vadd.s32 v2, v5;
	_ =	sdelay $0x1  }
0x14e: {  	v4 =	vperm.xlane v4, v3;
	_ =	sdelay $0x1  }
0x14f: {  	v4 =	vadd.s32 v2, v4  }
0x150: {  	[hbm4b:s3+s2] =	stream.indirect_vreg.scatter [tilespmem:s10], [sflag:$0x2], $0x80, v5, vm1, $0xb8;
	[tilespmem:$0x8280] =	vst v63  }
0x151: {  	_ = 	snop  }
0x152: {  	[hbm4b:s4+s2] =	stream.indirect_vreg.scatter [tilespmem:s11], [sflag:$0x2], $0x80, v5, vm1, $0xb8;
	[tilespmem:$0x8280] =	vst v63  }
0x153: {  	_ = 	snop  }
0x154: {  	[hbm4b:s3+s2] =	stream.indirect_vreg.scatter [tilespmem:s12], [sflag:$0x2], $0x80, v4, vm1, $0xb8;
	[tilespmem:$0x8280] =	vst v63  }
0x155: {  	_ = 	snop  }
0x156: {  	[hbm4b:s4+s2] =	stream.indirect_vreg.scatter [tilespmem:s13], [sflag:$0x2], $0x80, v4, vm1, $0xb8;
	[tilespmem:$0x8280] =	vst v63  }
0x157: {  	v4 =	vld [tilespmem:$0x8220];
	_ =	sdelay $0x4  }
0x158: {  	v5 =	vshll.u32 v4, $0x2  }
0x159: {  	v4 =	vand.u32 $0x7, v4;
	v5 =	vand.u32 $0xFFFFFFE0, v5  }
0x15a: {  	v4 =	vor.u32 v4, v5  }
0x15b: {  	v5 =	vperm.xlane v4, v1;
	_ =	sdelay $0x1  }
0x15c: {  	v5 =	vadd.s32 v2, v5;
	_ =	sdelay $0x1  }
0x15d: {  	v4 =	vperm.xlane v4, v3;
	_ =	sdelay $0x1  }
0x15e: {  	v4 =	vadd.s32 v2, v4  }
0x15f: {  	[hbm4b:s3+s2] =	stream.indirect_vreg.scatter [tilespmem:s14], [sflag:$0x2], $0x80, v5, vm1, $0xb8;
	[tilespmem:$0x8280] =	vst v63  }
0x160: {  	_ = 	snop  }
0x161: {  	[hbm4b:s4+s2] =	stream.indirect_vreg.scatter [tilespmem:s15], [sflag:$0x2], $0x80, v5, vm1, $0xb8;
	[tilespmem:$0x8280] =	vst v63  }
0x162: {  	_ = 	snop  }
0x163: {  	[hbm4b:s3+s2] =	stream.indirect_vreg.scatter [tilespmem:s16], [sflag:$0x2], $0x80, v4, vm1, $0xb8;
	[tilespmem:$0x8280] =	vst v63  }
0x164: {  	_ = 	snop  }
0x165: {  	[hbm4b:s4+s2] =	stream.indirect_vreg.scatter [tilespmem:s17], [sflag:$0x2], $0x80, v4, vm1, $0xb8;
	[tilespmem:$0x8280] =	vst v63  }
0x166: {  	v4 =	vld [tilespmem:$0x8230];
	_ =	sdelay $0x4  }
0x167: {  	v5 =	vshll.u32 v4, $0x2  }
0x168: {  	v4 =	vand.u32 $0x7, v4;
	v5 =	vand.u32 $0xFFFFFFE0, v5  }
0x169: {  	v4 =	vor.u32 v4, v5  }
0x16a: {  	v5 =	vperm.xlane v4, v1;
	_ =	sdelay $0x1  }
0x16b: {  	v5 =	vadd.s32 v2, v5;
	_ =	sdelay $0x1  }
0x16c: {  	v4 =	vperm.xlane v4, v3;
	_ =	sdelay $0x1  }
0x16d: {  	v4 =	vadd.s32 v2, v4  }
0x16e: {  	[hbm4b:s3+s2] =	stream.indirect_vreg.scatter [tilespmem:s18], [sflag:$0x2], $0x80, v5, vm1, $0xb8;
	[tilespmem:$0x8280] =	vst v63  }
0x16f: {  	_ = 	snop  }
0x170: {  	[hbm4b:s4+s2] =	stream.indirect_vreg.scatter [tilespmem:s19], [sflag:$0x2], $0x80, v5, vm1, $0xb8;
	[tilespmem:$0x8280] =	vst v63  }
0x171: {  	_ = 	snop  }
0x172: {  	[hbm4b:s3+s2] =	stream.indirect_vreg.scatter [tilespmem:s20], [sflag:$0x2], $0x80, v4, vm1, $0xb8;
	[tilespmem:$0x8280] =	vst v63  }
0x173: {  	_ = 	snop  }
0x174: {  	[hbm4b:s4+s2] =	stream.indirect_vreg.scatter [tilespmem:s21], [sflag:$0x2], $0x80, v4, vm1, $0xb8;
	[tilespmem:$0x8280] =	vst v63  }
0x175: {  	p0 =	sne.s32 s5, $0x1;
	_ =	swait.ge [sflag:s22], $0x8000  }
.Ltmp0:
0x176: {  	[sflag:s22] =	ssyncset.done $0x0;
	(pc) =	sbr.rel @p0 .LBB2_1-.Ltmp0, $4  }
0x177: {  	[sflag:s22] =	ssyncadd.s32 $0xFFFF8000  }
0x178: {  	_ =	swait.ge [sflag:s23], $0x8000  }
0x179: {  	[sflag:s23] =	ssyncset.done $0x0  }
0x17a: {  	s5 =	sadd.s32 $0xFFFFFFFF, s5;
	[sflag:s23] =	ssyncadd.s32 $0xFFFF8000  }
0x17b: {  	_ =	sfence.sel $0x180000  }
0x17c: {  	[bflag:$0x0] =	sbarrier.arrive $0xFFFF  }
0x17d: {  	p0 =	sne.s32 s0, $0x0;
	_ =	strace $0x90000047  }
0x17e: {  	s0 =	sadd.s32 @!p0 $0x100000, s1;
	[bflag:$0x2] =	sbarrier.arrive $0xFFFF  }
0x17f: {  	[sflag:s0] =	ssyncadd.tile.s32 @!p0 $0x1;
	_ =	shalt  }
.Lfunc_end2:
_tile_overlayer_lowered:
.L_overlay_start_2:
0x180: {  	(tag) =	ssettag $0x2  }
0x181: {  	s0 =	rddreg [dreg:$0x0];
	s2 =	stileid.u32  }
0x182: {  	s1 =	rddreg [dreg:$0x1];
	p0 =	sne.s32 s2, $0x0  }
0x183: {  	s3 =	rddreg [dreg:$0x2];
	[bflag:$0x3] =	sbarrier.arrive $0xFFFF;
	s2 =	simm.s32 @!p0 $0x1C03  }
0x184: {  	[timem:s3], [sflag:s2] =	dma.local @!p0 [hbm:s0], s1  }
0x185: {  	s0 =	simm.s32 @!p0 $0x3  }
0x186: {  	_ =	swait.ge @!p0 [sflag:s0], s1  }
0x187: {  	s1 =	ssub.s32 @!p0 $0x0, s1;
	[sflag:s0] =	ssyncset.done @!p0 $0x0  }
0x188: {  	[sflag:s0] =	ssyncadd.s32 @!p0 s1  }
0x189: {  	[bflag:$0x3] =	sbarrier.arrive $0xFFFF  }
0x18a: {  	_ =	shalt  }

</sc_bundles>
